<compile_context>
chip_gen: v7x
topology: tpu7x:2x2x1
jax: 0.10.2.dev20260603
libtpu: 0.0.44.dev20260713+nightly
codegen_flags: <defaults>
</compile_context>

<pallas_src>
import dataclasses
import functools

import jax
import jax.numpy as jnp
from jax import lax
from jax.experimental import pallas as pl
from jax.experimental.pallas import tpu as pltpu
from jax.experimental.pallas import tpu_sc as plsc

N = 10000
E = 320000
HID = 128
B = 1024

NP = 10112
ROWS_PER_TILE = NP // 16
CHUNK = 128
EP = 327680
NCHUNKS = EP // CHUNK
CHUNKS_PER_WORKER = NCHUNKS // 32
IDX_BATCH = 40
SLABS = (128, 128, 128, 128, ROWS_PER_TILE - 4 * 128)


def _leaky(v):
    return jnp.where(v >= 0, v, 0.1 * v)



def _mlp_bn_body(nf, w, b, g, be, out):
    h = jnp.dot(nf[...], w[...], preferred_element_type=jnp.float32) + b[...]
    h = _leaky(h)
    mu = jnp.mean(h, axis=0, keepdims=True)
    var = jnp.mean((h - mu) ** 2, axis=0, keepdims=True)
    out[...] = (h - mu) * lax.rsqrt(var + 1e-5) * g[...] + be[...]


def _sage_body(hin, accp, deg_t, ws, wn, b, out):
    acc = accp[0] + accp[1]
    deg = jnp.sum(deg_t[...], axis=1, keepdims=True)
    inv = 1.0 / jnp.maximum(deg, 1.0)
    aggm = (acc * inv)[:N]
    out[...] = _leaky(
        jnp.dot(hin[...], ws[...], preferred_element_type=jnp.float32)
        + jnp.dot(aggm, wn[...], preferred_element_type=jnp.float32)
        + b[...])


def _pred_body(embed, xg, wp, bp, xp_out, loss_out):
    e = _leaky(embed[...])
    xp = jnp.dot(e, wp[...], preferred_element_type=jnp.float32) + bp[...]
    xp_out[...] = xp
    d = xp - xg[...]
    loss_out[...] = jnp.mean(d * d).reshape(1, 1)


def _tc_call(body, out_shapes):
    return pl.pallas_call(body, out_shape=out_shapes)



def _agg_body(h_hbm, src_hbm, dst_hbm, out_hbm, acc_sh, idx_s, idx_d,
              rows, rows2, sem, sem2):
    cid = lax.axis_index("c")
    sid = lax.axis_index("s")
    rbase = sid * ROWS_PER_TILE

    @pl.loop(0, CHUNK)
    def _(r):
        for k in range(HID // 16):
            rows[r, pl.ds(k * 16, 16)] = jnp.zeros((16,), jnp.float32)

    off = 0
    for sz in SLABS:
        pltpu.sync_copy(rows.at[pl.ds(0, sz)],
                        acc_sh.at[pl.ds(rbase + off, sz)])
        off += sz

    plsc.subcore_barrier()

    cbase = (cid * 16 + sid) * CHUNKS_PER_WORKER

    @pl.loop(0, CHUNKS_PER_WORKER // IDX_BATCH)
    def _(g):
        pltpu.sync_copy(src_hbm.at[pl.ds(cbase + g * IDX_BATCH, IDX_BATCH)], idx_s)
        pltpu.sync_copy(dst_hbm.at[pl.ds(cbase + g * IDX_BATCH, IDX_BATCH)], idx_d)

        pltpu.async_copy(h_hbm.at[idx_s.at[0]], rows, sem)

        @pl.loop(0, IDX_BATCH // 2 - 1)
        def _(p):
            pltpu.async_copy(h_hbm.at[idx_s.at[2 * p + 1]], rows2, sem2)
            pltpu.make_async_copy(h_hbm.at[idx_s.at[2 * p]], rows, sem).wait()
            pltpu.sync_copy(rows, acc_sh.at[idx_d.at[2 * p]], add=True)
            pltpu.async_copy(h_hbm.at[idx_s.at[2 * p + 2]], rows, sem)
            pltpu.make_async_copy(h_hbm.at[idx_s.at[2 * p + 1]], rows2, sem2).wait()
            pltpu.sync_copy(rows2, acc_sh.at[idx_d.at[2 * p + 1]], add=True)

        pltpu.async_copy(h_hbm.at[idx_s.at[IDX_BATCH - 1]], rows2, sem2)
        pltpu.make_async_copy(h_hbm.at[idx_s.at[IDX_BATCH - 2]], rows, sem).wait()
        pltpu.sync_copy(rows, acc_sh.at[idx_d.at[IDX_BATCH - 2]], add=True)
        pltpu.make_async_copy(h_hbm.at[idx_s.at[IDX_BATCH - 1]], rows2, sem2).wait()
        pltpu.sync_copy(rows2, acc_sh.at[idx_d.at[IDX_BATCH - 1]], add=True)

    plsc.subcore_barrier()

    off = 0
    for sz in SLABS:
        pltpu.sync_copy(acc_sh.at[pl.ds(rbase + off, sz)],
                        rows.at[pl.ds(0, sz)])
        pltpu.sync_copy(rows.at[pl.ds(0, sz)],
                        out_hbm.at[cid, pl.ds(rbase + off, sz)])
        off += sz


def _sc_aggregate(h, src2d, dst2d):
    mesh = plsc.VectorSubcoreMesh(core_axis_name="c", subcore_axis_name="s")
    call = pl.kernel(
        _agg_body,
        out_type=jax.ShapeDtypeStruct((2, NP, HID), jnp.float32),
        mesh=mesh,
        scratch_types=[
            pltpu.VMEM_SHARED((NP, HID), jnp.float32),
            pltpu.VMEM((IDX_BATCH, CHUNK), jnp.int32),
            pltpu.VMEM((IDX_BATCH, CHUNK), jnp.int32),
            pltpu.VMEM((CHUNK, HID), jnp.float32),
            pltpu.VMEM((CHUNK, HID), jnp.float32),
            pltpu.SemaphoreType.DMA,
            pltpu.SemaphoreType.DMA,
        ],
    )
    return call(h, src2d, dst2d)


def _deg_body(dst_hbm, out_hbm, ldeg, idx_d):
    cid = lax.axis_index("c")
    sid = lax.axis_index("s")
    wid = cid * 16 + sid

    @pl.loop(0, NP // 16)
    def _(i):
        ldeg[pl.ds(i * 16, 16)] = jnp.zeros((16,), jnp.float32)

    cbase = wid * CHUNKS_PER_WORKER
    ones16 = jnp.ones((16,), jnp.float32)

    @pl.loop(0, CHUNKS_PER_WORKER // IDX_BATCH)
    def _(g):
        pltpu.sync_copy(dst_hbm.at[pl.ds(cbase + g * IDX_BATCH, IDX_BATCH)], idx_d)

        @pl.loop(0, IDX_BATCH)
        def _(j):
            for k in range(CHUNK // 16):
                iv = idx_d[j, pl.ds(k * 16, 16)]
                plsc.addupdate_scatter(ldeg, [iv], ones16)

    pltpu.sync_copy(ldeg, out_hbm.at[pl.ds(wid * NP, NP)])


def _no_layout_params():
    cp = pltpu.CompilerParams()
    if "needs_layout_passes" in pltpu.CompilerParams.__dataclass_fields__:
        cp = dataclasses.replace(cp, needs_layout_passes=False)
    return cp


def _sc_degree(dst2d):
    mesh = plsc.VectorSubcoreMesh(core_axis_name="c", subcore_axis_name="s")
    call = pl.kernel(
        _deg_body,
        out_type=jax.ShapeDtypeStruct((32 * NP,), jnp.float32),
        mesh=mesh,
        compiler_params=_no_layout_params(),
        scratch_types=[
            pltpu.VMEM((NP,), jnp.float32),
            pltpu.VMEM((IDX_BATCH, CHUNK), jnp.int32),
        ],
    )
    return call(dst2d)


def _tgt_gather_body(h2_hbm, x_hbm, tgt_hbm, emb_hbm, xg_hbm, tidx, buf, sem):
    cid = lax.axis_index("c")
    sid = lax.axis_index("s")
    wid = sid * 2 + cid
    pltpu.sync_copy(tgt_hbm, tidx)
    pltpu.async_copy(h2_hbm.at[tidx.at[wid]], buf, sem).wait()
    pltpu.sync_copy(buf, emb_hbm.at[pl.ds(wid * 32, 32)])
    pltpu.async_copy(x_hbm.at[tidx.at[wid]], buf, sem).wait()
    pltpu.sync_copy(buf, xg_hbm.at[pl.ds(wid * 32, 32)])


def _sc_tgt_gather(h2, x, tgt2d):
    mesh = plsc.VectorSubcoreMesh(core_axis_name="c", subcore_axis_name="s")
    call = pl.kernel(
        _tgt_gather_body,
        out_type=(jax.ShapeDtypeStruct((B, HID), jnp.float32),
                  jax.ShapeDtypeStruct((B, HID), jnp.float32)),
        mesh=mesh,
        scratch_types=[
            pltpu.VMEM((32, 32), jnp.int32),
            pltpu.VMEM((32, HID), jnp.float32),
            pltpu.SemaphoreType.DMA,
        ],
    )
    return call(h2, x, tgt2d)



def kernel(tgt_id, node_feat, x, edge_index, W_mlp, b_mlp, bn_gamma, bn_beta,
           W_self1, W_neigh1, b1, W_self2, W_neigh2, b2, W_pred, b_pred):
    f32 = jnp.float32
    tgt2d = tgt_id.astype(jnp.int32).reshape(32, 32)
    src = edge_index[0].astype(jnp.int32)
    dst = edge_index[1].astype(jnp.int32)
    pad_i = jnp.arange(EP - E, dtype=jnp.int32)
    src2d = jnp.concatenate([src, pad_i % N]).reshape(NCHUNKS, CHUNK)
    dst2d = jnp.concatenate([dst, pad_i % (NP - N) + N]).reshape(NCHUNKS, CHUNK)

    b_mlp2 = b_mlp.reshape(1, HID)
    g2 = bn_gamma.reshape(1, HID)
    be2 = bn_beta.reshape(1, HID)
    b1_2 = b1.reshape(1, HID)
    b2_2 = b2.reshape(1, HID)
    bp2 = b_pred.reshape(1, HID)

    deg_t = _sc_degree(dst2d).reshape(32, NP).T

    h0 = _tc_call(_mlp_bn_body, jax.ShapeDtypeStruct((N, HID), f32))(
        node_feat, W_mlp, b_mlp2, g2, be2)

    acc1 = _sc_aggregate(h0, src2d, dst2d)
    h1 = _tc_call(_sage_body, jax.ShapeDtypeStruct((N, HID), f32))(
        h0, acc1, deg_t, W_self1, W_neigh1, b1_2)

    acc2 = _sc_aggregate(h1, src2d, dst2d)
    h2 = _tc_call(_sage_body, jax.ShapeDtypeStruct((N, HID), f32))(
        h1, acc2, deg_t, W_self2, W_neigh2, b2_2)

    embed, xg = _sc_tgt_gather(h2, x, tgt2d)

    x_prime, loss_arr = _tc_call(
        _pred_body,
        (jax.ShapeDtypeStruct((B, HID), f32),
         jax.ShapeDtypeStruct((1, 1), f32)))(embed, xg, W_pred, bp2)

    return (loss_arr[0, 0], x_prime, embed)

# --- scband reference (transcript-rebuilt; emitter-appended) ---
"""Pipeline reference for scband-predictor-sage-77644418777155 (READ-ONLY COPY).

The authoritative reference and input builder live on the scoring server;
editing this copy changes nothing except your own understanding.
"""

import jax, jax.numpy as jnp
import numpy as np

N = 10000      # nodes
E = 320000     # node-to-node edges derived from hyper_graph @ hyper_graph.T
IN = 128
HID = 128
OUT = 128
B = 1024       # target batch


def leaky(v):
    return jnp.where(v >= 0, v, 0.1 * v)


def setup_inputs(seed: int = 0) -> dict:
    key = jax.random.key(seed)
    ks = jax.random.split(key, 16)
    s = 0.05
    tgt_id = jax.random.randint(ks[0], (B,), 0, N, dtype=jnp.int64) if jax.config.jax_enable_x64 else jax.random.randint(ks[0], (B,), 0, N, dtype=jnp.int32)
    node_feat = jax.random.normal(ks[1], (N, IN), dtype=jnp.float32)
    x = jax.random.normal(ks[2], (N, OUT), dtype=jnp.float32)
    edge_index = jax.random.randint(ks[3], (2, E), 0, N, dtype=jnp.int32)
    W_mlp = jax.random.normal(ks[4], (IN, HID), dtype=jnp.float32) * s
    b_mlp = jnp.zeros((HID,), jnp.float32)
    bn_gamma = jnp.ones((HID,), jnp.float32)
    bn_beta = jnp.zeros((HID,), jnp.float32)
    W_self1 = jax.random.normal(ks[5], (HID, HID), dtype=jnp.float32) * s
    W_neigh1 = jax.random.normal(ks[6], (HID, HID), dtype=jnp.float32) * s
    b1 = jnp.zeros((HID,), jnp.float32)
    W_self2 = jax.random.normal(ks[7], (HID, HID), dtype=jnp.float32) * s
    W_neigh2 = jax.random.normal(ks[8], (HID, HID), dtype=jnp.float32) * s
    b2 = jnp.zeros((HID,), jnp.float32)
    W_pred = jax.random.normal(ks[9], (HID, OUT), dtype=jnp.float32) * s
    b_pred = jnp.zeros((OUT,), jnp.float32)
    return {
        'tgt_id': tgt_id, 'node_feat': node_feat, 'x': x, 'edge_index': edge_index,
        'W_mlp': W_mlp, 'b_mlp': b_mlp, 'bn_gamma': bn_gamma, 'bn_beta': bn_beta,
        'W_self1': W_self1, 'W_neigh1': W_neigh1, 'b1': b1,
        'W_self2': W_self2, 'W_neigh2': W_neigh2, 'b2': b2,
        'W_pred': W_pred, 'b_pred': b_pred,
    }


def reference(tgt_id, node_feat, x, edge_index, W_mlp, b_mlp, bn_gamma, bn_beta,
              W_self1, W_neigh1, b1, W_self2, W_neigh2, b2, W_pred, b_pred):
    # MLP: Linear -> LeakyReLU(0.1) -> BatchNorm1d (batch stats, training mode)
    h = node_feat @ W_mlp + b_mlp
    h = leaky(h)
    mu = jnp.mean(h, axis=0)
    var = jnp.var(h, axis=0)
    h = (h - mu) / jnp.sqrt(var + 1e-5) * bn_gamma + bn_beta

    # HyperSAGE over node-by-node graph (hyper_graph @ hyper_graph.T), mean aggregation.
    # Full-graph computation is equivalent at tgt nodes to the layered neighbor-sampled version.
    src = edge_index[0]
    dst = edge_index[1]
    deg = jnp.zeros((N,), jnp.float32).at[dst].add(1.0)
    deg = jnp.maximum(deg, 1.0)

    agg = jnp.zeros((N, HID), jnp.float32).at[dst].add(h[src]) / deg[:, None]
    h = leaky(h @ W_self1 + agg @ W_neigh1 + b1)

    agg = jnp.zeros((N, HID), jnp.float32).at[dst].add(h[src]) / deg[:, None]
    h = leaky(h @ W_self2 + agg @ W_neigh2 + b2)

    embed = h[tgt_id]
    x_prime = leaky(embed) @ W_pred + b_pred
    loss = jnp.mean((x_prime - x[tgt_id]) ** 2)
    return (loss, x_prime, embed)

if __name__ == "__main__":
    import jax
    _d = setup_inputs()
    print(jax.jit(kernel)(*tuple(_d.values())))

</pallas_src>

<mosaic_0001>
#map = affine_map<(d0, d1) -> (0, 0)>
#map1 = affine_map<(d0, d1) -> (0, 0, 0)>
module attributes {stable_mosaic.version = 14 : i64} {
  func.func @_agg_body(%arg0: i32, %arg1: i32, %arg2: memref<10000x128xf32, #tpu.memory_space<hbm>>, %arg3: memref<2560x128xi32, #tpu.memory_space<hbm>>, %arg4: memref<2560x128xi32, #tpu.memory_space<hbm>>, %arg5: memref<2x10112x128xf32, #tpu.memory_space<hbm>>, %arg6: memref<10112x128xf32, #tpu.memory_space<vmem_shared>>, %arg7: memref<40x128xi32, #tpu.memory_space<vmem>>, %arg8: memref<40x128xi32, #tpu.memory_space<vmem>>, %arg9: memref<128x128xf32, #tpu.memory_space<vmem>>, %arg10: memref<128x128xf32, #tpu.memory_space<vmem>>, %arg11: memref<!tpu.dma_semaphore, #tpu.memory_space<semaphore_mem>>, %arg12: memref<!tpu.dma_semaphore, #tpu.memory_space<semaphore_mem>>) attributes {dimension_semantics = [#tpu.dimension_semantics<core_parallel>, #tpu.dimension_semantics<subcore_parallel>], iteration_bounds = array<i64: 2, 16>, scalar_prefetch = 0 : i64, scratch_operands = 7 : i64, tpu.core_type = #tpu.core_type<sc_vector_subcore>, window_params = [{transform_indices = #map}, {transform_indices = #map}, {transform_indices = #map}, {transform_indices = #map1}]} {
    %mul3A = arith.constant 632 : i32
    %mul3A_0 = arith.muli %arg1, %mul3A : i32
    %scan3A = arith.constant 0 : i32
    %scan3A_1 = arith.constant 128 : i32
    %scan3A_2 = arith.addi %scan3A, %scan3A_1 : i32
    %scan3A_3 = arith.constant 1 : i32
    scf.for %scan3A_45 = %scan3A to %scan3A_2 step %scan3A_3  : i32 {
      %mul3A_46 = arith.constant 1 : i32
      %mul3A_47 = arith.muli %scan3A_45, %mul3A_46 : i32
      %add3A_48 = arith.constant 0 : i32
      %add3A_49 = arith.addi %add3A_48, %mul3A_47 : i32
      %broadcast_in_dim3A = arith.constant 0.000000e+00 : f32
      %broadcast_in_dim3A_50 = vector.broadcast %broadcast_in_dim3A : f32 to vector<16xf32>
      %swap3A = arith.index_cast %add3A_49 : i32 to index
      %swap3A_51 = arith.constant 0 : index
      %swap3A_52 = tpu.vector_load %arg9[%swap3A, %swap3A_51] {strides = array<i32>} : memref<128x128xf32, #tpu.memory_space<vmem>>, vector<1x16xf32>,
      %swap3A_53 = vector.shape_cast %swap3A_52 : vector<1x16xf32> to vector<16xf32>
      %swap3A_54 = vector.shape_cast %broadcast_in_dim3A_50 : vector<16xf32> to vector<1x16xf32>
      tpu.vector_store %arg9[%swap3A, %swap3A_51], %swap3A_54 {strides = array<i32>} : memref<128x128xf32, #tpu.memory_space<vmem>>, vector<1x16xf32>,
      %broadcast_in_dim3A_55 = arith.constant 0.000000e+00 : f32
      %broadcast_in_dim3A_56 = vector.broadcast %broadcast_in_dim3A_55 : f32 to vector<16xf32>
      %swap3A_57 = arith.index_cast %add3A_49 : i32 to index
      %swap3A_58 = arith.constant 16 : index
      %swap3A_59 = tpu.vector_load %arg9[%swap3A_57, %swap3A_58] {strides = array<i32>} : memref<128x128xf32, #tpu.memory_space<vmem>>, vector<1x16xf32>,
      %swap3A_60 = vector.shape_cast %swap3A_59 : vector<1x16xf32> to vector<16xf32>
      %swap3A_61 = vector.shape_cast %broadcast_in_dim3A_56 : vector<16xf32> to vector<1x16xf32>
      tpu.vector_store %arg9[%swap3A_57, %swap3A_58], %swap3A_61 {strides = array<i32>} : memref<128x128xf32, #tpu.memory_space<vmem>>, vector<1x16xf32>,
      %broadcast_in_dim3A_62 = arith.constant 0.000000e+00 : f32
      %broadcast_in_dim3A_63 = vector.broadcast %broadcast_in_dim3A_62 : f32 to vector<16xf32>
      %swap3A_64 = arith.index_cast %add3A_49 : i32 to index
      %swap3A_65 = arith.constant 32 : index
      %swap3A_66 = tpu.vector_load %arg9[%swap3A_64, %swap3A_65] {strides = array<i32>} : memref<128x128xf32, #tpu.memory_space<vmem>>, vector<1x16xf32>,
      %swap3A_67 = vector.shape_cast %swap3A_66 : vector<1x16xf32> to vector<16xf32>
      %swap3A_68 = vector.shape_cast %broadcast_in_dim3A_63 : vector<16xf32> to vector<1x16xf32>
      tpu.vector_store %arg9[%swap3A_64, %swap3A_65], %swap3A_68 {strides = array<i32>} : memref<128x128xf32, #tpu.memory_space<vmem>>, vector<1x16xf32>,
      %broadcast_in_dim3A_69 = arith.constant 0.000000e+00 : f32
      %broadcast_in_dim3A_70 = vector.broadcast %broadcast_in_dim3A_69 : f32 to vector<16xf32>
      %swap3A_71 = arith.index_cast %add3A_49 : i32 to index
      %swap3A_72 = arith.constant 48 : index
      %swap3A_73 = tpu.vector_load %arg9[%swap3A_71, %swap3A_72] {strides = array<i32>} : memref<128x128xf32, #tpu.memory_space<vmem>>, vector<1x16xf32>,
      %swap3A_74 = vector.shape_cast %swap3A_73 : vector<1x16xf32> to vector<16xf32>
      %swap3A_75 = vector.shape_cast %broadcast_in_dim3A_70 : vector<16xf32> to vector<1x16xf32>
      tpu.vector_store %arg9[%swap3A_71, %swap3A_72], %swap3A_75 {strides = array<i32>} : memref<128x128xf32, #tpu.memory_space<vmem>>, vector<1x16xf32>,
      %broadcast_in_dim3A_76 = arith.constant 0.000000e+00 : f32
      %broadcast_in_dim3A_77 = vector.broadcast %broadcast_in_dim3A_76 : f32 to vector<16xf32>
      %swap3A_78 = arith.index_cast %add3A_49 : i32 to index
      %swap3A_79 = arith.constant 64 : index
      %swap3A_80 = tpu.vector_load %arg9[%swap3A_78, %swap3A_79] {strides = array<i32>} : memref<128x128xf32, #tpu.memory_space<vmem>>, vector<1x16xf32>,
      %swap3A_81 = vector.shape_cast %swap3A_80 : vector<1x16xf32> to vector<16xf32>
      %swap3A_82 = vector.shape_cast %broadcast_in_dim3A_77 : vector<16xf32> to vector<1x16xf32>
      tpu.vector_store %arg9[%swap3A_78, %swap3A_79], %swap3A_82 {strides = array<i32>} : memref<128x128xf32, #tpu.memory_space<vmem>>, vector<1x16xf32>,
      %broadcast_in_dim3A_83 = arith.constant 0.000000e+00 : f32
      %broadcast_in_dim3A_84 = vector.broadcast %broadcast_in_dim3A_83 : f32 to vector<16xf32>
      %swap3A_85 = arith.index_cast %add3A_49 : i32 to index
      %swap3A_86 = arith.constant 80 : index
      %swap3A_87 = tpu.vector_load %arg9[%swap3A_85, %swap3A_86] {strides = array<i32>} : memref<128x128xf32, #tpu.memory_space<vmem>>, vector<1x16xf32>,
      %swap3A_88 = vector.shape_cast %swap3A_87 : vector<1x16xf32> to vector<16xf32>
      %swap3A_89 = vector.shape_cast %broadcast_in_dim3A_84 : vector<16xf32> to vector<1x16xf32>
      tpu.vector_store %arg9[%swap3A_85, %swap3A_86], %swap3A_89 {strides = array<i32>} : memref<128x128xf32, #tpu.memory_space<vmem>>, vector<1x16xf32>,
      %broadcast_in_dim3A_90 = arith.constant 0.000000e+00 : f32
      %broadcast_in_dim3A_91 = vector.broadcast %broadcast_in_dim3A_90 : f32 to vector<16xf32>
      %swap3A_92 = arith.index_cast %add3A_49 : i32 to index
      %swap3A_93 = arith.constant 96 : index
      %swap3A_94 = tpu.vector_load %arg9[%swap3A_92, %swap3A_93] {strides = array<i32>} : memref<128x128xf32, #tpu.memory_space<vmem>>, vector<1x16xf32>,
      %swap3A_95 = vector.shape_cast %swap3A_94 : vector<1x16xf32> to vector<16xf32>
      %swap3A_96 = vector.shape_cast %broadcast_in_dim3A_91 : vector<16xf32> to vector<1x16xf32>
      tpu.vector_store %arg9[%swap3A_92, %swap3A_93], %swap3A_96 {strides = array<i32>} : memref<128x128xf32, #tpu.memory_space<vmem>>, vector<1x16xf32>,
      %broadcast_in_dim3A_97 = arith.constant 0.000000e+00 : f32
      %broadcast_in_dim3A_98 = vector.broadcast %broadcast_in_dim3A_97 : f32 to vector<16xf32>
      %swap3A_99 = arith.index_cast %add3A_49 : i32 to index
      %swap3A_100 = arith.constant 112 : index
      %swap3A_101 = tpu.vector_load %arg9[%swap3A_99, %swap3A_100] {strides = array<i32>} : memref<128x128xf32, #tpu.memory_space<vmem>>, vector<1x16xf32>,
      %swap3A_102 = vector.shape_cast %swap3A_101 : vector<1x16xf32> to vector<16xf32>
      %swap3A_103 = vector.shape_cast %broadcast_in_dim3A_98 : vector<16xf32> to vector<1x16xf32>
      tpu.vector_store %arg9[%swap3A_99, %swap3A_100], %swap3A_103 {strides = array<i32>} : memref<128x128xf32, #tpu.memory_space<vmem>>, vector<1x16xf32>,
    }
    %scan3A_4 = arith.constant 128 : i32
    %add3A = arith.constant 0 : i32
    %add3A_5 = arith.addi %mul3A_0, %add3A : i32
    "tpu.region"() ({
      %run_scoped3A = tpu.sem_alloc : memref<!tpu.dma_semaphore, #tpu.memory_space<semaphore_mem>>
      %dma_start3A = arith.constant 0 : i32
      %dma_start3A_45 = arith.constant 0 : i32
      %dma_start3A_46 = tpu.memref_slice %arg9[%dma_start3A, %dma_start3A_45] : memref<128x128xf32, #tpu.memory_space<vmem>> -> memref<128x128xf32, #tpu.memory_space<vmem>>
      %dma_start3A_47 = arith.constant 0 : i32
      %dma_start3A_48 = tpu.memref_slice %arg6[%add3A_5, %dma_start3A_47] : memref<10112x128xf32, #tpu.memory_space<vmem_shared>> -> memref<128x128xf32, #tpu.memory_space<vmem_shared>>
      %dma_start3A_49 = arith.constant 0 : i32
      %dma_start3A_50 = tpu.memref_slice %arg6[%add3A_5, %dma_start3A_49] : memref<10112x128xf32, #tpu.memory_space<vmem_shared>> -> memref<128x128xf32, #tpu.memory_space<vmem_shared>>
      %dma_start3A_51 = arith.constant 0 : i32
      %dma_start3A_52 = arith.constant 0 : i32
      %dma_start3A_53 = tpu.memref_slice %arg9[%dma_start3A_51, %dma_start3A_52] : memref<128x128xf32, #tpu.memory_space<vmem>> -> memref<128x128xf32, #tpu.memory_space<vmem>>
      tpu.enqueue_dma source(%dma_start3A_53 : memref<128x128xf32, #tpu.memory_space<vmem>>) target(%dma_start3A_50 : memref<128x128xf32, #tpu.memory_space<vmem_shared>>) target_semaphore(%run_scoped3A : memref<!tpu.dma_semaphore, #tpu.memory_space<semaphore_mem>>)
      %dma_wait3A = arith.constant 0 : i32
      %dma_wait3A_54 = arith.constant 0 : i32
      %dma_wait3A_55 = tpu.memref_slice %arg9[%dma_wait3A, %dma_wait3A_54] : memref<128x128xf32, #tpu.memory_space<vmem>> -> memref<128x128xf32, #tpu.memory_space<vmem>>
      %dma_wait3A_56 = arith.constant 0 : i32
      %dma_wait3A_57 = tpu.memref_slice %arg6[%add3A_5, %dma_wait3A_56] : memref<10112x128xf32, #tpu.memory_space<vmem_shared>> -> memref<128x128xf32, #tpu.memory_space<vmem_shared>>
      %dma_wait3A_58 = arith.constant 0 : i32
      %dma_wait3A_59 = tpu.memref_slice %arg6[%add3A_5, %dma_wait3A_58] : memref<10112x128xf32, #tpu.memory_space<vmem_shared>> -> memref<128x128xf32, #tpu.memory_space<vmem_shared>>
      %dma_wait3A_60 = arith.constant 0 : i32
      %dma_wait3A_61 = arith.constant 0 : i32
      %dma_wait3A_62 = tpu.memref_slice %arg9[%dma_wait3A_60, %dma_wait3A_61] : memref<128x128xf32, #tpu.memory_space<vmem>> -> memref<128x128xf32, #tpu.memory_space<vmem>>
      tpu.wait_dma2 semaphore(%run_scoped3A : memref<!tpu.dma_semaphore, #tpu.memory_space<semaphore_mem>>) src(%dma_wait3A_62 : memref<128x128xf32, #tpu.memory_space<vmem>>) dst(%dma_wait3A_59 : memref<128x128xf32, #tpu.memory_space<vmem_shared>>)
      tpu.yield
    }) : () -> ()
    %add3A_6 = arith.constant 128 : i32
    %add3A_7 = arith.addi %mul3A_0, %add3A_6 : i32
    "tpu.region"() ({
      %run_scoped3A = tpu.sem_alloc : memref<!tpu.dma_semaphore, #tpu.memory_space<semaphore_mem>>
      %dma_start3A = arith.constant 0 : i32
      %dma_start3A_45 = arith.constant 0 : i32
      %dma_start3A_46 = tpu.memref_slice %arg9[%dma_start3A, %dma_start3A_45] : memref<128x128xf32, #tpu.memory_space<vmem>> -> memref<128x128xf32, #tpu.memory_space<vmem>>
      %dma_start3A_47 = arith.constant 0 : i32
      %dma_start3A_48 = tpu.memref_slice %arg6[%add3A_7, %dma_start3A_47] : memref<10112x128xf32, #tpu.memory_space<vmem_shared>> -> memref<128x128xf32, #tpu.memory_space<vmem_shared>>
      %dma_start3A_49 = arith.constant 0 : i32
      %dma_start3A_50 = tpu.memref_slice %arg6[%add3A_7, %dma_start3A_49] : memref<10112x128xf32, #tpu.memory_space<vmem_shared>> -> memref<128x128xf32, #tpu.memory_space<vmem_shared>>
      %dma_start3A_51 = arith.constant 0 : i32
      %dma_start3A_52 = arith.constant 0 : i32
      %dma_start3A_53 = tpu.memref_slice %arg9[%dma_start3A_51, %dma_start3A_52] : memref<128x128xf32, #tpu.memory_space<vmem>> -> memref<128x128xf32, #tpu.memory_space<vmem>>
      tpu.enqueue_dma source(%dma_start3A_53 : memref<128x128xf32, #tpu.memory_space<vmem>>) target(%dma_start3A_50 : memref<128x128xf32, #tpu.memory_space<vmem_shared>>) target_semaphore(%run_scoped3A : memref<!tpu.dma_semaphore, #tpu.memory_space<semaphore_mem>>)
      %dma_wait3A = arith.constant 0 : i32
      %dma_wait3A_54 = arith.constant 0 : i32
      %dma_wait3A_55 = tpu.memref_slice %arg9[%dma_wait3A, %dma_wait3A_54] : memref<128x128xf32, #tpu.memory_space<vmem>> -> memref<128x128xf32, #tpu.memory_space<vmem>>
      %dma_wait3A_56 = arith.constant 0 : i32
      %dma_wait3A_57 = tpu.memref_slice %arg6[%add3A_7, %dma_wait3A_56] : memref<10112x128xf32, #tpu.memory_space<vmem_shared>> -> memref<128x128xf32, #tpu.memory_space<vmem_shared>>
      %dma_wait3A_58 = arith.constant 0 : i32
      %dma_wait3A_59 = tpu.memref_slice %arg6[%add3A_7, %dma_wait3A_58] : memref<10112x128xf32, #tpu.memory_space<vmem_shared>> -> memref<128x128xf32, #tpu.memory_space<vmem_shared>>
      %dma_wait3A_60 = arith.constant 0 : i32
      %dma_wait3A_61 = arith.constant 0 : i32
      %dma_wait3A_62 = tpu.memref_slice %arg9[%dma_wait3A_60, %dma_wait3A_61] : memref<128x128xf32, #tpu.memory_space<vmem>> -> memref<128x128xf32, #tpu.memory_space<vmem>>
      tpu.wait_dma2 semaphore(%run_scoped3A : memref<!tpu.dma_semaphore, #tpu.memory_space<semaphore_mem>>) src(%dma_wait3A_62 : memref<128x128xf32, #tpu.memory_space<vmem>>) dst(%dma_wait3A_59 : memref<128x128xf32, #tpu.memory_space<vmem_shared>>)
      tpu.yield
    }) : () -> ()
    %add3A_8 = arith.constant 256 : i32
    %add3A_9 = arith.addi %mul3A_0, %add3A_8 : i32
    "tpu.region"() ({
      %run_scoped3A = tpu.sem_alloc : memref<!tpu.dma_semaphore, #tpu.memory_space<semaphore_mem>>
      %dma_start3A = arith.constant 0 : i32
      %dma_start3A_45 = arith.constant 0 : i32
      %dma_start3A_46 = tpu.memref_slice %arg9[%dma_start3A, %dma_start3A_45] : memref<128x128xf32, #tpu.memory_space<vmem>> -> memref<128x128xf32, #tpu.memory_space<vmem>>
      %dma_start3A_47 = arith.constant 0 : i32
      %dma_start3A_48 = tpu.memref_slice %arg6[%add3A_9, %dma_start3A_47] : memref<10112x128xf32, #tpu.memory_space<vmem_shared>> -> memref<128x128xf32, #tpu.memory_space<vmem_shared>>
      %dma_start3A_49 = arith.constant 0 : i32
      %dma_start3A_50 = tpu.memref_slice %arg6[%add3A_9, %dma_start3A_49] : memref<10112x128xf32, #tpu.memory_space<vmem_shared>> -> memref<128x128xf32, #tpu.memory_space<vmem_shared>>
      %dma_start3A_51 = arith.constant 0 : i32
      %dma_start3A_52 = arith.constant 0 : i32
      %dma_start3A_53 = tpu.memref_slice %arg9[%dma_start3A_51, %dma_start3A_52] : memref<128x128xf32, #tpu.memory_space<vmem>> -> memref<128x128xf32, #tpu.memory_space<vmem>>
      tpu.enqueue_dma source(%dma_start3A_53 : memref<128x128xf32, #tpu.memory_space<vmem>>) target(%dma_start3A_50 : memref<128x128xf32, #tpu.memory_space<vmem_shared>>) target_semaphore(%run_scoped3A : memref<!tpu.dma_semaphore, #tpu.memory_space<semaphore_mem>>)
      %dma_wait3A = arith.constant 0 : i32
      %dma_wait3A_54 = arith.constant 0 : i32
      %dma_wait3A_55 = tpu.memref_slice %arg9[%dma_wait3A, %dma_wait3A_54] : memref<128x128xf32, #tpu.memory_space<vmem>> -> memref<128x128xf32, #tpu.memory_space<vmem>>
      %dma_wait3A_56 = arith.constant 0 : i32
      %dma_wait3A_57 = tpu.memref_slice %arg6[%add3A_9, %dma_wait3A_56] : memref<10112x128xf32, #tpu.memory_space<vmem_shared>> -> memref<128x128xf32, #tpu.memory_space<vmem_shared>>
      %dma_wait3A_58 = arith.constant 0 : i32
      %dma_wait3A_59 = tpu.memref_slice %arg6[%add3A_9, %dma_wait3A_58] : memref<10112x128xf32, #tpu.memory_space<vmem_shared>> -> memref<128x128xf32, #tpu.memory_space<vmem_shared>>
      %dma_wait3A_60 = arith.constant 0 : i32
      %dma_wait3A_61 = arith.constant 0 : i32
      %dma_wait3A_62 = tpu.memref_slice %arg9[%dma_wait3A_60, %dma_wait3A_61] : memref<128x128xf32, #tpu.memory_space<vmem>> -> memref<128x128xf32, #tpu.memory_space<vmem>>
      tpu.wait_dma2 semaphore(%run_scoped3A : memref<!tpu.dma_semaphore, #tpu.memory_space<semaphore_mem>>) src(%dma_wait3A_62 : memref<128x128xf32, #tpu.memory_space<vmem>>) dst(%dma_wait3A_59 : memref<128x128xf32, #tpu.memory_space<vmem_shared>>)
      tpu.yield
    }) : () -> ()
    %add3A_10 = arith.constant 384 : i32
    %add3A_11 = arith.addi %mul3A_0, %add3A_10 : i32
    "tpu.region"() ({
      %run_scoped3A = tpu.sem_alloc : memref<!tpu.dma_semaphore, #tpu.memory_space<semaphore_mem>>
      %dma_start3A = arith.constant 0 : i32
      %dma_start3A_45 = arith.constant 0 : i32
      %dma_start3A_46 = tpu.memref_slice %arg9[%dma_start3A, %dma_start3A_45] : memref<128x128xf32, #tpu.memory_space<vmem>> -> memref<128x128xf32, #tpu.memory_space<vmem>>
      %dma_start3A_47 = arith.constant 0 : i32
      %dma_start3A_48 = tpu.memref_slice %arg6[%add3A_11, %dma_start3A_47] : memref<10112x128xf32, #tpu.memory_space<vmem_shared>> -> memref<128x128xf32, #tpu.memory_space<vmem_shared>>
      %dma_start3A_49 = arith.constant 0 : i32
      %dma_start3A_50 = tpu.memref_slice %arg6[%add3A_11, %dma_start3A_49] : memref<10112x128xf32, #tpu.memory_space<vmem_shared>> -> memref<128x128xf32, #tpu.memory_space<vmem_shared>>
      %dma_start3A_51 = arith.constant 0 : i32
      %dma_start3A_52 = arith.constant 0 : i32
      %dma_start3A_53 = tpu.memref_slice %arg9[%dma_start3A_51, %dma_start3A_52] : memref<128x128xf32, #tpu.memory_space<vmem>> -> memref<128x128xf32, #tpu.memory_space<vmem>>
      tpu.enqueue_dma source(%dma_start3A_53 : memref<128x128xf32, #tpu.memory_space<vmem>>) target(%dma_start3A_50 : memref<128x128xf32, #tpu.memory_space<vmem_shared>>) target_semaphore(%run_scoped3A : memref<!tpu.dma_semaphore, #tpu.memory_space<semaphore_mem>>)
      %dma_wait3A = arith.constant 0 : i32
      %dma_wait3A_54 = arith.constant 0 : i32
      %dma_wait3A_55 = tpu.memref_slice %arg9[%dma_wait3A, %dma_wait3A_54] : memref<128x128xf32, #tpu.memory_space<vmem>> -> memref<128x128xf32, #tpu.memory_space<vmem>>
      %dma_wait3A_56 = arith.constant 0 : i32
      %dma_wait3A_57 = tpu.memref_slice %arg6[%add3A_11, %dma_wait3A_56] : memref<10112x128xf32, #tpu.memory_space<vmem_shared>> -> memref<128x128xf32, #tpu.memory_space<vmem_shared>>
      %dma_wait3A_58 = arith.constant 0 : i32
      %dma_wait3A_59 = tpu.memref_slice %arg6[%add3A_11, %dma_wait3A_58] : memref<10112x128xf32, #tpu.memory_space<vmem_shared>> -> memref<128x128xf32, #tpu.memory_space<vmem_shared>>
      %dma_wait3A_60 = arith.constant 0 : i32
      %dma_wait3A_61 = arith.constant 0 : i32
      %dma_wait3A_62 = tpu.memref_slice %arg9[%dma_wait3A_60, %dma_wait3A_61] : memref<128x128xf32, #tpu.memory_space<vmem>> -> memref<128x128xf32, #tpu.memory_space<vmem>>
      tpu.wait_dma2 semaphore(%run_scoped3A : memref<!tpu.dma_semaphore, #tpu.memory_space<semaphore_mem>>) src(%dma_wait3A_62 : memref<128x128xf32, #tpu.memory_space<vmem>>) dst(%dma_wait3A_59 : memref<128x128xf32, #tpu.memory_space<vmem_shared>>)
      tpu.yield
    }) : () -> ()
    %add3A_12 = arith.constant 512 : i32
    %add3A_13 = arith.addi %mul3A_0, %add3A_12 : i32
    "tpu.region"() ({
      %run_scoped3A = tpu.sem_alloc : memref<!tpu.dma_semaphore, #tpu.memory_space<semaphore_mem>>
      %dma_start3A = arith.constant 0 : i32
      %dma_start3A_45 = arith.constant 0 : i32
      %dma_start3A_46 = tpu.memref_slice %arg9[%dma_start3A, %dma_start3A_45] : memref<128x128xf32, #tpu.memory_space<vmem>> -> memref<120x128xf32, #tpu.memory_space<vmem>>
      %dma_start3A_47 = arith.constant 0 : i32
      %dma_start3A_48 = tpu.memref_slice %arg6[%add3A_13, %dma_start3A_47] : memref<10112x128xf32, #tpu.memory_space<vmem_shared>> -> memref<120x128xf32, #tpu.memory_space<vmem_shared>>
      %dma_start3A_49 = arith.constant 0 : i32
      %dma_start3A_50 = tpu.memref_slice %arg6[%add3A_13, %dma_start3A_49] : memref<10112x128xf32, #tpu.memory_space<vmem_shared>> -> memref<120x128xf32, #tpu.memory_space<vmem_shared>>
      %dma_start3A_51 = arith.constant 0 : i32
      %dma_start3A_52 = arith.constant 0 : i32
      %dma_start3A_53 = tpu.memref_slice %arg9[%dma_start3A_51, %dma_start3A_52] : memref<128x128xf32, #tpu.memory_space<vmem>> -> memref<120x128xf32, #tpu.memory_space<vmem>>
      tpu.enqueue_dma source(%dma_start3A_53 : memref<120x128xf32, #tpu.memory_space<vmem>>) target(%dma_start3A_50 : memref<120x128xf32, #tpu.memory_space<vmem_shared>>) target_semaphore(%run_scoped3A : memref<!tpu.dma_semaphore, #tpu.memory_space<semaphore_mem>>)
      %dma_wait3A = arith.constant 0 : i32
      %dma_wait3A_54 = arith.constant 0 : i32
      %dma_wait3A_55 = tpu.memref_slice %arg9[%dma_wait3A, %dma_wait3A_54] : memref<128x128xf32, #tpu.memory_space<vmem>> -> memref<120x128xf32, #tpu.memory_space<vmem>>
      %dma_wait3A_56 = arith.constant 0 : i32
      %dma_wait3A_57 = tpu.memref_slice %arg6[%add3A_13, %dma_wait3A_56] : memref<10112x128xf32, #tpu.memory_space<vmem_shared>> -> memref<120x128xf32, #tpu.memory_space<vmem_shared>>
      %dma_wait3A_58 = arith.constant 0 : i32
      %dma_wait3A_59 = tpu.memref_slice %arg6[%add3A_13, %dma_wait3A_58] : memref<10112x128xf32, #tpu.memory_space<vmem_shared>> -> memref<120x128xf32, #tpu.memory_space<vmem_shared>>
      %dma_wait3A_60 = arith.constant 0 : i32
      %dma_wait3A_61 = arith.constant 0 : i32
      %dma_wait3A_62 = tpu.memref_slice %arg9[%dma_wait3A_60, %dma_wait3A_61] : memref<128x128xf32, #tpu.memory_space<vmem>> -> memref<120x128xf32, #tpu.memory_space<vmem>>
      tpu.wait_dma2 semaphore(%run_scoped3A : memref<!tpu.dma_semaphore, #tpu.memory_space<semaphore_mem>>) src(%dma_wait3A_62 : memref<120x128xf32, #tpu.memory_space<vmem>>) dst(%dma_wait3A_59 : memref<120x128xf32, #tpu.memory_space<vmem_shared>>)
      tpu.yield
    }) : () -> ()
    %barrier3A = arith.constant 0 : index
    tpu.barrier barrier_id(%barrier3A)
    %mul3A_14 = arith.constant 16 : i32
    %mul3A_15 = arith.muli %arg0, %mul3A_14 : i32
    %add3A_16 = arith.addi %mul3A_15, %arg1 : i32
    %mul3A_17 = arith.constant 80 : i32
    %mul3A_18 = arith.muli %add3A_16, %mul3A_17 : i32
    %scan3A_19 = arith.constant 0 : i32
    %scan3A_20 = arith.constant 2 : i32
    %scan3A_21 = arith.addi %scan3A_19, %scan3A_20 : i32
    %scan3A_22 = arith.constant 1 : i32
    scf.for %scan3A_45 = %scan3A_19 to %scan3A_21 step %scan3A_22  : i32 {
      %mul3A_46 = arith.constant 1 : i32
      %mul3A_47 = arith.muli %scan3A_45, %mul3A_46 : i32
      %add3A_48 = arith.constant 0 : i32
      %add3A_49 = arith.addi %add3A_48, %mul3A_47 : i32
      %mul3A_50 = arith.constant 40 : i32
      %mul3A_51 = arith.muli %add3A_49, %mul3A_50 : i32
      %add3A_52 = arith.addi %mul3A_18, %mul3A_51 : i32
      "tpu.region"() ({
        %run_scoped3A_88 = tpu.sem_alloc : memref<!tpu.dma_semaphore, #tpu.memory_space<semaphore_mem>>
        %dma_start3A_89 = arith.constant 0 : i32
        %dma_start3A_90 = tpu.memref_slice %arg3[%add3A_52, %dma_start3A_89] : memref<2560x128xi32, #tpu.memory_space<hbm>> -> memref<40x128xi32, #tpu.memory_space<hbm>>
        %dma_start3A_91 = arith.constant 0 : i32
        %dma_start3A_92 = tpu.memref_slice %arg3[%add3A_52, %dma_start3A_91] : memref<2560x128xi32, #tpu.memory_space<hbm>> -> memref<40x128xi32, #tpu.memory_space<hbm>>
        tpu.enqueue_dma source(%dma_start3A_92 : memref<40x128xi32, #tpu.memory_space<hbm>>) target(%arg7 : memref<40x128xi32, #tpu.memory_space<vmem>>) target_semaphore(%run_scoped3A_88 : memref<!tpu.dma_semaphore, #tpu.memory_space<semaphore_mem>>)
        %dma_wait3A_93 = arith.constant 0 : i32
        %dma_wait3A_94 = tpu.memref_slice %arg3[%add3A_52, %dma_wait3A_93] : memref<2560x128xi32, #tpu.memory_space<hbm>> -> memref<40x128xi32, #tpu.memory_space<hbm>>
        %dma_wait3A_95 = arith.constant 0 : i32
        %dma_wait3A_96 = tpu.memref_slice %arg3[%add3A_52, %dma_wait3A_95] : memref<2560x128xi32, #tpu.memory_space<hbm>> -> memref<40x128xi32, #tpu.memory_space<hbm>>
        tpu.wait_dma2 semaphore(%run_scoped3A_88 : memref<!tpu.dma_semaphore, #tpu.memory_space<semaphore_mem>>) src(%dma_wait3A_96 : memref<40x128xi32, #tpu.memory_space<hbm>>) dst(%arg7 : memref<40x128xi32, #tpu.memory_space<vmem>>)
        tpu.yield
      }) : () -> ()
      %mul3A_53 = arith.constant 40 : i32
      %mul3A_54 = arith.muli %add3A_49, %mul3A_53 : i32
      %add3A_55 = arith.addi %mul3A_18, %mul3A_54 : i32
      "tpu.region"() ({
        %run_scoped3A_88 = tpu.sem_alloc : memref<!tpu.dma_semaphore, #tpu.memory_space<semaphore_mem>>
        %dma_start3A_89 = arith.constant 0 : i32
        %dma_start3A_90 = tpu.memref_slice %arg4[%add3A_55, %dma_start3A_89] : memref<2560x128xi32, #tpu.memory_space<hbm>> -> memref<40x128xi32, #tpu.memory_space<hbm>>
        %dma_start3A_91 = arith.constant 0 : i32
        %dma_start3A_92 = tpu.memref_slice %arg4[%add3A_55, %dma_start3A_91] : memref<2560x128xi32, #tpu.memory_space<hbm>> -> memref<40x128xi32, #tpu.memory_space<hbm>>
        tpu.enqueue_dma source(%dma_start3A_92 : memref<40x128xi32, #tpu.memory_space<hbm>>) target(%arg8 : memref<40x128xi32, #tpu.memory_space<vmem>>) target_semaphore(%run_scoped3A_88 : memref<!tpu.dma_semaphore, #tpu.memory_space<semaphore_mem>>)
        %dma_wait3A_93 = arith.constant 0 : i32
        %dma_wait3A_94 = tpu.memref_slice %arg4[%add3A_55, %dma_wait3A_93] : memref<2560x128xi32, #tpu.memory_space<hbm>> -> memref<40x128xi32, #tpu.memory_space<hbm>>
        %dma_wait3A_95 = arith.constant 0 : i32
        %dma_wait3A_96 = tpu.memref_slice %arg4[%add3A_55, %dma_wait3A_95] : memref<2560x128xi32, #tpu.memory_space<hbm>> -> memref<40x128xi32, #tpu.memory_space<hbm>>
        tpu.wait_dma2 semaphore(%run_scoped3A_88 : memref<!tpu.dma_semaphore, #tpu.memory_space<semaphore_mem>>) src(%dma_wait3A_96 : memref<40x128xi32, #tpu.memory_space<hbm>>) dst(%arg8 : memref<40x128xi32, #tpu.memory_space<vmem>>)
        tpu.yield
      }) : () -> ()
      %dma_start3A = arith.constant 0 : i32
      %dma_start3A_56 = arith.constant 0 : i32
      %dma_start3A_57 = tpu.memref_slice %arg7[%dma_start3A, %dma_start3A_56] : memref<40x128xi32, #tpu.memory_space<vmem>> -> memref<1x128xi32, #tpu.memory_space<vmem>>
      %dma_start3A_58 = tpu.memref_squeeze %dma_start3A_57 : memref<1x128xi32, #tpu.memory_space<vmem>> -> memref<128xi32, #tpu.memory_space<vmem>>
      %dma_start3A_59 = arith.constant 0 : i32
      %dma_start3A_60 = arith.constant 0 : i32
      %dma_start3A_61 = tpu.memref_slice %arg2[%dma_start3A_59, %dma_start3A_60] : memref<10000x128xf32, #tpu.memory_space<hbm>> -> memref<10000x128xf32, #tpu.memory_space<hbm>>
      tpu.enqueue_indirect_dma source(%dma_start3A_61 : memref<10000x128xf32, #tpu.memory_space<hbm>>) target(%arg9 : memref<128x128xf32, #tpu.memory_space<vmem>>) offsets(%dma_start3A_58 : memref<128xi32, #tpu.memory_space<vmem>>) semaphore(%arg11 : memref<!tpu.dma_semaphore, #tpu.memory_space<semaphore_mem>>)
      %scan3A_62 = arith.constant 0 : i32
      %scan3A_63 = arith.constant 19 : i32
      %scan3A_64 = arith.addi %scan3A_62, %scan3A_63 : i32
      %scan3A_65 = arith.constant 1 : i32
      scf.for %scan3A_88 = %scan3A_62 to %scan3A_64 step %scan3A_65  : i32 {
        %mul3A_89 = arith.constant 1 : i32
        %mul3A_90 = arith.muli %scan3A_88, %mul3A_89 : i32
        %add3A_91 = arith.constant 0 : i32
        %add3A_92 = arith.addi %add3A_91, %mul3A_90 : i32
        %mul3A_93 = arith.constant 2 : i32
        %mul3A_94 = arith.muli %mul3A_93, %add3A_92 : i32
        %add3A_95 = arith.constant 1 : i32
        %add3A_96 = arith.addi %mul3A_94, %add3A_95 : i32
        %dma_start3A_97 = arith.constant 0 : i32
        %dma_start3A_98 = tpu.memref_slice %arg7[%add3A_96, %dma_start3A_97] : memref<40x128xi32, #tpu.memory_space<vmem>> -> memref<1x128xi32, #tpu.memory_space<vmem>>
        %dma_start3A_99 = tpu.memref_squeeze %dma_start3A_98 : memref<1x128xi32, #tpu.memory_space<vmem>> -> memref<128xi32, #tpu.memory_space<vmem>>
        %dma_start3A_100 = arith.constant 0 : i32
        %dma_start3A_101 = arith.constant 0 : i32
        %dma_start3A_102 = tpu.memref_slice %arg2[%dma_start3A_100, %dma_start3A_101] : memref<10000x128xf32, #tpu.memory_space<hbm>> -> memref<10000x128xf32, #tpu.memory_space<hbm>>
        tpu.enqueue_indirect_dma source(%dma_start3A_102 : memref<10000x128xf32, #tpu.memory_space<hbm>>) target(%arg10 : memref<128x128xf32, #tpu.memory_space<vmem>>) offsets(%dma_start3A_99 : memref<128xi32, #tpu.memory_space<vmem>>) semaphore(%arg12 : memref<!tpu.dma_semaphore, #tpu.memory_space<semaphore_mem>>)
        %mul3A_103 = arith.constant 2 : i32
        %mul3A_104 = arith.muli %mul3A_103, %add3A_92 : i32
        %dma_wait3A_105 = arith.constant 0 : i32
        %dma_wait3A_106 = tpu.memref_slice %arg7[%mul3A_104, %dma_wait3A_105] : memref<40x128xi32, #tpu.memory_space<vmem>> -> memref<1x128xi32, #tpu.memory_space<vmem>>
        %dma_wait3A_107 = tpu.memref_squeeze %dma_wait3A_106 : memref<1x128xi32, #tpu.memory_space<vmem>> -> memref<128xi32, #tpu.memory_space<vmem>>
        %dma_wait3A_108 = arith.constant 0 : i32
        %dma_wait3A_109 = arith.constant 0 : i32
        %dma_wait3A_110 = tpu.memref_slice %arg2[%dma_wait3A_108, %dma_wait3A_109] : memref<10000x128xf32, #tpu.memory_space<hbm>> -> memref<10000x128xf32, #tpu.memory_space<hbm>>
        tpu.wait_indirect_dma semaphore(%arg11 : memref<!tpu.dma_semaphore, #tpu.memory_space<semaphore_mem>>) src(%dma_wait3A_110 : memref<10000x128xf32, #tpu.memory_space<hbm>>) dst(%arg9 : memref<128x128xf32, #tpu.memory_space<vmem>>)
        %mul3A_111 = arith.constant 2 : i32
        %mul3A_112 = arith.muli %mul3A_111, %add3A_92 : i32
        "tpu.region"() ({
          %run_scoped3A_137 = tpu.sem_alloc : memref<!tpu.dma_semaphore, #tpu.memory_space<semaphore_mem>>
          %dma_start3A_138 = arith.constant 0 : i32
          %dma_start3A_139 = tpu.memref_slice %arg8[%mul3A_112, %dma_start3A_138] : memref<40x128xi32, #tpu.memory_space<vmem>> -> memref<1x128xi32, #tpu.memory_space<vmem>>
          %dma_start3A_140 = tpu.memref_squeeze %dma_start3A_139 : memref<1x128xi32, #tpu.memory_space<vmem>> -> memref<128xi32, #tpu.memory_space<vmem>>
          %dma_start3A_141 = arith.constant 0 : i32
          %dma_start3A_142 = arith.constant 0 : i32
          %dma_start3A_143 = tpu.memref_slice %arg6[%dma_start3A_141, %dma_start3A_142] : memref<10112x128xf32, #tpu.memory_space<vmem_shared>> -> memref<10112x128xf32, #tpu.memory_space<vmem_shared>>
          tpu.enqueue_indirect_dma source(%arg9 : memref<128x128xf32, #tpu.memory_space<vmem>>) target(%dma_start3A_143 : memref<10112x128xf32, #tpu.memory_space<vmem_shared>>) offsets(%dma_start3A_140 : memref<128xi32, #tpu.memory_space<vmem>>) semaphore(%run_scoped3A_137 : memref<!tpu.dma_semaphore, #tpu.memory_space<semaphore_mem>>) {add = true}
          %dma_wait3A_144 = arith.constant 0 : i32
          %dma_wait3A_145 = tpu.memref_slice %arg8[%mul3A_112, %dma_wait3A_144] : memref<40x128xi32, #tpu.memory_space<vmem>> -> memref<1x128xi32, #tpu.memory_space<vmem>>
          %dma_wait3A_146 = tpu.memref_squeeze %dma_wait3A_145 : memref<1x128xi32, #tpu.memory_space<vmem>> -> memref<128xi32, #tpu.memory_space<vmem>>
          %dma_wait3A_147 = arith.constant 0 : i32
          %dma_wait3A_148 = arith.constant 0 : i32
          %dma_wait3A_149 = tpu.memref_slice %arg6[%dma_wait3A_147, %dma_wait3A_148] : memref<10112x128xf32, #tpu.memory_space<vmem_shared>> -> memref<10112x128xf32, #tpu.memory_space<vmem_shared>>
          tpu.wait_indirect_dma semaphore(%run_scoped3A_137 : memref<!tpu.dma_semaphore, #tpu.memory_space<semaphore_mem>>) src(%arg9 : memref<128x128xf32, #tpu.memory_space<vmem>>) dst(%dma_wait3A_149 : memref<10112x128xf32, #tpu.memory_space<vmem_shared>>)
          tpu.yield
        }) : () -> ()
        %mul3A_113 = arith.constant 2 : i32
        %mul3A_114 = arith.muli %mul3A_113, %add3A_92 : i32
        %add3A_115 = arith.constant 2 : i32
        %add3A_116 = arith.addi %mul3A_114, %add3A_115 : i32
        %dma_start3A_117 = arith.constant 0 : i32
        %dma_start3A_118 = tpu.memref_slice %arg7[%add3A_116, %dma_start3A_117] : memref<40x128xi32, #tpu.memory_space<vmem>> -> memref<1x128xi32, #tpu.memory_space<vmem>>
        %dma_start3A_119 = tpu.memref_squeeze %dma_start3A_118 : memref<1x128xi32, #tpu.memory_space<vmem>> -> memref<128xi32, #tpu.memory_space<vmem>>
        %dma_start3A_120 = arith.constant 0 : i32
        %dma_start3A_121 = arith.constant 0 : i32
        %dma_start3A_122 = tpu.memref_slice %arg2[%dma_start3A_120, %dma_start3A_121] : memref<10000x128xf32, #tpu.memory_space<hbm>> -> memref<10000x128xf32, #tpu.memory_space<hbm>>
        tpu.enqueue_indirect_dma source(%dma_start3A_122 : memref<10000x128xf32, #tpu.memory_space<hbm>>) target(%arg9 : memref<128x128xf32, #tpu.memory_space<vmem>>) offsets(%dma_start3A_119 : memref<128xi32, #tpu.memory_space<vmem>>) semaphore(%arg11 : memref<!tpu.dma_semaphore, #tpu.memory_space<semaphore_mem>>)
        %mul3A_123 = arith.constant 2 : i32
        %mul3A_124 = arith.muli %mul3A_123, %add3A_92 : i32
        %add3A_125 = arith.constant 1 : i32
        %add3A_126 = arith.addi %mul3A_124, %add3A_125 : i32
        %dma_wait3A_127 = arith.constant 0 : i32
        %dma_wait3A_128 = tpu.memref_slice %arg7[%add3A_126, %dma_wait3A_127] : memref<40x128xi32, #tpu.memory_space<vmem>> -> memref<1x128xi32, #tpu.memory_space<vmem>>
        %dma_wait3A_129 = tpu.memref_squeeze %dma_wait3A_128 : memref<1x128xi32, #tpu.memory_space<vmem>> -> memref<128xi32, #tpu.memory_space<vmem>>
        %dma_wait3A_130 = arith.constant 0 : i32
        %dma_wait3A_131 = arith.constant 0 : i32
        %dma_wait3A_132 = tpu.memref_slice %arg2[%dma_wait3A_130, %dma_wait3A_131] : memref<10000x128xf32, #tpu.memory_space<hbm>> -> memref<10000x128xf32, #tpu.memory_space<hbm>>
        tpu.wait_indirect_dma semaphore(%arg12 : memref<!tpu.dma_semaphore, #tpu.memory_space<semaphore_mem>>) src(%dma_wait3A_132 : memref<10000x128xf32, #tpu.memory_space<hbm>>) dst(%arg10 : memref<128x128xf32, #tpu.memory_space<vmem>>)
        %mul3A_133 = arith.constant 2 : i32
        %mul3A_134 = arith.muli %mul3A_133, %add3A_92 : i32
        %add3A_135 = arith.constant 1 : i32
        %add3A_136 = arith.addi %mul3A_134, %add3A_135 : i32
        "tpu.region"() ({
          %run_scoped3A_137 = tpu.sem_alloc : memref<!tpu.dma_semaphore, #tpu.memory_space<semaphore_mem>>
          %dma_start3A_138 = arith.constant 0 : i32
          %dma_start3A_139 = tpu.memref_slice %arg8[%add3A_136, %dma_start3A_138] : memref<40x128xi32, #tpu.memory_space<vmem>> -> memref<1x128xi32, #tpu.memory_space<vmem>>
          %dma_start3A_140 = tpu.memref_squeeze %dma_start3A_139 : memref<1x128xi32, #tpu.memory_space<vmem>> -> memref<128xi32, #tpu.memory_space<vmem>>
          %dma_start3A_141 = arith.constant 0 : i32
          %dma_start3A_142 = arith.constant 0 : i32
          %dma_start3A_143 = tpu.memref_slice %arg6[%dma_start3A_141, %dma_start3A_142] : memref<10112x128xf32, #tpu.memory_space<vmem_shared>> -> memref<10112x128xf32, #tpu.memory_space<vmem_shared>>
          tpu.enqueue_indirect_dma source(%arg10 : memref<128x128xf32, #tpu.memory_space<vmem>>) target(%dma_start3A_143 : memref<10112x128xf32, #tpu.memory_space<vmem_shared>>) offsets(%dma_start3A_140 : memref<128xi32, #tpu.memory_space<vmem>>) semaphore(%run_scoped3A_137 : memref<!tpu.dma_semaphore, #tpu.memory_space<semaphore_mem>>) {add = true}
          %dma_wait3A_144 = arith.constant 0 : i32
          %dma_wait3A_145 = tpu.memref_slice %arg8[%add3A_136, %dma_wait3A_144] : memref<40x128xi32, #tpu.memory_space<vmem>> -> memref<1x128xi32, #tpu.memory_space<vmem>>
          %dma_wait3A_146 = tpu.memref_squeeze %dma_wait3A_145 : memref<1x128xi32, #tpu.memory_space<vmem>> -> memref<128xi32, #tpu.memory_space<vmem>>
          %dma_wait3A_147 = arith.constant 0 : i32
          %dma_wait3A_148 = arith.constant 0 : i32
          %dma_wait3A_149 = tpu.memref_slice %arg6[%dma_wait3A_147, %dma_wait3A_148] : memref<10112x128xf32, #tpu.memory_space<vmem_shared>> -> memref<10112x128xf32, #tpu.memory_space<vmem_shared>>
          tpu.wait_indirect_dma semaphore(%run_scoped3A_137 : memref<!tpu.dma_semaphore, #tpu.memory_space<semaphore_mem>>) src(%arg10 : memref<128x128xf32, #tpu.memory_space<vmem>>) dst(%dma_wait3A_149 : memref<10112x128xf32, #tpu.memory_space<vmem_shared>>)
          tpu.yield
        }) : () -> ()
      }
      %scan3A_66 = arith.constant 19 : i32
      %dma_start3A_67 = arith.constant 39 : i32
      %dma_start3A_68 = arith.constant 0 : i32
      %dma_start3A_69 = tpu.memref_slice %arg7[%dma_start3A_67, %dma_start3A_68] : memref<40x128xi32, #tpu.memory_space<vmem>> -> memref<1x128xi32, #tpu.memory_space<vmem>>
      %dma_start3A_70 = tpu.memref_squeeze %dma_start3A_69 : memref<1x128xi32, #tpu.memory_space<vmem>> -> memref<128xi32, #tpu.memory_space<vmem>>
      %dma_start3A_71 = arith.constant 0 : i32
      %dma_start3A_72 = arith.constant 0 : i32
      %dma_start3A_73 = tpu.memref_slice %arg2[%dma_start3A_71, %dma_start3A_72] : memref<10000x128xf32, #tpu.memory_space<hbm>> -> memref<10000x128xf32, #tpu.memory_space<hbm>>
      tpu.enqueue_indirect_dma source(%dma_start3A_73 : memref<10000x128xf32, #tpu.memory_space<hbm>>) target(%arg10 : memref<128x128xf32, #tpu.memory_space<vmem>>) offsets(%dma_start3A_70 : memref<128xi32, #tpu.memory_space<vmem>>) semaphore(%arg12 : memref<!tpu.dma_semaphore, #tpu.memory_space<semaphore_mem>>)
      %dma_wait3A = arith.constant 38 : i32
      %dma_wait3A_74 = arith.constant 0 : i32
      %dma_wait3A_75 = tpu.memref_slice %arg7[%dma_wait3A, %dma_wait3A_74] : memref<40x128xi32, #tpu.memory_space<vmem>> -> memref<1x128xi32, #tpu.memory_space<vmem>>
      %dma_wait3A_76 = tpu.memref_squeeze %dma_wait3A_75 : memref<1x128xi32, #tpu.memory_space<vmem>> -> memref<128xi32, #tpu.memory_space<vmem>>
      %dma_wait3A_77 = arith.constant 0 : i32
      %dma_wait3A_78 = arith.constant 0 : i32
      %dma_wait3A_79 = tpu.memref_slice %arg2[%dma_wait3A_77, %dma_wait3A_78] : memref<10000x128xf32, #tpu.memory_space<hbm>> -> memref<10000x128xf32, #tpu.memory_space<hbm>>
      tpu.wait_indirect_dma semaphore(%arg11 : memref<!tpu.dma_semaphore, #tpu.memory_space<semaphore_mem>>) src(%dma_wait3A_79 : memref<10000x128xf32, #tpu.memory_space<hbm>>) dst(%arg9 : memref<128x128xf32, #tpu.memory_space<vmem>>)
      %run_scoped3A = arith.constant 38 : i32
      "tpu.region"() ({
        %run_scoped3A_88 = tpu.sem_alloc : memref<!tpu.dma_semaphore, #tpu.memory_space<semaphore_mem>>
        %dma_start3A_89 = arith.constant 0 : i32
        %dma_start3A_90 = tpu.memref_slice %arg8[%run_scoped3A, %dma_start3A_89] : memref<40x128xi32, #tpu.memory_space<vmem>> -> memref<1x128xi32, #tpu.memory_space<vmem>>
        %dma_start3A_91 = tpu.memref_squeeze %dma_start3A_90 : memref<1x128xi32, #tpu.memory_space<vmem>> -> memref<128xi32, #tpu.memory_space<vmem>>
        %dma_start3A_92 = arith.constant 0 : i32
        %dma_start3A_93 = arith.constant 0 : i32
        %dma_start3A_94 = tpu.memref_slice %arg6[%dma_start3A_92, %dma_start3A_93] : memref<10112x128xf32, #tpu.memory_space<vmem_shared>> -> memref<10112x128xf32, #tpu.memory_space<vmem_shared>>
        tpu.enqueue_indirect_dma source(%arg9 : memref<128x128xf32, #tpu.memory_space<vmem>>) target(%dma_start3A_94 : memref<10112x128xf32, #tpu.memory_space<vmem_shared>>) offsets(%dma_start3A_91 : memref<128xi32, #tpu.memory_space<vmem>>) semaphore(%run_scoped3A_88 : memref<!tpu.dma_semaphore, #tpu.memory_space<semaphore_mem>>) {add = true}
        %dma_wait3A_95 = arith.constant 0 : i32
        %dma_wait3A_96 = tpu.memref_slice %arg8[%run_scoped3A, %dma_wait3A_95] : memref<40x128xi32, #tpu.memory_space<vmem>> -> memref<1x128xi32, #tpu.memory_space<vmem>>
        %dma_wait3A_97 = tpu.memref_squeeze %dma_wait3A_96 : memref<1x128xi32, #tpu.memory_space<vmem>> -> memref<128xi32, #tpu.memory_space<vmem>>
        %dma_wait3A_98 = arith.constant 0 : i32
        %dma_wait3A_99 = arith.constant 0 : i32
        %dma_wait3A_100 = tpu.memref_slice %arg6[%dma_wait3A_98, %dma_wait3A_99] : memref<10112x128xf32, #tpu.memory_space<vmem_shared>> -> memref<10112x128xf32, #tpu.memory_space<vmem_shared>>
        tpu.wait_indirect_dma semaphore(%run_scoped3A_88 : memref<!tpu.dma_semaphore, #tpu.memory_space<semaphore_mem>>) src(%arg9 : memref<128x128xf32, #tpu.memory_space<vmem>>) dst(%dma_wait3A_100 : memref<10112x128xf32, #tpu.memory_space<vmem_shared>>)
        tpu.yield
      }) : () -> ()
      %dma_wait3A_80 = arith.constant 39 : i32
      %dma_wait3A_81 = arith.constant 0 : i32
      %dma_wait3A_82 = tpu.memref_slice %arg7[%dma_wait3A_80, %dma_wait3A_81] : memref<40x128xi32, #tpu.memory_space<vmem>> -> memref<1x128xi32, #tpu.memory_space<vmem>>
      %dma_wait3A_83 = tpu.memref_squeeze %dma_wait3A_82 : memref<1x128xi32, #tpu.memory_space<vmem>> -> memref<128xi32, #tpu.memory_space<vmem>>
      %dma_wait3A_84 = arith.constant 0 : i32
      %dma_wait3A_85 = arith.constant 0 : i32
      %dma_wait3A_86 = tpu.memref_slice %arg2[%dma_wait3A_84, %dma_wait3A_85] : memref<10000x128xf32, #tpu.memory_space<hbm>> -> memref<10000x128xf32, #tpu.memory_space<hbm>>
      tpu.wait_indirect_dma semaphore(%arg12 : memref<!tpu.dma_semaphore, #tpu.memory_space<semaphore_mem>>) src(%dma_wait3A_86 : memref<10000x128xf32, #tpu.memory_space<hbm>>) dst(%arg10 : memref<128x128xf32, #tpu.memory_space<vmem>>)
      %run_scoped3A_87 = arith.constant 39 : i32
      "tpu.region"() ({
        %run_scoped3A_88 = tpu.sem_alloc : memref<!tpu.dma_semaphore, #tpu.memory_space<semaphore_mem>>
        %dma_start3A_89 = arith.constant 0 : i32
        %dma_start3A_90 = tpu.memref_slice %arg8[%run_scoped3A_87, %dma_start3A_89] : memref<40x128xi32, #tpu.memory_space<vmem>> -> memref<1x128xi32, #tpu.memory_space<vmem>>
        %dma_start3A_91 = tpu.memref_squeeze %dma_start3A_90 : memref<1x128xi32, #tpu.memory_space<vmem>> -> memref<128xi32, #tpu.memory_space<vmem>>
        %dma_start3A_92 = arith.constant 0 : i32
        %dma_start3A_93 = arith.constant 0 : i32
        %dma_start3A_94 = tpu.memref_slice %arg6[%dma_start3A_92, %dma_start3A_93] : memref<10112x128xf32, #tpu.memory_space<vmem_shared>> -> memref<10112x128xf32, #tpu.memory_space<vmem_shared>>
        tpu.enqueue_indirect_dma source(%arg10 : memref<128x128xf32, #tpu.memory_space<vmem>>) target(%dma_start3A_94 : memref<10112x128xf32, #tpu.memory_space<vmem_shared>>) offsets(%dma_start3A_91 : memref<128xi32, #tpu.memory_space<vmem>>) semaphore(%run_scoped3A_88 : memref<!tpu.dma_semaphore, #tpu.memory_space<semaphore_mem>>) {add = true}
        %dma_wait3A_95 = arith.constant 0 : i32
        %dma_wait3A_96 = tpu.memref_slice %arg8[%run_scoped3A_87, %dma_wait3A_95] : memref<40x128xi32, #tpu.memory_space<vmem>> -> memref<1x128xi32, #tpu.memory_space<vmem>>
        %dma_wait3A_97 = tpu.memref_squeeze %dma_wait3A_96 : memref<1x128xi32, #tpu.memory_space<vmem>> -> memref<128xi32, #tpu.memory_space<vmem>>
        %dma_wait3A_98 = arith.constant 0 : i32
        %dma_wait3A_99 = arith.constant 0 : i32
        %dma_wait3A_100 = tpu.memref_slice %arg6[%dma_wait3A_98, %dma_wait3A_99] : memref<10112x128xf32, #tpu.memory_space<vmem_shared>> -> memref<10112x128xf32, #tpu.memory_space<vmem_shared>>
        tpu.wait_indirect_dma semaphore(%run_scoped3A_88 : memref<!tpu.dma_semaphore, #tpu.memory_space<semaphore_mem>>) src(%arg10 : memref<128x128xf32, #tpu.memory_space<vmem>>) dst(%dma_wait3A_100 : memref<10112x128xf32, #tpu.memory_space<vmem_shared>>)
        tpu.yield
      }) : () -> ()
    }
    %scan3A_23 = arith.constant 2 : i32
    %barrier3A_24 = arith.constant 0 : index
    tpu.barrier barrier_id(%barrier3A_24)
    %add3A_25 = arith.constant 0 : i32
    %add3A_26 = arith.addi %mul3A_0, %add3A_25 : i32
    "tpu.region"() ({
      %run_scoped3A = tpu.sem_alloc : memref<!tpu.dma_semaphore, #tpu.memory_space<semaphore_mem>>
      %dma_start3A = arith.constant 0 : i32
      %dma_start3A_45 = arith.constant 0 : i32
      %dma_start3A_46 = tpu.memref_slice %arg9[%dma_start3A, %dma_start3A_45] : memref<128x128xf32, #tpu.memory_space<vmem>> -> memref<128x128xf32, #tpu.memory_space<vmem>>
      %dma_start3A_47 = arith.constant 0 : i32
      %dma_start3A_48 = tpu.memref_slice %arg6[%add3A_26, %dma_start3A_47] : memref<10112x128xf32, #tpu.memory_space<vmem_shared>> -> memref<128x128xf32, #tpu.memory_space<vmem_shared>>
      %dma_start3A_49 = arith.constant 0 : i32
      %dma_start3A_50 = arith.constant 0 : i32
      %dma_start3A_51 = tpu.memref_slice %arg9[%dma_start3A_49, %dma_start3A_50] : memref<128x128xf32, #tpu.memory_space<vmem>> -> memref<128x128xf32, #tpu.memory_space<vmem>>
      %dma_start3A_52 = arith.constant 0 : i32
      %dma_start3A_53 = tpu.memref_slice %arg6[%add3A_26, %dma_start3A_52] : memref<10112x128xf32, #tpu.memory_space<vmem_shared>> -> memref<128x128xf32, #tpu.memory_space<vmem_shared>>
      tpu.enqueue_dma source(%dma_start3A_53 : memref<128x128xf32, #tpu.memory_space<vmem_shared>>) target(%dma_start3A_51 : memref<128x128xf32, #tpu.memory_space<vmem>>) target_semaphore(%run_scoped3A : memref<!tpu.dma_semaphore, #tpu.memory_space<semaphore_mem>>)
      %dma_wait3A = arith.constant 0 : i32
      %dma_wait3A_54 = arith.constant 0 : i32
      %dma_wait3A_55 = tpu.memref_slice %arg9[%dma_wait3A, %dma_wait3A_54] : memref<128x128xf32, #tpu.memory_space<vmem>> -> memref<128x128xf32, #tpu.memory_space<vmem>>
      %dma_wait3A_56 = arith.constant 0 : i32
      %dma_wait3A_57 = tpu.memref_slice %arg6[%add3A_26, %dma_wait3A_56] : memref<10112x128xf32, #tpu.memory_space<vmem_shared>> -> memref<128x128xf32, #tpu.memory_space<vmem_shared>>
      %dma_wait3A_58 = arith.constant 0 : i32
      %dma_wait3A_59 = arith.constant 0 : i32
      %dma_wait3A_60 = tpu.memref_slice %arg9[%dma_wait3A_58, %dma_wait3A_59] : memref<128x128xf32, #tpu.memory_space<vmem>> -> memref<128x128xf32, #tpu.memory_space<vmem>>
      %dma_wait3A_61 = arith.constant 0 : i32
      %dma_wait3A_62 = tpu.memref_slice %arg6[%add3A_26, %dma_wait3A_61] : memref<10112x128xf32, #tpu.memory_space<vmem_shared>> -> memref<128x128xf32, #tpu.memory_space<vmem_shared>>
      tpu.wait_dma2 semaphore(%run_scoped3A : memref<!tpu.dma_semaphore, #tpu.memory_space<semaphore_mem>>) src(%dma_wait3A_62 : memref<128x128xf32, #tpu.memory_space<vmem_shared>>) dst(%dma_wait3A_60 : memref<128x128xf32, #tpu.memory_space<vmem>>)
      tpu.yield
    }) : () -> ()
    %add3A_27 = arith.constant 0 : i32
    %add3A_28 = arith.addi %mul3A_0, %add3A_27 : i32
    "tpu.region"() ({
      %run_scoped3A = tpu.sem_alloc : memref<!tpu.dma_semaphore, #tpu.memory_space<semaphore_mem>>
      %dma_start3A = arith.constant 0 : i32
      %dma_start3A_45 = arith.constant 0 : i32
      %dma_start3A_46 = tpu.memref_slice %arg9[%dma_start3A, %dma_start3A_45] : memref<128x128xf32, #tpu.memory_space<vmem>> -> memref<128x128xf32, #tpu.memory_space<vmem>>
      %dma_start3A_47 = arith.constant 0 : i32
      %dma_start3A_48 = tpu.memref_slice %arg5[%arg0, %add3A_28, %dma_start3A_47] : memref<2x10112x128xf32, #tpu.memory_space<hbm>> -> memref<1x128x128xf32, #tpu.memory_space<hbm>>
      %dma_start3A_49 = tpu.memref_squeeze %dma_start3A_48 : memref<1x128x128xf32, #tpu.memory_space<hbm>> -> memref<128x128xf32, #tpu.memory_space<hbm>>
      %dma_start3A_50 = arith.constant 0 : i32
      %dma_start3A_51 = tpu.memref_slice %arg5[%arg0, %add3A_28, %dma_start3A_50] : memref<2x10112x128xf32, #tpu.memory_space<hbm>> -> memref<1x128x128xf32, #tpu.memory_space<hbm>>
      %dma_start3A_52 = tpu.memref_squeeze %dma_start3A_51 : memref<1x128x128xf32, #tpu.memory_space<hbm>> -> memref<128x128xf32, #tpu.memory_space<hbm>>
      %dma_start3A_53 = arith.constant 0 : i32
      %dma_start3A_54 = arith.constant 0 : i32
      %dma_start3A_55 = tpu.memref_slice %arg9[%dma_start3A_53, %dma_start3A_54] : memref<128x128xf32, #tpu.memory_space<vmem>> -> memref<128x128xf32, #tpu.memory_space<vmem>>
      tpu.enqueue_dma source(%dma_start3A_55 : memref<128x128xf32, #tpu.memory_space<vmem>>) target(%dma_start3A_52 : memref<128x128xf32, #tpu.memory_space<hbm>>) target_semaphore(%run_scoped3A : memref<!tpu.dma_semaphore, #tpu.memory_space<semaphore_mem>>)
      %dma_wait3A = arith.constant 0 : i32
      %dma_wait3A_56 = arith.constant 0 : i32
      %dma_wait3A_57 = tpu.memref_slice %arg9[%dma_wait3A, %dma_wait3A_56] : memref<128x128xf32, #tpu.memory_space<vmem>> -> memref<128x128xf32, #tpu.memory_space<vmem>>
      %dma_wait3A_58 = arith.constant 0 : i32
      %dma_wait3A_59 = tpu.memref_slice %arg5[%arg0, %add3A_28, %dma_wait3A_58] : memref<2x10112x128xf32, #tpu.memory_space<hbm>> -> memref<1x128x128xf32, #tpu.memory_space<hbm>>
      %dma_wait3A_60 = tpu.memref_squeeze %dma_wait3A_59 : memref<1x128x128xf32, #tpu.memory_space<hbm>> -> memref<128x128xf32, #tpu.memory_space<hbm>>
      %dma_wait3A_61 = arith.constant 0 : i32
      %dma_wait3A_62 = tpu.memref_slice %arg5[%arg0, %add3A_28, %dma_wait3A_61] : memref<2x10112x128xf32, #tpu.memory_space<hbm>> -> memref<1x128x128xf32, #tpu.memory_space<hbm>>
      %dma_wait3A_63 = tpu.memref_squeeze %dma_wait3A_62 : memref<1x128x128xf32, #tpu.memory_space<hbm>> -> memref<128x128xf32, #tpu.memory_space<hbm>>
      %dma_wait3A_64 = arith.constant 0 : i32
      %dma_wait3A_65 = arith.constant 0 : i32
      %dma_wait3A_66 = tpu.memref_slice %arg9[%dma_wait3A_64, %dma_wait3A_65] : memref<128x128xf32, #tpu.memory_space<vmem>> -> memref<128x128xf32, #tpu.memory_space<vmem>>
      tpu.wait_dma2 semaphore(%run_scoped3A : memref<!tpu.dma_semaphore, #tpu.memory_space<semaphore_mem>>) src(%dma_wait3A_66 : memref<128x128xf32, #tpu.memory_space<vmem>>) dst(%dma_wait3A_63 : memref<128x128xf32, #tpu.memory_space<hbm>>)
      tpu.yield
    }) : () -> ()
    %add3A_29 = arith.constant 128 : i32
    %add3A_30 = arith.addi %mul3A_0, %add3A_29 : i32
    "tpu.region"() ({
      %run_scoped3A = tpu.sem_alloc : memref<!tpu.dma_semaphore, #tpu.memory_space<semaphore_mem>>
      %dma_start3A = arith.constant 0 : i32
      %dma_start3A_45 = arith.constant 0 : i32
      %dma_start3A_46 = tpu.memref_slice %arg9[%dma_start3A, %dma_start3A_45] : memref<128x128xf32, #tpu.memory_space<vmem>> -> memref<128x128xf32, #tpu.memory_space<vmem>>
      %dma_start3A_47 = arith.constant 0 : i32
      %dma_start3A_48 = tpu.memref_slice %arg6[%add3A_30, %dma_start3A_47] : memref<10112x128xf32, #tpu.memory_space<vmem_shared>> -> memref<128x128xf32, #tpu.memory_space<vmem_shared>>
      %dma_start3A_49 = arith.constant 0 : i32
      %dma_start3A_50 = arith.constant 0 : i32
      %dma_start3A_51 = tpu.memref_slice %arg9[%dma_start3A_49, %dma_start3A_50] : memref<128x128xf32, #tpu.memory_space<vmem>> -> memref<128x128xf32, #tpu.memory_space<vmem>>
      %dma_start3A_52 = arith.constant 0 : i32
      %dma_start3A_53 = tpu.memref_slice %arg6[%add3A_30, %dma_start3A_52] : memref<10112x128xf32, #tpu.memory_space<vmem_shared>> -> memref<128x128xf32, #tpu.memory_space<vmem_shared>>
      tpu.enqueue_dma source(%dma_start3A_53 : memref<128x128xf32, #tpu.memory_space<vmem_shared>>) target(%dma_start3A_51 : memref<128x128xf32, #tpu.memory_space<vmem>>) target_semaphore(%run_scoped3A : memref<!tpu.dma_semaphore, #tpu.memory_space<semaphore_mem>>)
      %dma_wait3A = arith.constant 0 : i32
      %dma_wait3A_54 = arith.constant 0 : i32
      %dma_wait3A_55 = tpu.memref_slice %arg9[%dma_wait3A, %dma_wait3A_54] : memref<128x128xf32, #tpu.memory_space<vmem>> -> memref<128x128xf32, #tpu.memory_space<vmem>>
      %dma_wait3A_56 = arith.constant 0 : i32
      %dma_wait3A_57 = tpu.memref_slice %arg6[%add3A_30, %dma_wait3A_56] : memref<10112x128xf32, #tpu.memory_space<vmem_shared>> -> memref<128x128xf32, #tpu.memory_space<vmem_shared>>
      %dma_wait3A_58 = arith.constant 0 : i32
      %dma_wait3A_59 = arith.constant 0 : i32
      %dma_wait3A_60 = tpu.memref_slice %arg9[%dma_wait3A_58, %dma_wait3A_59] : memref<128x128xf32, #tpu.memory_space<vmem>> -> memref<128x128xf32, #tpu.memory_space<vmem>>
      %dma_wait3A_61 = arith.constant 0 : i32
      %dma_wait3A_62 = tpu.memref_slice %arg6[%add3A_30, %dma_wait3A_61] : memref<10112x128xf32, #tpu.memory_space<vmem_shared>> -> memref<128x128xf32, #tpu.memory_space<vmem_shared>>
      tpu.wait_dma2 semaphore(%run_scoped3A : memref<!tpu.dma_semaphore, #tpu.memory_space<semaphore_mem>>) src(%dma_wait3A_62 : memref<128x128xf32, #tpu.memory_space<vmem_shared>>) dst(%dma_wait3A_60 : memref<128x128xf32, #tpu.memory_space<vmem>>)
      tpu.yield
    }) : () -> ()
    %add3A_31 = arith.constant 128 : i32
    %add3A_32 = arith.addi %mul3A_0, %add3A_31 : i32
    "tpu.region"() ({
      %run_scoped3A = tpu.sem_alloc : memref<!tpu.dma_semaphore, #tpu.memory_space<semaphore_mem>>
      %dma_start3A = arith.constant 0 : i32
      %dma_start3A_45 = arith.constant 0 : i32
      %dma_start3A_46 = tpu.memref_slice %arg9[%dma_start3A, %dma_start3A_45] : memref<128x128xf32, #tpu.memory_space<vmem>> -> memref<128x128xf32, #tpu.memory_space<vmem>>
      %dma_start3A_47 = arith.constant 0 : i32
      %dma_start3A_48 = tpu.memref_slice %arg5[%arg0, %add3A_32, %dma_start3A_47] : memref<2x10112x128xf32, #tpu.memory_space<hbm>> -> memref<1x128x128xf32, #tpu.memory_space<hbm>>
      %dma_start3A_49 = tpu.memref_squeeze %dma_start3A_48 : memref<1x128x128xf32, #tpu.memory_space<hbm>> -> memref<128x128xf32, #tpu.memory_space<hbm>>
      %dma_start3A_50 = arith.constant 0 : i32
      %dma_start3A_51 = tpu.memref_slice %arg5[%arg0, %add3A_32, %dma_start3A_50] : memref<2x10112x128xf32, #tpu.memory_space<hbm>> -> memref<1x128x128xf32, #tpu.memory_space<hbm>>
      %dma_start3A_52 = tpu.memref_squeeze %dma_start3A_51 : memref<1x128x128xf32, #tpu.memory_space<hbm>> -> memref<128x128xf32, #tpu.memory_space<hbm>>
      %dma_start3A_53 = arith.constant 0 : i32
      %dma_start3A_54 = arith.constant 0 : i32
      %dma_start3A_55 = tpu.memref_slice %arg9[%dma_start3A_53, %dma_start3A_54] : memref<128x128xf32, #tpu.memory_space<vmem>> -> memref<128x128xf32, #tpu.memory_space<vmem>>
      tpu.enqueue_dma source(%dma_start3A_55 : memref<128x128xf32, #tpu.memory_space<vmem>>) target(%dma_start3A_52 : memref<128x128xf32, #tpu.memory_space<hbm>>) target_semaphore(%run_scoped3A : memref<!tpu.dma_semaphore, #tpu.memory_space<semaphore_mem>>)
      %dma_wait3A = arith.constant 0 : i32
      %dma_wait3A_56 = arith.constant 0 : i32
      %dma_wait3A_57 = tpu.memref_slice %arg9[%dma_wait3A, %dma_wait3A_56] : memref<128x128xf32, #tpu.memory_space<vmem>> -> memref<128x128xf32, #tpu.memory_space<vmem>>
      %dma_wait3A_58 = arith.constant 0 : i32
      %dma_wait3A_59 = tpu.memref_slice %arg5[%arg0, %add3A_32, %dma_wait3A_58] : memref<2x10112x128xf32, #tpu.memory_space<hbm>> -> memref<1x128x128xf32, #tpu.memory_space<hbm>>
      %dma_wait3A_60 = tpu.memref_squeeze %dma_wait3A_59 : memref<1x128x128xf32, #tpu.memory_space<hbm>> -> memref<128x128xf32, #tpu.memory_space<hbm>>
      %dma_wait3A_61 = arith.constant 0 : i32
      %dma_wait3A_62 = tpu.memref_slice %arg5[%arg0, %add3A_32, %dma_wait3A_61] : memref<2x10112x128xf32, #tpu.memory_space<hbm>> -> memref<1x128x128xf32, #tpu.memory_space<hbm>>
      %dma_wait3A_63 = tpu.memref_squeeze %dma_wait3A_62 : memref<1x128x128xf32, #tpu.memory_space<hbm>> -> memref<128x128xf32, #tpu.memory_space<hbm>>
      %dma_wait3A_64 = arith.constant 0 : i32
      %dma_wait3A_65 = arith.constant 0 : i32
      %dma_wait3A_66 = tpu.memref_slice %arg9[%dma_wait3A_64, %dma_wait3A_65] : memref<128x128xf32, #tpu.memory_space<vmem>> -> memref<128x128xf32, #tpu.memory_space<vmem>>
      tpu.wait_dma2 semaphore(%run_scoped3A : memref<!tpu.dma_semaphore, #tpu.memory_space<semaphore_mem>>) src(%dma_wait3A_66 : memref<128x128xf32, #tpu.memory_space<vmem>>) dst(%dma_wait3A_63 : memref<128x128xf32, #tpu.memory_space<hbm>>)
      tpu.yield
    }) : () -> ()
    %add3A_33 = arith.constant 256 : i32
    %add3A_34 = arith.addi %mul3A_0, %add3A_33 : i32
    "tpu.region"() ({
      %run_scoped3A = tpu.sem_alloc : memref<!tpu.dma_semaphore, #tpu.memory_space<semaphore_mem>>
      %dma_start3A = arith.constant 0 : i32
      %dma_start3A_45 = arith.constant 0 : i32
      %dma_start3A_46 = tpu.memref_slice %arg9[%dma_start3A, %dma_start3A_45] : memref<128x128xf32, #tpu.memory_space<vmem>> -> memref<128x128xf32, #tpu.memory_space<vmem>>
      %dma_start3A_47 = arith.constant 0 : i32
      %dma_start3A_48 = tpu.memref_slice %arg6[%add3A_34, %dma_start3A_47] : memref<10112x128xf32, #tpu.memory_space<vmem_shared>> -> memref<128x128xf32, #tpu.memory_space<vmem_shared>>
      %dma_start3A_49 = arith.constant 0 : i32
      %dma_start3A_50 = arith.constant 0 : i32
      %dma_start3A_51 = tpu.memref_slice %arg9[%dma_start3A_49, %dma_start3A_50] : memref<128x128xf32, #tpu.memory_space<vmem>> -> memref<128x128xf32, #tpu.memory_space<vmem>>
      %dma_start3A_52 = arith.constant 0 : i32
      %dma_start3A_53 = tpu.memref_slice %arg6[%add3A_34, %dma_start3A_52] : memref<10112x128xf32, #tpu.memory_space<vmem_shared>> -> memref<128x128xf32, #tpu.memory_space<vmem_shared>>
      tpu.enqueue_dma source(%dma_start3A_53 : memref<128x128xf32, #tpu.memory_space<vmem_shared>>) target(%dma_start3A_51 : memref<128x128xf32, #tpu.memory_space<vmem>>) target_semaphore(%run_scoped3A : memref<!tpu.dma_semaphore, #tpu.memory_space<semaphore_mem>>)
      %dma_wait3A = arith.constant 0 : i32
      %dma_wait3A_54 = arith.constant 0 : i32
      %dma_wait3A_55 = tpu.memref_slice %arg9[%dma_wait3A, %dma_wait3A_54] : memref<128x128xf32, #tpu.memory_space<vmem>> -> memref<128x128xf32, #tpu.memory_space<vmem>>
      %dma_wait3A_56 = arith.constant 0 : i32
      %dma_wait3A_57 = tpu.memref_slice %arg6[%add3A_34, %dma_wait3A_56] : memref<10112x128xf32, #tpu.memory_space<vmem_shared>> -> memref<128x128xf32, #tpu.memory_space<vmem_shared>>
      %dma_wait3A_58 = arith.constant 0 : i32
      %dma_wait3A_59 = arith.constant 0 : i32
      %dma_wait3A_60 = tpu.memref_slice %arg9[%dma_wait3A_58, %dma_wait3A_59] : memref<128x128xf32, #tpu.memory_space<vmem>> -> memref<128x128xf32, #tpu.memory_space<vmem>>
      %dma_wait3A_61 = arith.constant 0 : i32
      %dma_wait3A_62 = tpu.memref_slice %arg6[%add3A_34, %dma_wait3A_61] : memref<10112x128xf32, #tpu.memory_space<vmem_shared>> -> memref<128x128xf32, #tpu.memory_space<vmem_shared>>
      tpu.wait_dma2 semaphore(%run_scoped3A : memref<!tpu.dma_semaphore, #tpu.memory_space<semaphore_mem>>) src(%dma_wait3A_62 : memref<128x128xf32, #tpu.memory_space<vmem_shared>>) dst(%dma_wait3A_60 : memref<128x128xf32, #tpu.memory_space<vmem>>)
      tpu.yield
    }) : () -> ()
    %add3A_35 = arith.constant 256 : i32
    %add3A_36 = arith.addi %mul3A_0, %add3A_35 : i32
    "tpu.region"() ({
      %run_scoped3A = tpu.sem_alloc : memref<!tpu.dma_semaphore, #tpu.memory_space<semaphore_mem>>
      %dma_start3A = arith.constant 0 : i32
      %dma_start3A_45 = arith.constant 0 : i32
      %dma_start3A_46 = tpu.memref_slice %arg9[%dma_start3A, %dma_start3A_45] : memref<128x128xf32, #tpu.memory_space<vmem>> -> memref<128x128xf32, #tpu.memory_space<vmem>>
      %dma_start3A_47 = arith.constant 0 : i32
      %dma_start3A_48 = tpu.memref_slice %arg5[%arg0, %add3A_36, %dma_start3A_47] : memref<2x10112x128xf32, #tpu.memory_space<hbm>> -> memref<1x128x128xf32, #tpu.memory_space<hbm>>
      %dma_start3A_49 = tpu.memref_squeeze %dma_start3A_48 : memref<1x128x128xf32, #tpu.memory_space<hbm>> -> memref<128x128xf32, #tpu.memory_space<hbm>>
      %dma_start3A_50 = arith.constant 0 : i32
      %dma_start3A_51 = tpu.memref_slice %arg5[%arg0, %add3A_36, %dma_start3A_50] : memref<2x10112x128xf32, #tpu.memory_space<hbm>> -> memref<1x128x128xf32, #tpu.memory_space<hbm>>
      %dma_start3A_52 = tpu.memref_squeeze %dma_start3A_51 : memref<1x128x128xf32, #tpu.memory_space<hbm>> -> memref<128x128xf32, #tpu.memory_space<hbm>>
      %dma_start3A_53 = arith.constant 0 : i32
      %dma_start3A_54 = arith.constant 0 : i32
      %dma_start3A_55 = tpu.memref_slice %arg9[%dma_start3A_53, %dma_start3A_54] : memref<128x128xf32, #tpu.memory_space<vmem>> -> memref<128x128xf32, #tpu.memory_space<vmem>>
      tpu.enqueue_dma source(%dma_start3A_55 : memref<128x128xf32, #tpu.memory_space<vmem>>) target(%dma_start3A_52 : memref<128x128xf32, #tpu.memory_space<hbm>>) target_semaphore(%run_scoped3A : memref<!tpu.dma_semaphore, #tpu.memory_space<semaphore_mem>>)
      %dma_wait3A = arith.constant 0 : i32
      %dma_wait3A_56 = arith.constant 0 : i32
      %dma_wait3A_57 = tpu.memref_slice %arg9[%dma_wait3A, %dma_wait3A_56] : memref<128x128xf32, #tpu.memory_space<vmem>> -> memref<128x128xf32, #tpu.memory_space<vmem>>
      %dma_wait3A_58 = arith.constant 0 : i32
      %dma_wait3A_59 = tpu.memref_slice %arg5[%arg0, %add3A_36, %dma_wait3A_58] : memref<2x10112x128xf32, #tpu.memory_space<hbm>> -> memref<1x128x128xf32, #tpu.memory_space<hbm>>
      %dma_wait3A_60 = tpu.memref_squeeze %dma_wait3A_59 : memref<1x128x128xf32, #tpu.memory_space<hbm>> -> memref<128x128xf32, #tpu.memory_space<hbm>>
      %dma_wait3A_61 = arith.constant 0 : i32
      %dma_wait3A_62 = tpu.memref_slice %arg5[%arg0, %add3A_36, %dma_wait3A_61] : memref<2x10112x128xf32, #tpu.memory_space<hbm>> -> memref<1x128x128xf32, #tpu.memory_space<hbm>>
      %dma_wait3A_63 = tpu.memref_squeeze %dma_wait3A_62 : memref<1x128x128xf32, #tpu.memory_space<hbm>> -> memref<128x128xf32, #tpu.memory_space<hbm>>
      %dma_wait3A_64 = arith.constant 0 : i32
      %dma_wait3A_65 = arith.constant 0 : i32
      %dma_wait3A_66 = tpu.memref_slice %arg9[%dma_wait3A_64, %dma_wait3A_65] : memref<128x128xf32, #tpu.memory_space<vmem>> -> memref<128x128xf32, #tpu.memory_space<vmem>>
      tpu.wait_dma2 semaphore(%run_scoped3A : memref<!tpu.dma_semaphore, #tpu.memory_space<semaphore_mem>>) src(%dma_wait3A_66 : memref<128x128xf32, #tpu.memory_space<vmem>>) dst(%dma_wait3A_63 : memref<128x128xf32, #tpu.memory_space<hbm>>)
      tpu.yield
    }) : () -> ()
    %add3A_37 = arith.constant 384 : i32
    %add3A_38 = arith.addi %mul3A_0, %add3A_37 : i32
    "tpu.region"() ({
      %run_scoped3A = tpu.sem_alloc : memref<!tpu.dma_semaphore, #tpu.memory_space<semaphore_mem>>
      %dma_start3A = arith.constant 0 : i32
      %dma_start3A_45 = arith.constant 0 : i32
      %dma_start3A_46 = tpu.memref_slice %arg9[%dma_start3A, %dma_start3A_45] : memref<128x128xf32, #tpu.memory_space<vmem>> -> memref<128x128xf32, #tpu.memory_space<vmem>>
      %dma_start3A_47 = arith.constant 0 : i32
      %dma_start3A_48 = tpu.memref_slice %arg6[%add3A_38, %dma_start3A_47] : memref<10112x128xf32, #tpu.memory_space<vmem_shared>> -> memref<128x128xf32, #tpu.memory_space<vmem_shared>>
      %dma_start3A_49 = arith.constant 0 : i32
      %dma_start3A_50 = arith.constant 0 : i32
      %dma_start3A_51 = tpu.memref_slice %arg9[%dma_start3A_49, %dma_start3A_50] : memref<128x128xf32, #tpu.memory_space<vmem>> -> memref<128x128xf32, #tpu.memory_space<vmem>>
      %dma_start3A_52 = arith.constant 0 : i32
      %dma_start3A_53 = tpu.memref_slice %arg6[%add3A_38, %dma_start3A_52] : memref<10112x128xf32, #tpu.memory_space<vmem_shared>> -> memref<128x128xf32, #tpu.memory_space<vmem_shared>>
      tpu.enqueue_dma source(%dma_start3A_53 : memref<128x128xf32, #tpu.memory_space<vmem_shared>>) target(%dma_start3A_51 : memref<128x128xf32, #tpu.memory_space<vmem>>) target_semaphore(%run_scoped3A : memref<!tpu.dma_semaphore, #tpu.memory_space<semaphore_mem>>)
      %dma_wait3A = arith.constant 0 : i32
      %dma_wait3A_54 = arith.constant 0 : i32
      %dma_wait3A_55 = tpu.memref_slice %arg9[%dma_wait3A, %dma_wait3A_54] : memref<128x128xf32, #tpu.memory_space<vmem>> -> memref<128x128xf32, #tpu.memory_space<vmem>>
      %dma_wait3A_56 = arith.constant 0 : i32
      %dma_wait3A_57 = tpu.memref_slice %arg6[%add3A_38, %dma_wait3A_56] : memref<10112x128xf32, #tpu.memory_space<vmem_shared>> -> memref<128x128xf32, #tpu.memory_space<vmem_shared>>
      %dma_wait3A_58 = arith.constant 0 : i32
      %dma_wait3A_59 = arith.constant 0 : i32
      %dma_wait3A_60 = tpu.memref_slice %arg9[%dma_wait3A_58, %dma_wait3A_59] : memref<128x128xf32, #tpu.memory_space<vmem>> -> memref<128x128xf32, #tpu.memory_space<vmem>>
      %dma_wait3A_61 = arith.constant 0 : i32
      %dma_wait3A_62 = tpu.memref_slice %arg6[%add3A_38, %dma_wait3A_61] : memref<10112x128xf32, #tpu.memory_space<vmem_shared>> -> memref<128x128xf32, #tpu.memory_space<vmem_shared>>
      tpu.wait_dma2 semaphore(%run_scoped3A : memref<!tpu.dma_semaphore, #tpu.memory_space<semaphore_mem>>) src(%dma_wait3A_62 : memref<128x128xf32, #tpu.memory_space<vmem_shared>>) dst(%dma_wait3A_60 : memref<128x128xf32, #tpu.memory_space<vmem>>)
      tpu.yield
    }) : () -> ()
    %add3A_39 = arith.constant 384 : i32
    %add3A_40 = arith.addi %mul3A_0, %add3A_39 : i32
    "tpu.region"() ({
      %run_scoped3A = tpu.sem_alloc : memref<!tpu.dma_semaphore, #tpu.memory_space<semaphore_mem>>
      %dma_start3A = arith.constant 0 : i32
      %dma_start3A_45 = arith.constant 0 : i32
      %dma_start3A_46 = tpu.memref_slice %arg9[%dma_start3A, %dma_start3A_45] : memref<128x128xf32, #tpu.memory_space<vmem>> -> memref<128x128xf32, #tpu.memory_space<vmem>>
      %dma_start3A_47 = arith.constant 0 : i32
      %dma_start3A_48 = tpu.memref_slice %arg5[%arg0, %add3A_40, %dma_start3A_47] : memref<2x10112x128xf32, #tpu.memory_space<hbm>> -> memref<1x128x128xf32, #tpu.memory_space<hbm>>
      %dma_start3A_49 = tpu.memref_squeeze %dma_start3A_48 : memref<1x128x128xf32, #tpu.memory_space<hbm>> -> memref<128x128xf32, #tpu.memory_space<hbm>>
      %dma_start3A_50 = arith.constant 0 : i32
      %dma_start3A_51 = tpu.memref_slice %arg5[%arg0, %add3A_40, %dma_start3A_50] : memref<2x10112x128xf32, #tpu.memory_space<hbm>> -> memref<1x128x128xf32, #tpu.memory_space<hbm>>
      %dma_start3A_52 = tpu.memref_squeeze %dma_start3A_51 : memref<1x128x128xf32, #tpu.memory_space<hbm>> -> memref<128x128xf32, #tpu.memory_space<hbm>>
      %dma_start3A_53 = arith.constant 0 : i32
      %dma_start3A_54 = arith.constant 0 : i32
      %dma_start3A_55 = tpu.memref_slice %arg9[%dma_start3A_53, %dma_start3A_54] : memref<128x128xf32, #tpu.memory_space<vmem>> -> memref<128x128xf32, #tpu.memory_space<vmem>>
      tpu.enqueue_dma source(%dma_start3A_55 : memref<128x128xf32, #tpu.memory_space<vmem>>) target(%dma_start3A_52 : memref<128x128xf32, #tpu.memory_space<hbm>>) target_semaphore(%run_scoped3A : memref<!tpu.dma_semaphore, #tpu.memory_space<semaphore_mem>>)
      %dma_wait3A = arith.constant 0 : i32
      %dma_wait3A_56 = arith.constant 0 : i32
      %dma_wait3A_57 = tpu.memref_slice %arg9[%dma_wait3A, %dma_wait3A_56] : memref<128x128xf32, #tpu.memory_space<vmem>> -> memref<128x128xf32, #tpu.memory_space<vmem>>
      %dma_wait3A_58 = arith.constant 0 : i32
      %dma_wait3A_59 = tpu.memref_slice %arg5[%arg0, %add3A_40, %dma_wait3A_58] : memref<2x10112x128xf32, #tpu.memory_space<hbm>> -> memref<1x128x128xf32, #tpu.memory_space<hbm>>
      %dma_wait3A_60 = tpu.memref_squeeze %dma_wait3A_59 : memref<1x128x128xf32, #tpu.memory_space<hbm>> -> memref<128x128xf32, #tpu.memory_space<hbm>>
      %dma_wait3A_61 = arith.constant 0 : i32
      %dma_wait3A_62 = tpu.memref_slice %arg5[%arg0, %add3A_40, %dma_wait3A_61] : memref<2x10112x128xf32, #tpu.memory_space<hbm>> -> memref<1x128x128xf32, #tpu.memory_space<hbm>>
      %dma_wait3A_63 = tpu.memref_squeeze %dma_wait3A_62 : memref<1x128x128xf32, #tpu.memory_space<hbm>> -> memref<128x128xf32, #tpu.memory_space<hbm>>
      %dma_wait3A_64 = arith.constant 0 : i32
      %dma_wait3A_65 = arith.constant 0 : i32
      %dma_wait3A_66 = tpu.memref_slice %arg9[%dma_wait3A_64, %dma_wait3A_65] : memref<128x128xf32, #tpu.memory_space<vmem>> -> memref<128x128xf32, #tpu.memory_space<vmem>>
      tpu.wait_dma2 semaphore(%run_scoped3A : memref<!tpu.dma_semaphore, #tpu.memory_space<semaphore_mem>>) src(%dma_wait3A_66 : memref<128x128xf32, #tpu.memory_space<vmem>>) dst(%dma_wait3A_63 : memref<128x128xf32, #tpu.memory_space<hbm>>)
      tpu.yield
    }) : () -> ()
    %add3A_41 = arith.constant 512 : i32
    %add3A_42 = arith.addi %mul3A_0, %add3A_41 : i32
    "tpu.region"() ({
      %run_scoped3A = tpu.sem_alloc : memref<!tpu.dma_semaphore, #tpu.memory_space<semaphore_mem>>
      %dma_start3A = arith.constant 0 : i32
      %dma_start3A_45 = arith.constant 0 : i32
      %dma_start3A_46 = tpu.memref_slice %arg9[%dma_start3A, %dma_start3A_45] : memref<128x128xf32, #tpu.memory_space<vmem>> -> memref<120x128xf32, #tpu.memory_space<vmem>>
      %dma_start3A_47 = arith.constant 0 : i32
      %dma_start3A_48 = tpu.memref_slice %arg6[%add3A_42, %dma_start3A_47] : memref<10112x128xf32, #tpu.memory_space<vmem_shared>> -> memref<120x128xf32, #tpu.memory_space<vmem_shared>>
      %dma_start3A_49 = arith.constant 0 : i32
      %dma_start3A_50 = arith.constant 0 : i32
      %dma_start3A_51 = tpu.memref_slice %arg9[%dma_start3A_49, %dma_start3A_50] : memref<128x128xf32, #tpu.memory_space<vmem>> -> memref<120x128xf32, #tpu.memory_space<vmem>>
      %dma_start3A_52 = arith.constant 0 : i32
      %dma_start3A_53 = tpu.memref_slice %arg6[%add3A_42, %dma_start3A_52] : memref<10112x128xf32, #tpu.memory_space<vmem_shared>> -> memref<120x128xf32, #tpu.memory_space<vmem_shared>>
      tpu.enqueue_dma source(%dma_start3A_53 : memref<120x128xf32, #tpu.memory_space<vmem_shared>>) target(%dma_start3A_51 : memref<120x128xf32, #tpu.memory_space<vmem>>) target_semaphore(%run_scoped3A : memref<!tpu.dma_semaphore, #tpu.memory_space<semaphore_mem>>)
      %dma_wait3A = arith.constant 0 : i32
      %dma_wait3A_54 = arith.constant 0 : i32
      %dma_wait3A_55 = tpu.memref_slice %arg9[%dma_wait3A, %dma_wait3A_54] : memref<128x128xf32, #tpu.memory_space<vmem>> -> memref<120x128xf32, #tpu.memory_space<vmem>>
      %dma_wait3A_56 = arith.constant 0 : i32
      %dma_wait3A_57 = tpu.memref_slice %arg6[%add3A_42, %dma_wait3A_56] : memref<10112x128xf32, #tpu.memory_space<vmem_shared>> -> memref<120x128xf32, #tpu.memory_space<vmem_shared>>
      %dma_wait3A_58 = arith.constant 0 : i32
      %dma_wait3A_59 = arith.constant 0 : i32
      %dma_wait3A_60 = tpu.memref_slice %arg9[%dma_wait3A_58, %dma_wait3A_59] : memref<128x128xf32, #tpu.memory_space<vmem>> -> memref<120x128xf32, #tpu.memory_space<vmem>>
      %dma_wait3A_61 = arith.constant 0 : i32
      %dma_wait3A_62 = tpu.memref_slice %arg6[%add3A_42, %dma_wait3A_61] : memref<10112x128xf32, #tpu.memory_space<vmem_shared>> -> memref<120x128xf32, #tpu.memory_space<vmem_shared>>
      tpu.wait_dma2 semaphore(%run_scoped3A : memref<!tpu.dma_semaphore, #tpu.memory_space<semaphore_mem>>) src(%dma_wait3A_62 : memref<120x128xf32, #tpu.memory_space<vmem_shared>>) dst(%dma_wait3A_60 : memref<120x128xf32, #tpu.memory_space<vmem>>)
      tpu.yield
    }) : () -> ()
    %add3A_43 = arith.constant 512 : i32
    %add3A_44 = arith.addi %mul3A_0, %add3A_43 : i32
    "tpu.region"() ({
      %run_scoped3A = tpu.sem_alloc : memref<!tpu.dma_semaphore, #tpu.memory_space<semaphore_mem>>
      %dma_start3A = arith.constant 0 : i32
      %dma_start3A_45 = arith.constant 0 : i32
      %dma_start3A_46 = tpu.memref_slice %arg9[%dma_start3A, %dma_start3A_45] : memref<128x128xf32, #tpu.memory_space<vmem>> -> memref<120x128xf32, #tpu.memory_space<vmem>>
      %dma_start3A_47 = arith.constant 0 : i32
      %dma_start3A_48 = tpu.memref_slice %arg5[%arg0, %add3A_44, %dma_start3A_47] : memref<2x10112x128xf32, #tpu.memory_space<hbm>> -> memref<1x120x128xf32, #tpu.memory_space<hbm>>
      %dma_start3A_49 = tpu.memref_squeeze %dma_start3A_48 : memref<1x120x128xf32, #tpu.memory_space<hbm>> -> memref<120x128xf32, #tpu.memory_space<hbm>>
      %dma_start3A_50 = arith.constant 0 : i32
      %dma_start3A_51 = tpu.memref_slice %arg5[%arg0, %add3A_44, %dma_start3A_50] : memref<2x10112x128xf32, #tpu.memory_space<hbm>> -> memref<1x120x128xf32, #tpu.memory_space<hbm>>
      %dma_start3A_52 = tpu.memref_squeeze %dma_start3A_51 : memref<1x120x128xf32, #tpu.memory_space<hbm>> -> memref<120x128xf32, #tpu.memory_space<hbm>>
      %dma_start3A_53 = arith.constant 0 : i32
      %dma_start3A_54 = arith.constant 0 : i32
      %dma_start3A_55 = tpu.memref_slice %arg9[%dma_start3A_53, %dma_start3A_54] : memref<128x128xf32, #tpu.memory_space<vmem>> -> memref<120x128xf32, #tpu.memory_space<vmem>>
      tpu.enqueue_dma source(%dma_start3A_55 : memref<120x128xf32, #tpu.memory_space<vmem>>) target(%dma_start3A_52 : memref<120x128xf32, #tpu.memory_space<hbm>>) target_semaphore(%run_scoped3A : memref<!tpu.dma_semaphore, #tpu.memory_space<semaphore_mem>>)
      %dma_wait3A = arith.constant 0 : i32
      %dma_wait3A_56 = arith.constant 0 : i32
      %dma_wait3A_57 = tpu.memref_slice %arg9[%dma_wait3A, %dma_wait3A_56] : memref<128x128xf32, #tpu.memory_space<vmem>> -> memref<120x128xf32, #tpu.memory_space<vmem>>
      %dma_wait3A_58 = arith.constant 0 : i32
      %dma_wait3A_59 = tpu.memref_slice %arg5[%arg0, %add3A_44, %dma_wait3A_58] : memref<2x10112x128xf32, #tpu.memory_space<hbm>> -> memref<1x120x128xf32, #tpu.memory_space<hbm>>
      %dma_wait3A_60 = tpu.memref_squeeze %dma_wait3A_59 : memref<1x120x128xf32, #tpu.memory_space<hbm>> -> memref<120x128xf32, #tpu.memory_space<hbm>>
      %dma_wait3A_61 = arith.constant 0 : i32
      %dma_wait3A_62 = tpu.memref_slice %arg5[%arg0, %add3A_44, %dma_wait3A_61] : memref<2x10112x128xf32, #tpu.memory_space<hbm>> -> memref<1x120x128xf32, #tpu.memory_space<hbm>>
      %dma_wait3A_63 = tpu.memref_squeeze %dma_wait3A_62 : memref<1x120x128xf32, #tpu.memory_space<hbm>> -> memref<120x128xf32, #tpu.memory_space<hbm>>
      %dma_wait3A_64 = arith.constant 0 : i32
      %dma_wait3A_65 = arith.constant 0 : i32
      %dma_wait3A_66 = tpu.memref_slice %arg9[%dma_wait3A_64, %dma_wait3A_65] : memref<128x128xf32, #tpu.memory_space<vmem>> -> memref<120x128xf32, #tpu.memory_space<vmem>>
      tpu.wait_dma2 semaphore(%run_scoped3A : memref<!tpu.dma_semaphore, #tpu.memory_space<semaphore_mem>>) src(%dma_wait3A_66 : memref<120x128xf32, #tpu.memory_space<vmem>>) dst(%dma_wait3A_63 : memref<120x128xf32, #tpu.memory_space<hbm>>)
      tpu.yield
    }) : () -> ()
    return
  }
}

#map = affine_map<(d0, d1) -> (0, 0)>
#map1 = affine_map<(d0, d1) -> (0)>
module attributes {stable_mosaic.version = 14 : i64} {
  func.func @_deg_body(%arg0: i32, %arg1: i32, %arg2: memref<2560x128xi32, #tpu.memory_space<hbm>>, %arg3: memref<323584xf32, #tpu.memory_space<hbm>>, %arg4: memref<10112xf32, #tpu.memory_space<vmem>>, %arg5: memref<40x128xi32, #tpu.memory_space<vmem>>) attributes {dimension_semantics = [#tpu.dimension_semantics<core_parallel>, #tpu.dimension_semantics<subcore_parallel>], iteration_bounds = array<i64: 2, 16>, scalar_prefetch = 0 : i64, scratch_operands = 2 : i64, tpu.core_type = #tpu.core_type<sc_vector_subcore>, window_params = [{transform_indices = #map}, {transform_indices = #map1}]} {
    %mul3A = arith.constant 16 : i32
    %mul3A_0 = arith.muli %arg0, %mul3A : i32
    %add3A = arith.addi %mul3A_0, %arg1 : i32
    %scan3A = arith.constant 0 : i32
    %scan3A_1 = arith.constant 632 : i32
    %scan3A_2 = arith.addi %scan3A, %scan3A_1 : i32
    %scan3A_3 = arith.constant 1 : i32
    scf.for %scan3A_15 = %scan3A to %scan3A_2 step %scan3A_3  : i32 {
      %mul3A_16 = arith.constant 1 : i32
      %mul3A_17 = arith.muli %scan3A_15, %mul3A_16 : i32
      %add3A_18 = arith.constant 0 : i32
      %add3A_19 = arith.addi %add3A_18, %mul3A_17 : i32
      %broadcast_in_dim3A_20 = arith.constant 0.000000e+00 : f32
      %broadcast_in_dim3A_21 = vector.broadcast %broadcast_in_dim3A_20 : f32 to vector<16xf32>
      %mul3A_22 = arith.constant 16 : i32
      %mul3A_23 = arith.muli %add3A_19, %mul3A_22 : i32
      %swap3A = arith.index_cast %mul3A_23 : i32 to index
      %swap3A_24 = tpu.vector_load %arg4[%swap3A] {strides = array<i32>} : memref<10112xf32, #tpu.memory_space<vmem>>, vector<16xf32>,
      tpu.vector_store %arg4[%swap3A], %broadcast_in_dim3A_21 {strides = array<i32>} : memref<10112xf32, #tpu.memory_space<vmem>>, vector<16xf32>,
    }
    %scan3A_4 = arith.constant 632 : i32
    %mul3A_5 = arith.constant 80 : i32
    %mul3A_6 = arith.muli %add3A, %mul3A_5 : i32
    %broadcast_in_dim3A = arith.constant 1.000000e+00 : f32
    %broadcast_in_dim3A_7 = vector.broadcast %broadcast_in_dim3A : f32 to vector<16xf32>
    %scan3A_8 = arith.constant 0 : i32
    %scan3A_9 = arith.constant 2 : i32
    %scan3A_10 = arith.addi %scan3A_8, %scan3A_9 : i32
    %scan3A_11 = arith.constant 1 : i32
    scf.for %scan3A_15 = %scan3A_8 to %scan3A_10 step %scan3A_11  : i32 {
      %mul3A_16 = arith.constant 1 : i32
      %mul3A_17 = arith.muli %scan3A_15, %mul3A_16 : i32
      %add3A_18 = arith.constant 0 : i32
      %add3A_19 = arith.addi %add3A_18, %mul3A_17 : i32
      %mul3A_20 = arith.constant 40 : i32
      %mul3A_21 = arith.muli %add3A_19, %mul3A_20 : i32
      %add3A_22 = arith.addi %mul3A_6, %mul3A_21 : i32
      "tpu.region"() ({
        %run_scoped3A = tpu.sem_alloc : memref<!tpu.dma_semaphore, #tpu.memory_space<semaphore_mem>>
        %dma_start3A = arith.constant 0 : i32
        %dma_start3A_28 = tpu.memref_slice %arg2[%add3A_22, %dma_start3A] : memref<2560x128xi32, #tpu.memory_space<hbm>> -> memref<40x128xi32, #tpu.memory_space<hbm>>
        %dma_start3A_29 = arith.constant 0 : i32
        %dma_start3A_30 = tpu.memref_slice %arg2[%add3A_22, %dma_start3A_29] : memref<2560x128xi32, #tpu.memory_space<hbm>> -> memref<40x128xi32, #tpu.memory_space<hbm>>
        tpu.enqueue_dma source(%dma_start3A_30 : memref<40x128xi32, #tpu.memory_space<hbm>>) target(%arg5 : memref<40x128xi32, #tpu.memory_space<vmem>>) target_semaphore(%run_scoped3A : memref<!tpu.dma_semaphore, #tpu.memory_space<semaphore_mem>>)
        %dma_wait3A = arith.constant 0 : i32
        %dma_wait3A_31 = tpu.memref_slice %arg2[%add3A_22, %dma_wait3A] : memref<2560x128xi32, #tpu.memory_space<hbm>> -> memref<40x128xi32, #tpu.memory_space<hbm>>
        %dma_wait3A_32 = arith.constant 0 : i32
        %dma_wait3A_33 = tpu.memref_slice %arg2[%add3A_22, %dma_wait3A_32] : memref<2560x128xi32, #tpu.memory_space<hbm>> -> memref<40x128xi32, #tpu.memory_space<hbm>>
        tpu.wait_dma2 semaphore(%run_scoped3A : memref<!tpu.dma_semaphore, #tpu.memory_space<semaphore_mem>>) src(%dma_wait3A_33 : memref<40x128xi32, #tpu.memory_space<hbm>>) dst(%arg5 : memref<40x128xi32, #tpu.memory_space<vmem>>)
        tpu.yield
      }) : () -> ()
      %scan3A_23 = arith.constant 0 : i32
      %scan3A_24 = arith.constant 40 : i32
      %scan3A_25 = arith.addi %scan3A_23, %scan3A_24 : i32
      %scan3A_26 = arith.constant 1 : i32
      scf.for %scan3A_28 = %scan3A_23 to %scan3A_25 step %scan3A_26  : i32 {
        %mul3A_29 = arith.constant 1 : i32
        %mul3A_30 = arith.muli %scan3A_28, %mul3A_29 : i32
        %add3A_31 = arith.constant 0 : i32
        %add3A_32 = arith.addi %add3A_31, %mul3A_30 : i32
        %get3A = arith.index_cast %add3A_32 : i32 to index
        %get3A_33 = arith.constant 0 : index
        %get3A_34 = tpu.vector_load %arg5[%get3A, %get3A_33] {strides = array<i32>} : memref<40x128xi32, #tpu.memory_space<vmem>>, vector<16xi32>,
        tpu.vector_store_idx %arg4[%get3A_34], %broadcast_in_dim3A_7 {add = true} : memref<10112xf32, #tpu.memory_space<vmem>>[vector<16xi32>], vector<16xf32>,
        %get3A_35 = arith.index_cast %add3A_32 : i32 to index
        %get3A_36 = arith.constant 16 : index
        %get3A_37 = tpu.vector_load %arg5[%get3A_35, %get3A_36] {strides = array<i32>} : memref<40x128xi32, #tpu.memory_space<vmem>>, vector<16xi32>,
        tpu.vector_store_idx %arg4[%get3A_37], %broadcast_in_dim3A_7 {add = true} : memref<10112xf32, #tpu.memory_space<vmem>>[vector<16xi32>], vector<16xf32>,
        %get3A_38 = arith.index_cast %add3A_32 : i32 to index
        %get3A_39 = arith.constant 32 : index
        %get3A_40 = tpu.vector_load %arg5[%get3A_38, %get3A_39] {strides = array<i32>} : memref<40x128xi32, #tpu.memory_space<vmem>>, vector<16xi32>,
        tpu.vector_store_idx %arg4[%get3A_40], %broadcast_in_dim3A_7 {add = true} : memref<10112xf32, #tpu.memory_space<vmem>>[vector<16xi32>], vector<16xf32>,
        %get3A_41 = arith.index_cast %add3A_32 : i32 to index
        %get3A_42 = arith.constant 48 : index
        %get3A_43 = tpu.vector_load %arg5[%get3A_41, %get3A_42] {strides = array<i32>} : memref<40x128xi32, #tpu.memory_space<vmem>>, vector<16xi32>,
        tpu.vector_store_idx %arg4[%get3A_43], %broadcast_in_dim3A_7 {add = true} : memref<10112xf32, #tpu.memory_space<vmem>>[vector<16xi32>], vector<16xf32>,
        %get3A_44 = arith.index_cast %add3A_32 : i32 to index
        %get3A_45 = arith.constant 64 : index
        %get3A_46 = tpu.vector_load %arg5[%get3A_44, %get3A_45] {strides = array<i32>} : memref<40x128xi32, #tpu.memory_space<vmem>>, vector<16xi32>,
        tpu.vector_store_idx %arg4[%get3A_46], %broadcast_in_dim3A_7 {add = true} : memref<10112xf32, #tpu.memory_space<vmem>>[vector<16xi32>], vector<16xf32>,
        %get3A_47 = arith.index_cast %add3A_32 : i32 to index
        %get3A_48 = arith.constant 80 : index
        %get3A_49 = tpu.vector_load %arg5[%get3A_47, %get3A_48] {strides = array<i32>} : memref<40x128xi32, #tpu.memory_space<vmem>>, vector<16xi32>,
        tpu.vector_store_idx %arg4[%get3A_49], %broadcast_in_dim3A_7 {add = true} : memref<10112xf32, #tpu.memory_space<vmem>>[vector<16xi32>], vector<16xf32>,
        %get3A_50 = arith.index_cast %add3A_32 : i32 to index
        %get3A_51 = arith.constant 96 : index
        %get3A_52 = tpu.vector_load %arg5[%get3A_50, %get3A_51] {strides = array<i32>} : memref<40x128xi32, #tpu.memory_space<vmem>>, vector<16xi32>,
        tpu.vector_store_idx %arg4[%get3A_52], %broadcast_in_dim3A_7 {add = true} : memref<10112xf32, #tpu.memory_space<vmem>>[vector<16xi32>], vector<16xf32>,
        %get3A_53 = arith.index_cast %add3A_32 : i32 to index
        %get3A_54 = arith.constant 112 : index
        %get3A_55 = tpu.vector_load %arg5[%get3A_53, %get3A_54] {strides = array<i32>} : memref<40x128xi32, #tpu.memory_space<vmem>>, vector<16xi32>,
        tpu.vector_store_idx %arg4[%get3A_55], %broadcast_in_dim3A_7 {add = true} : memref<10112xf32, #tpu.memory_space<vmem>>[vector<16xi32>], vector<16xf32>,
      }
      %scan3A_27 = arith.constant 40 : i32
    }
    %scan3A_12 = arith.constant 2 : i32
    %mul3A_13 = arith.constant 10112 : i32
    %mul3A_14 = arith.muli %add3A, %mul3A_13 : i32
    "tpu.region"() ({
      %run_scoped3A = tpu.sem_alloc : memref<!tpu.dma_semaphore, #tpu.memory_space<semaphore_mem>>
      %dma_start3A = tpu.memref_slice %arg3[%mul3A_14] : memref<323584xf32, #tpu.memory_space<hbm>> -> memref<10112xf32, #tpu.memory_space<hbm>>
      %dma_start3A_15 = tpu.memref_slice %arg3[%mul3A_14] : memref<323584xf32, #tpu.memory_space<hbm>> -> memref<10112xf32, #tpu.memory_space<hbm>>
      tpu.enqueue_dma source(%arg4 : memref<10112xf32, #tpu.memory_space<vmem>>) target(%dma_start3A_15 : memref<10112xf32, #tpu.memory_space<hbm>>) target_semaphore(%run_scoped3A : memref<!tpu.dma_semaphore, #tpu.memory_space<semaphore_mem>>)
      %dma_wait3A = tpu.memref_slice %arg3[%mul3A_14] : memref<323584xf32, #tpu.memory_space<hbm>> -> memref<10112xf32, #tpu.memory_space<hbm>>
      %dma_wait3A_16 = tpu.memref_slice %arg3[%mul3A_14] : memref<323584xf32, #tpu.memory_space<hbm>> -> memref<10112xf32, #tpu.memory_space<hbm>>
      tpu.wait_dma2 semaphore(%run_scoped3A : memref<!tpu.dma_semaphore, #tpu.memory_space<semaphore_mem>>) src(%arg4 : memref<10112xf32, #tpu.memory_space<vmem>>) dst(%dma_wait3A_16 : memref<10112xf32, #tpu.memory_space<hbm>>)
      tpu.yield
    }) : () -> ()
    return
  }
}

#map = affine_map<(d0, d1) -> (0, 0)>
module attributes {stable_mosaic.version = 14 : i64} {
  func.func @_tgt_gather_body(%arg0: i32, %arg1: i32, %arg2: memref<10000x128xf32, #tpu.memory_space<hbm>>, %arg3: memref<10000x128xf32, #tpu.memory_space<hbm>>, %arg4: memref<32x32xi32, #tpu.memory_space<hbm>>, %arg5: memref<1024x128xf32, #tpu.memory_space<hbm>>, %arg6: memref<1024x128xf32, #tpu.memory_space<hbm>>, %arg7: memref<32x32xi32, #tpu.memory_space<vmem>>, %arg8: memref<32x128xf32, #tpu.memory_space<vmem>>, %arg9: memref<!tpu.dma_semaphore, #tpu.memory_space<semaphore_mem>>) attributes {dimension_semantics = [#tpu.dimension_semantics<core_parallel>, #tpu.dimension_semantics<subcore_parallel>], iteration_bounds = array<i64: 2, 16>, scalar_prefetch = 0 : i64, scratch_operands = 3 : i64, tpu.core_type = #tpu.core_type<sc_vector_subcore>, window_params = [{transform_indices = #map}, {transform_indices = #map}, {transform_indices = #map}, {transform_indices = #map}, {transform_indices = #map}]} {
    %mul3A = arith.constant 2 : i32
    %mul3A_0 = arith.muli %arg1, %mul3A : i32
    %add3A = arith.addi %mul3A_0, %arg0 : i32
    "tpu.region"() ({
      %run_scoped3A = tpu.sem_alloc : memref<!tpu.dma_semaphore, #tpu.memory_space<semaphore_mem>>
      tpu.enqueue_dma source(%arg4 : memref<32x32xi32, #tpu.memory_space<hbm>>) target(%arg7 : memref<32x32xi32, #tpu.memory_space<vmem>>) target_semaphore(%run_scoped3A : memref<!tpu.dma_semaphore, #tpu.memory_space<semaphore_mem>>)
      tpu.wait_dma2 semaphore(%run_scoped3A : memref<!tpu.dma_semaphore, #tpu.memory_space<semaphore_mem>>) src(%arg4 : memref<32x32xi32, #tpu.memory_space<hbm>>) dst(%arg7 : memref<32x32xi32, #tpu.memory_space<vmem>>)
      tpu.yield
    }) : () -> ()
    %dma_start3A = arith.constant 0 : i32
    %dma_start3A_1 = tpu.memref_slice %arg7[%add3A, %dma_start3A] : memref<32x32xi32, #tpu.memory_space<vmem>> -> memref<1x32xi32, #tpu.memory_space<vmem>>
    %dma_start3A_2 = tpu.memref_squeeze %dma_start3A_1 : memref<1x32xi32, #tpu.memory_space<vmem>> -> memref<32xi32, #tpu.memory_space<vmem>>
    %dma_start3A_3 = arith.constant 0 : i32
    %dma_start3A_4 = arith.constant 0 : i32
    %dma_start3A_5 = tpu.memref_slice %arg2[%dma_start3A_3, %dma_start3A_4] : memref<10000x128xf32, #tpu.memory_space<hbm>> -> memref<10000x128xf32, #tpu.memory_space<hbm>>
    tpu.enqueue_indirect_dma source(%dma_start3A_5 : memref<10000x128xf32, #tpu.memory_space<hbm>>) target(%arg8 : memref<32x128xf32, #tpu.memory_space<vmem>>) offsets(%dma_start3A_2 : memref<32xi32, #tpu.memory_space<vmem>>) semaphore(%arg9 : memref<!tpu.dma_semaphore, #tpu.memory_space<semaphore_mem>>)
    %dma_wait3A = arith.constant 0 : i32
    %dma_wait3A_6 = tpu.memref_slice %arg7[%add3A, %dma_wait3A] : memref<32x32xi32, #tpu.memory_space<vmem>> -> memref<1x32xi32, #tpu.memory_space<vmem>>
    %dma_wait3A_7 = tpu.memref_squeeze %dma_wait3A_6 : memref<1x32xi32, #tpu.memory_space<vmem>> -> memref<32xi32, #tpu.memory_space<vmem>>
    %dma_wait3A_8 = arith.constant 0 : i32
    %dma_wait3A_9 = arith.constant 0 : i32
    %dma_wait3A_10 = tpu.memref_slice %arg2[%dma_wait3A_8, %dma_wait3A_9] : memref<10000x128xf32, #tpu.memory_space<hbm>> -> memref<10000x128xf32, #tpu.memory_space<hbm>>
    tpu.wait_indirect_dma semaphore(%arg9 : memref<!tpu.dma_semaphore, #tpu.memory_space<semaphore_mem>>) src(%dma_wait3A_10 : memref<10000x128xf32, #tpu.memory_space<hbm>>) dst(%arg8 : memref<32x128xf32, #tpu.memory_space<vmem>>)
    %mul3A_11 = arith.constant 32 : i32
    %mul3A_12 = arith.muli %add3A, %mul3A_11 : i32
    "tpu.region"() ({
      %run_scoped3A = tpu.sem_alloc : memref<!tpu.dma_semaphore, #tpu.memory_space<semaphore_mem>>
      %dma_start3A_27 = arith.constant 0 : i32
      %dma_start3A_28 = tpu.memref_slice %arg5[%mul3A_12, %dma_start3A_27] : memref<1024x128xf32, #tpu.memory_space<hbm>> -> memref<32x128xf32, #tpu.memory_space<hbm>>
      %dma_start3A_29 = arith.constant 0 : i32
      %dma_start3A_30 = tpu.memref_slice %arg5[%mul3A_12, %dma_start3A_29] : memref<1024x128xf32, #tpu.memory_space<hbm>> -> memref<32x128xf32, #tpu.memory_space<hbm>>
      tpu.enqueue_dma source(%arg8 : memref<32x128xf32, #tpu.memory_space<vmem>>) target(%dma_start3A_30 : memref<32x128xf32, #tpu.memory_space<hbm>>) target_semaphore(%run_scoped3A : memref<!tpu.dma_semaphore, #tpu.memory_space<semaphore_mem>>)
      %dma_wait3A_31 = arith.constant 0 : i32
      %dma_wait3A_32 = tpu.memref_slice %arg5[%mul3A_12, %dma_wait3A_31] : memref<1024x128xf32, #tpu.memory_space<hbm>> -> memref<32x128xf32, #tpu.memory_space<hbm>>
      %dma_wait3A_33 = arith.constant 0 : i32
      %dma_wait3A_34 = tpu.memref_slice %arg5[%mul3A_12, %dma_wait3A_33] : memref<1024x128xf32, #tpu.memory_space<hbm>> -> memref<32x128xf32, #tpu.memory_space<hbm>>
      tpu.wait_dma2 semaphore(%run_scoped3A : memref<!tpu.dma_semaphore, #tpu.memory_space<semaphore_mem>>) src(%arg8 : memref<32x128xf32, #tpu.memory_space<vmem>>) dst(%dma_wait3A_34 : memref<32x128xf32, #tpu.memory_space<hbm>>)
      tpu.yield
    }) : () -> ()
    %dma_start3A_13 = arith.constant 0 : i32
    %dma_start3A_14 = tpu.memref_slice %arg7[%add3A, %dma_start3A_13] : memref<32x32xi32, #tpu.memory_space<vmem>> -> memref<1x32xi32, #tpu.memory_space<vmem>>
    %dma_start3A_15 = tpu.memref_squeeze %dma_start3A_14 : memref<1x32xi32, #tpu.memory_space<vmem>> -> memref<32xi32, #tpu.memory_space<vmem>>
    %dma_start3A_16 = arith.constant 0 : i32
    %dma_start3A_17 = arith.constant 0 : i32
    %dma_start3A_18 = tpu.memref_slice %arg3[%dma_start3A_16, %dma_start3A_17] : memref<10000x128xf32, #tpu.memory_space<hbm>> -> memref<10000x128xf32, #tpu.memory_space<hbm>>
    tpu.enqueue_indirect_dma source(%dma_start3A_18 : memref<10000x128xf32, #tpu.memory_space<hbm>>) target(%arg8 : memref<32x128xf32, #tpu.memory_space<vmem>>) offsets(%dma_start3A_15 : memref<32xi32, #tpu.memory_space<vmem>>) semaphore(%arg9 : memref<!tpu.dma_semaphore, #tpu.memory_space<semaphore_mem>>)
    %dma_wait3A_19 = arith.constant 0 : i32
    %dma_wait3A_20 = tpu.memref_slice %arg7[%add3A, %dma_wait3A_19] : memref<32x32xi32, #tpu.memory_space<vmem>> -> memref<1x32xi32, #tpu.memory_space<vmem>>
    %dma_wait3A_21 = tpu.memref_squeeze %dma_wait3A_20 : memref<1x32xi32, #tpu.memory_space<vmem>> -> memref<32xi32, #tpu.memory_space<vmem>>
    %dma_wait3A_22 = arith.constant 0 : i32
    %dma_wait3A_23 = arith.constant 0 : i32
    %dma_wait3A_24 = tpu.memref_slice %arg3[%dma_wait3A_22, %dma_wait3A_23] : memref<10000x128xf32, #tpu.memory_space<hbm>> -> memref<10000x128xf32, #tpu.memory_space<hbm>>
    tpu.wait_indirect_dma semaphore(%arg9 : memref<!tpu.dma_semaphore, #tpu.memory_space<semaphore_mem>>) src(%dma_wait3A_24 : memref<10000x128xf32, #tpu.memory_space<hbm>>) dst(%arg8 : memref<32x128xf32, #tpu.memory_space<vmem>>)
    %mul3A_25 = arith.constant 32 : i32
    %mul3A_26 = arith.muli %add3A, %mul3A_25 : i32
    "tpu.region"() ({
      %run_scoped3A = tpu.sem_alloc : memref<!tpu.dma_semaphore, #tpu.memory_space<semaphore_mem>>
      %dma_start3A_27 = arith.constant 0 : i32
      %dma_start3A_28 = tpu.memref_slice %arg6[%mul3A_26, %dma_start3A_27] : memref<1024x128xf32, #tpu.memory_space<hbm>> -> memref<32x128xf32, #tpu.memory_space<hbm>>
      %dma_start3A_29 = arith.constant 0 : i32
      %dma_start3A_30 = tpu.memref_slice %arg6[%mul3A_26, %dma_start3A_29] : memref<1024x128xf32, #tpu.memory_space<hbm>> -> memref<32x128xf32, #tpu.memory_space<hbm>>
      tpu.enqueue_dma source(%arg8 : memref<32x128xf32, #tpu.memory_space<vmem>>) target(%dma_start3A_30 : memref<32x128xf32, #tpu.memory_space<hbm>>) target_semaphore(%run_scoped3A : memref<!tpu.dma_semaphore, #tpu.memory_space<semaphore_mem>>)
      %dma_wait3A_31 = arith.constant 0 : i32
      %dma_wait3A_32 = tpu.memref_slice %arg6[%mul3A_26, %dma_wait3A_31] : memref<1024x128xf32, #tpu.memory_space<hbm>> -> memref<32x128xf32, #tpu.memory_space<hbm>>
      %dma_wait3A_33 = arith.constant 0 : i32
      %dma_wait3A_34 = tpu.memref_slice %arg6[%mul3A_26, %dma_wait3A_33] : memref<1024x128xf32, #tpu.memory_space<hbm>> -> memref<32x128xf32, #tpu.memory_space<hbm>>
      tpu.wait_dma2 semaphore(%run_scoped3A : memref<!tpu.dma_semaphore, #tpu.memory_space<semaphore_mem>>) src(%arg8 : memref<32x128xf32, #tpu.memory_space<vmem>>) dst(%dma_wait3A_34 : memref<32x128xf32, #tpu.memory_space<hbm>>)
      tpu.yield
    }) : () -> ()
    return
  }
}

#map = affine_map<(d0, d1) -> (0, 0)>
#map1 = affine_map<(d0, d1) -> (0, 0, 0)>
module attributes {stable_mosaic.version = 14 : i64} {
  func.func @_agg_body(%arg0: i32, %arg1: i32, %arg2: memref<10000x128xf32, #tpu.memory_space<hbm>>, %arg3: memref<2560x128xi32, #tpu.memory_space<hbm>>, %arg4: memref<2560x128xi32, #tpu.memory_space<hbm>>, %arg5: memref<2x10112x128xf32, #tpu.memory_space<hbm>>, %arg6: memref<10112x128xf32, #tpu.memory_space<vmem_shared>>, %arg7: memref<40x128xi32, #tpu.memory_space<vmem>>, %arg8: memref<40x128xi32, #tpu.memory_space<vmem>>, %arg9: memref<128x128xf32, #tpu.memory_space<vmem>>, %arg10: memref<128x128xf32, #tpu.memory_space<vmem>>, %arg11: memref<!tpu.dma_semaphore, #tpu.memory_space<semaphore_mem>>, %arg12: memref<!tpu.dma_semaphore, #tpu.memory_space<semaphore_mem>>) attributes {dimension_semantics = [#tpu.dimension_semantics<core_parallel>, #tpu.dimension_semantics<subcore_parallel>], iteration_bounds = array<i64: 2, 16>, scalar_prefetch = 0 : i64, scratch_operands = 7 : i64, tpu.core_type = #tpu.core_type<sc_vector_subcore>, window_params = [{transform_indices = #map}, {transform_indices = #map}, {transform_indices = #map}, {transform_indices = #map1}]} {
    %mul3A = arith.constant 632 : i32
    %mul3A_0 = arith.muli %arg1, %mul3A : i32
    %scan3A = arith.constant 0 : i32
    %scan3A_1 = arith.constant 128 : i32
    %scan3A_2 = arith.addi %scan3A, %scan3A_1 : i32
    %scan3A_3 = arith.constant 1 : i32
    scf.for %scan3A_45 = %scan3A to %scan3A_2 step %scan3A_3  : i32 {
      %mul3A_46 = arith.constant 1 : i32
      %mul3A_47 = arith.muli %scan3A_45, %mul3A_46 : i32
      %add3A_48 = arith.constant 0 : i32
      %add3A_49 = arith.addi %add3A_48, %mul3A_47 : i32
      %broadcast_in_dim3A = arith.constant 0.000000e+00 : f32
      %broadcast_in_dim3A_50 = vector.broadcast %broadcast_in_dim3A : f32 to vector<16xf32>
      %swap3A = arith.index_cast %add3A_49 : i32 to index
      %swap3A_51 = arith.constant 0 : index
      %swap3A_52 = tpu.vector_load %arg9[%swap3A, %swap3A_51] {strides = array<i32>} : memref<128x128xf32, #tpu.memory_space<vmem>>, vector<1x16xf32>,
      %swap3A_53 = vector.shape_cast %swap3A_52 : vector<1x16xf32> to vector<16xf32>
      %swap3A_54 = vector.shape_cast %broadcast_in_dim3A_50 : vector<16xf32> to vector<1x16xf32>
      tpu.vector_store %arg9[%swap3A, %swap3A_51], %swap3A_54 {strides = array<i32>} : memref<128x128xf32, #tpu.memory_space<vmem>>, vector<1x16xf32>,
      %broadcast_in_dim3A_55 = arith.constant 0.000000e+00 : f32
      %broadcast_in_dim3A_56 = vector.broadcast %broadcast_in_dim3A_55 : f32 to vector<16xf32>
      %swap3A_57 = arith.index_cast %add3A_49 : i32 to index
      %swap3A_58 = arith.constant 16 : index
      %swap3A_59 = tpu.vector_load %arg9[%swap3A_57, %swap3A_58] {strides = array<i32>} : memref<128x128xf32, #tpu.memory_space<vmem>>, vector<1x16xf32>,
      %swap3A_60 = vector.shape_cast %swap3A_59 : vector<1x16xf32> to vector<16xf32>
      %swap3A_61 = vector.shape_cast %broadcast_in_dim3A_56 : vector<16xf32> to vector<1x16xf32>
      tpu.vector_store %arg9[%swap3A_57, %swap3A_58], %swap3A_61 {strides = array<i32>} : memref<128x128xf32, #tpu.memory_space<vmem>>, vector<1x16xf32>,
      %broadcast_in_dim3A_62 = arith.constant 0.000000e+00 : f32
      %broadcast_in_dim3A_63 = vector.broadcast %broadcast_in_dim3A_62 : f32 to vector<16xf32>
      %swap3A_64 = arith.index_cast %add3A_49 : i32 to index
      %swap3A_65 = arith.constant 32 : index
      %swap3A_66 = tpu.vector_load %arg9[%swap3A_64, %swap3A_65] {strides = array<i32>} : memref<128x128xf32, #tpu.memory_space<vmem>>, vector<1x16xf32>,
      %swap3A_67 = vector.shape_cast %swap3A_66 : vector<1x16xf32> to vector<16xf32>
      %swap3A_68 = vector.shape_cast %broadcast_in_dim3A_63 : vector<16xf32> to vector<1x16xf32>
      tpu.vector_store %arg9[%swap3A_64, %swap3A_65], %swap3A_68 {strides = array<i32>} : memref<128x128xf32, #tpu.memory_space<vmem>>, vector<1x16xf32>,
      %broadcast_in_dim3A_69 = arith.constant 0.000000e+00 : f32
      %broadcast_in_dim3A_70 = vector.broadcast %broadcast_in_dim3A_69 : f32 to vector<16xf32>
      %swap3A_71 = arith.index_cast %add3A_49 : i32 to index
      %swap3A_72 = arith.constant 48 : index
      %swap3A_73 = tpu.vector_load %arg9[%swap3A_71, %swap3A_72] {strides = array<i32>} : memref<128x128xf32, #tpu.memory_space<vmem>>, vector<1x16xf32>,
      %swap3A_74 = vector.shape_cast %swap3A_73 : vector<1x16xf32> to vector<16xf32>
      %swap3A_75 = vector.shape_cast %broadcast_in_dim3A_70 : vector<16xf32> to vector<1x16xf32>
      tpu.vector_store %arg9[%swap3A_71, %swap3A_72], %swap3A_75 {strides = array<i32>} : memref<128x128xf32, #tpu.memory_space<vmem>>, vector<1x16xf32>,
      %broadcast_in_dim3A_76 = arith.constant 0.000000e+00 : f32
      %broadcast_in_dim3A_77 = vector.broadcast %broadcast_in_dim3A_76 : f32 to vector<16xf32>
      %swap3A_78 = arith.index_cast %add3A_49 : i32 to index
      %swap3A_79 = arith.constant 64 : index
      %swap3A_80 = tpu.vector_load %arg9[%swap3A_78, %swap3A_79] {strides = array<i32>} : memref<128x128xf32, #tpu.memory_space<vmem>>, vector<1x16xf32>,
      %swap3A_81 = vector.shape_cast %swap3A_80 : vector<1x16xf32> to vector<16xf32>
      %swap3A_82 = vector.shape_cast %broadcast_in_dim3A_77 : vector<16xf32> to vector<1x16xf32>
      tpu.vector_store %arg9[%swap3A_78, %swap3A_79], %swap3A_82 {strides = array<i32>} : memref<128x128xf32, #tpu.memory_space<vmem>>, vector<1x16xf32>,
      %broadcast_in_dim3A_83 = arith.constant 0.000000e+00 : f32
      %broadcast_in_dim3A_84 = vector.broadcast %broadcast_in_dim3A_83 : f32 to vector<16xf32>
      %swap3A_85 = arith.index_cast %add3A_49 : i32 to index
      %swap3A_86 = arith.constant 80 : index
      %swap3A_87 = tpu.vector_load %arg9[%swap3A_85, %swap3A_86] {strides = array<i32>} : memref<128x128xf32, #tpu.memory_space<vmem>>, vector<1x16xf32>,
      %swap3A_88 = vector.shape_cast %swap3A_87 : vector<1x16xf32> to vector<16xf32>
      %swap3A_89 = vector.shape_cast %broadcast_in_dim3A_84 : vector<16xf32> to vector<1x16xf32>
      tpu.vector_store %arg9[%swap3A_85, %swap3A_86], %swap3A_89 {strides = array<i32>} : memref<128x128xf32, #tpu.memory_space<vmem>>, vector<1x16xf32>,
      %broadcast_in_dim3A_90 = arith.constant 0.000000e+00 : f32
      %broadcast_in_dim3A_91 = vector.broadcast %broadcast_in_dim3A_90 : f32 to vector<16xf32>
      %swap3A_92 = arith.index_cast %add3A_49 : i32 to index
      %swap3A_93 = arith.constant 96 : index
      %swap3A_94 = tpu.vector_load %arg9[%swap3A_92, %swap3A_93] {strides = array<i32>} : memref<128x128xf32, #tpu.memory_space<vmem>>, vector<1x16xf32>,
      %swap3A_95 = vector.shape_cast %swap3A_94 : vector<1x16xf32> to vector<16xf32>
      %swap3A_96 = vector.shape_cast %broadcast_in_dim3A_91 : vector<16xf32> to vector<1x16xf32>
      tpu.vector_store %arg9[%swap3A_92, %swap3A_93], %swap3A_96 {strides = array<i32>} : memref<128x128xf32, #tpu.memory_space<vmem>>, vector<1x16xf32>,
      %broadcast_in_dim3A_97 = arith.constant 0.000000e+00 : f32
      %broadcast_in_dim3A_98 = vector.broadcast %broadcast_in_dim3A_97 : f32 to vector<16xf32>
      %swap3A_99 = arith.index_cast %add3A_49 : i32 to index
      %swap3A_100 = arith.constant 112 : index
      %swap3A_101 = tpu.vector_load %arg9[%swap3A_99, %swap3A_100] {strides = array<i32>} : memref<128x128xf32, #tpu.memory_space<vmem>>, vector<1x16xf32>,
      %swap3A_102 = vector.shape_cast %swap3A_101 : vector<1x16xf32> to vector<16xf32>
      %swap3A_103 = vector.shape_cast %broadcast_in_dim3A_98 : vector<16xf32> to vector<1x16xf32>
      tpu.vector_store %arg9[%swap3A_99, %swap3A_100], %swap3A_103 {strides = array<i32>} : memref<128x128xf32, #tpu.memory_space<vmem>>, vector<1x16xf32>,
    }
    %scan3A_4 = arith.constant 128 : i32
    %add3A = arith.constant 0 : i32
    %add3A_5 = arith.addi %mul3A_0, %add3A : i32
    "tpu.region"() ({
      %run_scoped3A = tpu.sem_alloc : memref<!tpu.dma_semaphore, #tpu.memory_space<semaphore_mem>>
      %dma_start3A = arith.constant 0 : i32
      %dma_start3A_45 = arith.constant 0 : i32
      %dma_start3A_46 = tpu.memref_slice %arg9[%dma_start3A, %dma_start3A_45] : memref<128x128xf32, #tpu.memory_space<vmem>> -> memref<128x128xf32, #tpu.memory_space<vmem>>
      %dma_start3A_47 = arith.constant 0 : i32
      %dma_start3A_48 = tpu.memref_slice %arg6[%add3A_5, %dma_start3A_47] : memref<10112x128xf32, #tpu.memory_space<vmem_shared>> -> memref<128x128xf32, #tpu.memory_space<vmem_shared>>
      %dma_start3A_49 = arith.constant 0 : i32
      %dma_start3A_50 = tpu.memref_slice %arg6[%add3A_5, %dma_start3A_49] : memref<10112x128xf32, #tpu.memory_space<vmem_shared>> -> memref<128x128xf32, #tpu.memory_space<vmem_shared>>
      %dma_start3A_51 = arith.constant 0 : i32
      %dma_start3A_52 = arith.constant 0 : i32
      %dma_start3A_53 = tpu.memref_slice %arg9[%dma_start3A_51, %dma_start3A_52] : memref<128x128xf32, #tpu.memory_space<vmem>> -> memref<128x128xf32, #tpu.memory_space<vmem>>
      tpu.enqueue_dma source(%dma_start3A_53 : memref<128x128xf32, #tpu.memory_space<vmem>>) target(%dma_start3A_50 : memref<128x128xf32, #tpu.memory_space<vmem_shared>>) target_semaphore(%run_scoped3A : memref<!tpu.dma_semaphore, #tpu.memory_space<semaphore_mem>>)
      %dma_wait3A = arith.constant 0 : i32
      %dma_wait3A_54 = arith.constant 0 : i32
      %dma_wait3A_55 = tpu.memref_slice %arg9[%dma_wait3A, %dma_wait3A_54] : memref<128x128xf32, #tpu.memory_space<vmem>> -> memref<128x128xf32, #tpu.memory_space<vmem>>
      %dma_wait3A_56 = arith.constant 0 : i32
      %dma_wait3A_57 = tpu.memref_slice %arg6[%add3A_5, %dma_wait3A_56] : memref<10112x128xf32, #tpu.memory_space<vmem_shared>> -> memref<128x128xf32, #tpu.memory_space<vmem_shared>>
      %dma_wait3A_58 = arith.constant 0 : i32
      %dma_wait3A_59 = tpu.memref_slice %arg6[%add3A_5, %dma_wait3A_58] : memref<10112x128xf32, #tpu.memory_space<vmem_shared>> -> memref<128x128xf32, #tpu.memory_space<vmem_shared>>
      %dma_wait3A_60 = arith.constant 0 : i32
      %dma_wait3A_61 = arith.constant 0 : i32
      %dma_wait3A_62 = tpu.memref_slice %arg9[%dma_wait3A_60, %dma_wait3A_61] : memref<128x128xf32, #tpu.memory_space<vmem>> -> memref<128x128xf32, #tpu.memory_space<vmem>>
      tpu.wait_dma2 semaphore(%run_scoped3A : memref<!tpu.dma_semaphore, #tpu.memory_space<semaphore_mem>>) src(%dma_wait3A_62 : memref<128x128xf32, #tpu.memory_space<vmem>>) dst(%dma_wait3A_59 : memref<128x128xf32, #tpu.memory_space<vmem_shared>>)
      tpu.yield
    }) : () -> ()
    %add3A_6 = arith.constant 128 : i32
    %add3A_7 = arith.addi %mul3A_0, %add3A_6 : i32
    "tpu.region"() ({
      %run_scoped3A = tpu.sem_alloc : memref<!tpu.dma_semaphore, #tpu.memory_space<semaphore_mem>>
      %dma_start3A = arith.constant 0 : i32
      %dma_start3A_45 = arith.constant 0 : i32
      %dma_start3A_46 = tpu.memref_slice %arg9[%dma_start3A, %dma_start3A_45] : memref<128x128xf32, #tpu.memory_space<vmem>> -> memref<128x128xf32, #tpu.memory_space<vmem>>
      %dma_start3A_47 = arith.constant 0 : i32
      %dma_start3A_48 = tpu.memref_slice %arg6[%add3A_7, %dma_start3A_47] : memref<10112x128xf32, #tpu.memory_space<vmem_shared>> -> memref<128x128xf32, #tpu.memory_space<vmem_shared>>
      %dma_start3A_49 = arith.constant 0 : i32
      %dma_start3A_50 = tpu.memref_slice %arg6[%add3A_7, %dma_start3A_49] : memref<10112x128xf32, #tpu.memory_space<vmem_shared>> -> memref<128x128xf32, #tpu.memory_space<vmem_shared>>
      %dma_start3A_51 = arith.constant 0 : i32
      %dma_start3A_52 = arith.constant 0 : i32
      %dma_start3A_53 = tpu.memref_slice %arg9[%dma_start3A_51, %dma_start3A_52] : memref<128x128xf32, #tpu.memory_space<vmem>> -> memref<128x128xf32, #tpu.memory_space<vmem>>
      tpu.enqueue_dma source(%dma_start3A_53 : memref<128x128xf32, #tpu.memory_space<vmem>>) target(%dma_start3A_50 : memref<128x128xf32, #tpu.memory_space<vmem_shared>>) target_semaphore(%run_scoped3A : memref<!tpu.dma_semaphore, #tpu.memory_space<semaphore_mem>>)
      %dma_wait3A = arith.constant 0 : i32
      %dma_wait3A_54 = arith.constant 0 : i32
      %dma_wait3A_55 = tpu.memref_slice %arg9[%dma_wait3A, %dma_wait3A_54] : memref<128x128xf32, #tpu.memory_space<vmem>> -> memref<128x128xf32, #tpu.memory_space<vmem>>
      %dma_wait3A_56 = arith.constant 0 : i32
      %dma_wait3A_57 = tpu.memref_slice %arg6[%add3A_7, %dma_wait3A_56] : memref<10112x128xf32, #tpu.memory_space<vmem_shared>> -> memref<128x128xf32, #tpu.memory_space<vmem_shared>>
      %dma_wait3A_58 = arith.constant 0 : i32
      %dma_wait3A_59 = tpu.memref_slice %arg6[%add3A_7, %dma_wait3A_58] : memref<10112x128xf32, #tpu.memory_space<vmem_shared>> -> memref<128x128xf32, #tpu.memory_space<vmem_shared>>
      %dma_wait3A_60 = arith.constant 0 : i32
      %dma_wait3A_61 = arith.constant 0 : i32
      %dma_wait3A_62 = tpu.memref_slice %arg9[%dma_wait3A_60, %dma_wait3A_61] : memref<128x128xf32, #tpu.memory_space<vmem>> -> memref<128x128xf32, #tpu.memory_space<vmem>>
      tpu.wait_dma2 semaphore(%run_scoped3A : memref<!tpu.dma_semaphore, #tpu.memory_space<semaphore_mem>>) src(%dma_wait3A_62 : memref<128x128xf32, #tpu.memory_space<vmem>>) dst(%dma_wait3A_59 : memref<128x128xf32, #tpu.memory_space<vmem_shared>>)
      tpu.yield
    }) : () -> ()
    %add3A_8 = arith.constant 256 : i32
    %add3A_9 = arith.addi %mul3A_0, %add3A_8 : i32
    "tpu.region"() ({
      %run_scoped3A = tpu.sem_alloc : memref<!tpu.dma_semaphore, #tpu.memory_space<semaphore_mem>>
      %dma_start3A = arith.constant 0 : i32
      %dma_start3A_45 = arith.constant 0 : i32
      %dma_start3A_46 = tpu.memref_slice %arg9[%dma_start3A, %dma_start3A_45] : memref<128x128xf32, #tpu.memory_space<vmem>> -> memref<128x128xf32, #tpu.memory_space<vmem>>
      %dma_start3A_47 = arith.constant 0 : i32
      %dma_start3A_48 = tpu.memref_slice %arg6[%add3A_9, %dma_start3A_47] : memref<10112x128xf32, #tpu.memory_space<vmem_shared>> -> memref<128x128xf32, #tpu.memory_space<vmem_shared>>
      %dma_start3A_49 = arith.constant 0 : i32
      %dma_start3A_50 = tpu.memref_slice %arg6[%add3A_9, %dma_start3A_49] : memref<10112x128xf32, #tpu.memory_space<vmem_shared>> -> memref<128x128xf32, #tpu.memory_space<vmem_shared>>
      %dma_start3A_51 = arith.constant 0 : i32
      %dma_start3A_52 = arith.constant 0 : i32
      %dma_start3A_53 = tpu.memref_slice %arg9[%dma_start3A_51, %dma_start3A_52] : memref<128x128xf32, #tpu.memory_space<vmem>> -> memref<128x128xf32, #tpu.memory_space<vmem>>
      tpu.enqueue_dma source(%dma_start3A_53 : memref<128x128xf32, #tpu.memory_space<vmem>>) target(%dma_start3A_50 : memref<128x128xf32, #tpu.memory_space<vmem_shared>>) target_semaphore(%run_scoped3A : memref<!tpu.dma_semaphore, #tpu.memory_space<semaphore_mem>>)
      %dma_wait3A = arith.constant 0 : i32
      %dma_wait3A_54 = arith.constant 0 : i32
      %dma_wait3A_55 = tpu.memref_slice %arg9[%dma_wait3A, %dma_wait3A_54] : memref<128x128xf32, #tpu.memory_space<vmem>> -> memref<128x128xf32, #tpu.memory_space<vmem>>
      %dma_wait3A_56 = arith.constant 0 : i32
      %dma_wait3A_57 = tpu.memref_slice %arg6[%add3A_9, %dma_wait3A_56] : memref<10112x128xf32, #tpu.memory_space<vmem_shared>> -> memref<128x128xf32, #tpu.memory_space<vmem_shared>>
      %dma_wait3A_58 = arith.constant 0 : i32
      %dma_wait3A_59 = tpu.memref_slice %arg6[%add3A_9, %dma_wait3A_58] : memref<10112x128xf32, #tpu.memory_space<vmem_shared>> -> memref<128x128xf32, #tpu.memory_space<vmem_shared>>
      %dma_wait3A_60 = arith.constant 0 : i32
      %dma_wait3A_61 = arith.constant 0 : i32
      %dma_wait3A_62 = tpu.memref_slice %arg9[%dma_wait3A_60, %dma_wait3A_61] : memref<128x128xf32, #tpu.memory_space<vmem>> -> memref<128x128xf32, #tpu.memory_space<vmem>>
      tpu.wait_dma2 semaphore(%run_scoped3A : memref<!tpu.dma_semaphore, #tpu.memory_space<semaphore_mem>>) src(%dma_wait3A_62 : memref<128x128xf32, #tpu.memory_space<vmem>>) dst(%dma_wait3A_59 : memref<128x128xf32, #tpu.memory_space<vmem_shared>>)
      tpu.yield
    }) : () -> ()
    %add3A_10 = arith.constant 384 : i32
    %add3A_11 = arith.addi %mul3A_0, %add3A_10 : i32
    "tpu.region"() ({
      %run_scoped3A = tpu.sem_alloc : memref<!tpu.dma_semaphore, #tpu.memory_space<semaphore_mem>>
      %dma_start3A = arith.constant 0 : i32
      %dma_start3A_45 = arith.constant 0 : i32
      %dma_start3A_46 = tpu.memref_slice %arg9[%dma_start3A, %dma_start3A_45] : memref<128x128xf32, #tpu.memory_space<vmem>> -> memref<128x128xf32, #tpu.memory_space<vmem>>
      %dma_start3A_47 = arith.constant 0 : i32
      %dma_start3A_48 = tpu.memref_slice %arg6[%add3A_11, %dma_start3A_47] : memref<10112x128xf32, #tpu.memory_space<vmem_shared>> -> memref<128x128xf32, #tpu.memory_space<vmem_shared>>
      %dma_start3A_49 = arith.constant 0 : i32
      %dma_start3A_50 = tpu.memref_slice %arg6[%add3A_11, %dma_start3A_49] : memref<10112x128xf32, #tpu.memory_space<vmem_shared>> -> memref<128x128xf32, #tpu.memory_space<vmem_shared>>
      %dma_start3A_51 = arith.constant 0 : i32
      %dma_start3A_52 = arith.constant 0 : i32
      %dma_start3A_53 = tpu.memref_slice %arg9[%dma_start3A_51, %dma_start3A_52] : memref<128x128xf32, #tpu.memory_space<vmem>> -> memref<128x128xf32, #tpu.memory_space<vmem>>
      tpu.enqueue_dma source(%dma_start3A_53 : memref<128x128xf32, #tpu.memory_space<vmem>>) target(%dma_start3A_50 : memref<128x128xf32, #tpu.memory_space<vmem_shared>>) target_semaphore(%run_scoped3A : memref<!tpu.dma_semaphore, #tpu.memory_space<semaphore_mem>>)
      %dma_wait3A = arith.constant 0 : i32
      %dma_wait3A_54 = arith.constant 0 : i32
      %dma_wait3A_55 = tpu.memref_slice %arg9[%dma_wait3A, %dma_wait3A_54] : memref<128x128xf32, #tpu.memory_space<vmem>> -> memref<128x128xf32, #tpu.memory_space<vmem>>
      %dma_wait3A_56 = arith.constant 0 : i32
      %dma_wait3A_57 = tpu.memref_slice %arg6[%add3A_11, %dma_wait3A_56] : memref<10112x128xf32, #tpu.memory_space<vmem_shared>> -> memref<128x128xf32, #tpu.memory_space<vmem_shared>>
      %dma_wait3A_58 = arith.constant 0 : i32
      %dma_wait3A_59 = tpu.memref_slice %arg6[%add3A_11, %dma_wait3A_58] : memref<10112x128xf32, #tpu.memory_space<vmem_shared>> -> memref<128x128xf32, #tpu.memory_space<vmem_shared>>
      %dma_wait3A_60 = arith.constant 0 : i32
      %dma_wait3A_61 = arith.constant 0 : i32
      %dma_wait3A_62 = tpu.memref_slice %arg9[%dma_wait3A_60, %dma_wait3A_61] : memref<128x128xf32, #tpu.memory_space<vmem>> -> memref<128x128xf32, #tpu.memory_space<vmem>>
      tpu.wait_dma2 semaphore(%run_scoped3A : memref<!tpu.dma_semaphore, #tpu.memory_space<semaphore_mem>>) src(%dma_wait3A_62 : memref<128x128xf32, #tpu.memory_space<vmem>>) dst(%dma_wait3A_59 : memref<128x128xf32, #tpu.memory_space<vmem_shared>>)
      tpu.yield
    }) : () -> ()
    %add3A_12 = arith.constant 512 : i32
    %add3A_13 = arith.addi %mul3A_0, %add3A_12 : i32
    "tpu.region"() ({
      %run_scoped3A = tpu.sem_alloc : memref<!tpu.dma_semaphore, #tpu.memory_space<semaphore_mem>>
      %dma_start3A = arith.constant 0 : i32
      %dma_start3A_45 = arith.constant 0 : i32
      %dma_start3A_46 = tpu.memref_slice %arg9[%dma_start3A, %dma_start3A_45] : memref<128x128xf32, #tpu.memory_space<vmem>> -> memref<120x128xf32, #tpu.memory_space<vmem>>
      %dma_start3A_47 = arith.constant 0 : i32
      %dma_start3A_48 = tpu.memref_slice %arg6[%add3A_13, %dma_start3A_47] : memref<10112x128xf32, #tpu.memory_space<vmem_shared>> -> memref<120x128xf32, #tpu.memory_space<vmem_shared>>
      %dma_start3A_49 = arith.constant 0 : i32
      %dma_start3A_50 = tpu.memref_slice %arg6[%add3A_13, %dma_start3A_49] : memref<10112x128xf32, #tpu.memory_space<vmem_shared>> -> memref<120x128xf32, #tpu.memory_space<vmem_shared>>
      %dma_start3A_51 = arith.constant 0 : i32
      %dma_start3A_52 = arith.constant 0 : i32
      %dma_start3A_53 = tpu.memref_slice %arg9[%dma_start3A_51, %dma_start3A_52] : memref<128x128xf32, #tpu.memory_space<vmem>> -> memref<120x128xf32, #tpu.memory_space<vmem>>
      tpu.enqueue_dma source(%dma_start3A_53 : memref<120x128xf32, #tpu.memory_space<vmem>>) target(%dma_start3A_50 : memref<120x128xf32, #tpu.memory_space<vmem_shared>>) target_semaphore(%run_scoped3A : memref<!tpu.dma_semaphore, #tpu.memory_space<semaphore_mem>>)
      %dma_wait3A = arith.constant 0 : i32
      %dma_wait3A_54 = arith.constant 0 : i32
      %dma_wait3A_55 = tpu.memref_slice %arg9[%dma_wait3A, %dma_wait3A_54] : memref<128x128xf32, #tpu.memory_space<vmem>> -> memref<120x128xf32, #tpu.memory_space<vmem>>
      %dma_wait3A_56 = arith.constant 0 : i32
      %dma_wait3A_57 = tpu.memref_slice %arg6[%add3A_13, %dma_wait3A_56] : memref<10112x128xf32, #tpu.memory_space<vmem_shared>> -> memref<120x128xf32, #tpu.memory_space<vmem_shared>>
      %dma_wait3A_58 = arith.constant 0 : i32
      %dma_wait3A_59 = tpu.memref_slice %arg6[%add3A_13, %dma_wait3A_58] : memref<10112x128xf32, #tpu.memory_space<vmem_shared>> -> memref<120x128xf32, #tpu.memory_space<vmem_shared>>
      %dma_wait3A_60 = arith.constant 0 : i32
      %dma_wait3A_61 = arith.constant 0 : i32
      %dma_wait3A_62 = tpu.memref_slice %arg9[%dma_wait3A_60, %dma_wait3A_61] : memref<128x128xf32, #tpu.memory_space<vmem>> -> memref<120x128xf32, #tpu.memory_space<vmem>>
      tpu.wait_dma2 semaphore(%run_scoped3A : memref<!tpu.dma_semaphore, #tpu.memory_space<semaphore_mem>>) src(%dma_wait3A_62 : memref<120x128xf32, #tpu.memory_space<vmem>>) dst(%dma_wait3A_59 : memref<120x128xf32, #tpu.memory_space<vmem_shared>>)
      tpu.yield
    }) : () -> ()
    %barrier3A = arith.constant 0 : index
    tpu.barrier barrier_id(%barrier3A)
    %mul3A_14 = arith.constant 16 : i32
    %mul3A_15 = arith.muli %arg0, %mul3A_14 : i32
    %add3A_16 = arith.addi %mul3A_15, %arg1 : i32
    %mul3A_17 = arith.constant 80 : i32
    %mul3A_18 = arith.muli %add3A_16, %mul3A_17 : i32
    %scan3A_19 = arith.constant 0 : i32
    %scan3A_20 = arith.constant 2 : i32
    %scan3A_21 = arith.addi %scan3A_19, %scan3A_20 : i32
    %scan3A_22 = arith.constant 1 : i32
    scf.for %scan3A_45 = %scan3A_19 to %scan3A_21 step %scan3A_22  : i32 {
      %mul3A_46 = arith.constant 1 : i32
      %mul3A_47 = arith.muli %scan3A_45, %mul3A_46 : i32
      %add3A_48 = arith.constant 0 : i32
      %add3A_49 = arith.addi %add3A_48, %mul3A_47 : i32
      %mul3A_50 = arith.constant 40 : i32
      %mul3A_51 = arith.muli %add3A_49, %mul3A_50 : i32
      %add3A_52 = arith.addi %mul3A_18, %mul3A_51 : i32
      "tpu.region"() ({
        %run_scoped3A_88 = tpu.sem_alloc : memref<!tpu.dma_semaphore, #tpu.memory_space<semaphore_mem>>
        %dma_start3A_89 = arith.constant 0 : i32
        %dma_start3A_90 = tpu.memref_slice %arg3[%add3A_52, %dma_start3A_89] : memref<2560x128xi32, #tpu.memory_space<hbm>> -> memref<40x128xi32, #tpu.memory_space<hbm>>
        %dma_start3A_91 = arith.constant 0 : i32
        %dma_start3A_92 = tpu.memref_slice %arg3[%add3A_52, %dma_start3A_91] : memref<2560x128xi32, #tpu.memory_space<hbm>> -> memref<40x128xi32, #tpu.memory_space<hbm>>
        tpu.enqueue_dma source(%dma_start3A_92 : memref<40x128xi32, #tpu.memory_space<hbm>>) target(%arg7 : memref<40x128xi32, #tpu.memory_space<vmem>>) target_semaphore(%run_scoped3A_88 : memref<!tpu.dma_semaphore, #tpu.memory_space<semaphore_mem>>)
        %dma_wait3A_93 = arith.constant 0 : i32
        %dma_wait3A_94 = tpu.memref_slice %arg3[%add3A_52, %dma_wait3A_93] : memref<2560x128xi32, #tpu.memory_space<hbm>> -> memref<40x128xi32, #tpu.memory_space<hbm>>
        %dma_wait3A_95 = arith.constant 0 : i32
        %dma_wait3A_96 = tpu.memref_slice %arg3[%add3A_52, %dma_wait3A_95] : memref<2560x128xi32, #tpu.memory_space<hbm>> -> memref<40x128xi32, #tpu.memory_space<hbm>>
        tpu.wait_dma2 semaphore(%run_scoped3A_88 : memref<!tpu.dma_semaphore, #tpu.memory_space<semaphore_mem>>) src(%dma_wait3A_96 : memref<40x128xi32, #tpu.memory_space<hbm>>) dst(%arg7 : memref<40x128xi32, #tpu.memory_space<vmem>>)
        tpu.yield
      }) : () -> ()
      %mul3A_53 = arith.constant 40 : i32
      %mul3A_54 = arith.muli %add3A_49, %mul3A_53 : i32
      %add3A_55 = arith.addi %mul3A_18, %mul3A_54 : i32
      "tpu.region"() ({
        %run_scoped3A_88 = tpu.sem_alloc : memref<!tpu.dma_semaphore, #tpu.memory_space<semaphore_mem>>
        %dma_start3A_89 = arith.constant 0 : i32
        %dma_start3A_90 = tpu.memref_slice %arg4[%add3A_55, %dma_start3A_89] : memref<2560x128xi32, #tpu.memory_space<hbm>> -> memref<40x128xi32, #tpu.memory_space<hbm>>
        %dma_start3A_91 = arith.constant 0 : i32
        %dma_start3A_92 = tpu.memref_slice %arg4[%add3A_55, %dma_start3A_91] : memref<2560x128xi32, #tpu.memory_space<hbm>> -> memref<40x128xi32, #tpu.memory_space<hbm>>
        tpu.enqueue_dma source(%dma_start3A_92 : memref<40x128xi32, #tpu.memory_space<hbm>>) target(%arg8 : memref<40x128xi32, #tpu.memory_space<vmem>>) target_semaphore(%run_scoped3A_88 : memref<!tpu.dma_semaphore, #tpu.memory_space<semaphore_mem>>)
        %dma_wait3A_93 = arith.constant 0 : i32
        %dma_wait3A_94 = tpu.memref_slice %arg4[%add3A_55, %dma_wait3A_93] : memref<2560x128xi32, #tpu.memory_space<hbm>> -> memref<40x128xi32, #tpu.memory_space<hbm>>
        %dma_wait3A_95 = arith.constant 0 : i32
        %dma_wait3A_96 = tpu.memref_slice %arg4[%add3A_55, %dma_wait3A_95] : memref<2560x128xi32, #tpu.memory_space<hbm>> -> memref<40x128xi32, #tpu.memory_space<hbm>>
        tpu.wait_dma2 semaphore(%run_scoped3A_88 : memref<!tpu.dma_semaphore, #tpu.memory_space<semaphore_mem>>) src(%dma_wait3A_96 : memref<40x128xi32, #tpu.memory_space<hbm>>) dst(%arg8 : memref<40x128xi32, #tpu.memory_space<vmem>>)
        tpu.yield
      }) : () -> ()
      %dma_start3A = arith.constant 0 : i32
      %dma_start3A_56 = arith.constant 0 : i32
      %dma_start3A_57 = tpu.memref_slice %arg7[%dma_start3A, %dma_start3A_56] : memref<40x128xi32, #tpu.memory_space<vmem>> -> memref<1x128xi32, #tpu.memory_space<vmem>>
      %dma_start3A_58 = tpu.memref_squeeze %dma_start3A_57 : memref<1x128xi32, #tpu.memory_space<vmem>> -> memref<128xi32, #tpu.memory_space<vmem>>
      %dma_start3A_59 = arith.constant 0 : i32
      %dma_start3A_60 = arith.constant 0 : i32
      %dma_start3A_61 = tpu.memref_slice %arg2[%dma_start3A_59, %dma_start3A_60] : memref<10000x128xf32, #tpu.memory_space<hbm>> -> memref<10000x128xf32, #tpu.memory_space<hbm>>
      tpu.enqueue_indirect_dma source(%dma_start3A_61 : memref<10000x128xf32, #tpu.memory_space<hbm>>) target(%arg9 : memref<128x128xf32, #tpu.memory_space<vmem>>) offsets(%dma_start3A_58 : memref<128xi32, #tpu.memory_space<vmem>>) semaphore(%arg11 : memref<!tpu.dma_semaphore, #tpu.memory_space<semaphore_mem>>)
      %scan3A_62 = arith.constant 0 : i32
      %scan3A_63 = arith.constant 19 : i32
      %scan3A_64 = arith.addi %scan3A_62, %scan3A_63 : i32
      %scan3A_65 = arith.constant 1 : i32
      scf.for %scan3A_88 = %scan3A_62 to %scan3A_64 step %scan3A_65  : i32 {
        %mul3A_89 = arith.constant 1 : i32
        %mul3A_90 = arith.muli %scan3A_88, %mul3A_89 : i32
        %add3A_91 = arith.constant 0 : i32
        %add3A_92 = arith.addi %add3A_91, %mul3A_90 : i32
        %mul3A_93 = arith.constant 2 : i32
        %mul3A_94 = arith.muli %mul3A_93, %add3A_92 : i32
        %add3A_95 = arith.constant 1 : i32
        %add3A_96 = arith.addi %mul3A_94, %add3A_95 : i32
        %dma_start3A_97 = arith.constant 0 : i32
        %dma_start3A_98 = tpu.memref_slice %arg7[%add3A_96, %dma_start3A_97] : memref<40x128xi32, #tpu.memory_space<vmem>> -> memref<1x128xi32, #tpu.memory_space<vmem>>
        %dma_start3A_99 = tpu.memref_squeeze %dma_start3A_98 : memref<1x128xi32, #tpu.memory_space<vmem>> -> memref<128xi32, #tpu.memory_space<vmem>>
        %dma_start3A_100 = arith.constant 0 : i32
        %dma_start3A_101 = arith.constant 0 : i32
        %dma_start3A_102 = tpu.memref_slice %arg2[%dma_start3A_100, %dma_start3A_101] : memref<10000x128xf32, #tpu.memory_space<hbm>> -> memref<10000x128xf32, #tpu.memory_space<hbm>>
        tpu.enqueue_indirect_dma source(%dma_start3A_102 : memref<10000x128xf32, #tpu.memory_space<hbm>>) target(%arg10 : memref<128x128xf32, #tpu.memory_space<vmem>>) offsets(%dma_start3A_99 : memref<128xi32, #tpu.memory_space<vmem>>) semaphore(%arg12 : memref<!tpu.dma_semaphore, #tpu.memory_space<semaphore_mem>>)
        %mul3A_103 = arith.constant 2 : i32
        %mul3A_104 = arith.muli %mul3A_103, %add3A_92 : i32
        %dma_wait3A_105 = arith.constant 0 : i32
        %dma_wait3A_106 = tpu.memref_slice %arg7[%mul3A_104, %dma_wait3A_105] : memref<40x128xi32, #tpu.memory_space<vmem>> -> memref<1x128xi32, #tpu.memory_space<vmem>>
        %dma_wait3A_107 = tpu.memref_squeeze %dma_wait3A_106 : memref<1x128xi32, #tpu.memory_space<vmem>> -> memref<128xi32, #tpu.memory_space<vmem>>
        %dma_wait3A_108 = arith.constant 0 : i32
        %dma_wait3A_109 = arith.constant 0 : i32
        %dma_wait3A_110 = tpu.memref_slice %arg2[%dma_wait3A_108, %dma_wait3A_109] : memref<10000x128xf32, #tpu.memory_space<hbm>> -> memref<10000x128xf32, #tpu.memory_space<hbm>>
        tpu.wait_indirect_dma semaphore(%arg11 : memref<!tpu.dma_semaphore, #tpu.memory_space<semaphore_mem>>) src(%dma_wait3A_110 : memref<10000x128xf32, #tpu.memory_space<hbm>>) dst(%arg9 : memref<128x128xf32, #tpu.memory_space<vmem>>)
        %mul3A_111 = arith.constant 2 : i32
        %mul3A_112 = arith.muli %mul3A_111, %add3A_92 : i32
        "tpu.region"() ({
          %run_scoped3A_137 = tpu.sem_alloc : memref<!tpu.dma_semaphore, #tpu.memory_space<semaphore_mem>>
          %dma_start3A_138 = arith.constant 0 : i32
          %dma_start3A_139 = tpu.memref_slice %arg8[%mul3A_112, %dma_start3A_138] : memref<40x128xi32, #tpu.memory_space<vmem>> -> memref<1x128xi32, #tpu.memory_space<vmem>>
          %dma_start3A_140 = tpu.memref_squeeze %dma_start3A_139 : memref<1x128xi32, #tpu.memory_space<vmem>> -> memref<128xi32, #tpu.memory_space<vmem>>
          %dma_start3A_141 = arith.constant 0 : i32
          %dma_start3A_142 = arith.constant 0 : i32
          %dma_start3A_143 = tpu.memref_slice %arg6[%dma_start3A_141, %dma_start3A_142] : memref<10112x128xf32, #tpu.memory_space<vmem_shared>> -> memref<10112x128xf32, #tpu.memory_space<vmem_shared>>
          tpu.enqueue_indirect_dma source(%arg9 : memref<128x128xf32, #tpu.memory_space<vmem>>) target(%dma_start3A_143 : memref<10112x128xf32, #tpu.memory_space<vmem_shared>>) offsets(%dma_start3A_140 : memref<128xi32, #tpu.memory_space<vmem>>) semaphore(%run_scoped3A_137 : memref<!tpu.dma_semaphore, #tpu.memory_space<semaphore_mem>>) {add = true}
          %dma_wait3A_144 = arith.constant 0 : i32
          %dma_wait3A_145 = tpu.memref_slice %arg8[%mul3A_112, %dma_wait3A_144] : memref<40x128xi32, #tpu.memory_space<vmem>> -> memref<1x128xi32, #tpu.memory_space<vmem>>
          %dma_wait3A_146 = tpu.memref_squeeze %dma_wait3A_145 : memref<1x128xi32, #tpu.memory_space<vmem>> -> memref<128xi32, #tpu.memory_space<vmem>>
          %dma_wait3A_147 = arith.constant 0 : i32
          %dma_wait3A_148 = arith.constant 0 : i32
          %dma_wait3A_149 = tpu.memref_slice %arg6[%dma_wait3A_147, %dma_wait3A_148] : memref<10112x128xf32, #tpu.memory_space<vmem_shared>> -> memref<10112x128xf32, #tpu.memory_space<vmem_shared>>
          tpu.wait_indirect_dma semaphore(%run_scoped3A_137 : memref<!tpu.dma_semaphore, #tpu.memory_space<semaphore_mem>>) src(%arg9 : memref<128x128xf32, #tpu.memory_space<vmem>>) dst(%dma_wait3A_149 : memref<10112x128xf32, #tpu.memory_space<vmem_shared>>)
          tpu.yield
        }) : () -> ()
        %mul3A_113 = arith.constant 2 : i32
        %mul3A_114 = arith.muli %mul3A_113, %add3A_92 : i32
        %add3A_115 = arith.constant 2 : i32
        %add3A_116 = arith.addi %mul3A_114, %add3A_115 : i32
        %dma_start3A_117 = arith.constant 0 : i32
        %dma_start3A_118 = tpu.memref_slice %arg7[%add3A_116, %dma_start3A_117] : memref<40x128xi32, #tpu.memory_space<vmem>> -> memref<1x128xi32, #tpu.memory_space<vmem>>
        %dma_start3A_119 = tpu.memref_squeeze %dma_start3A_118 : memref<1x128xi32, #tpu.memory_space<vmem>> -> memref<128xi32, #tpu.memory_space<vmem>>
        %dma_start3A_120 = arith.constant 0 : i32
        %dma_start3A_121 = arith.constant 0 : i32
        %dma_start3A_122 = tpu.memref_slice %arg2[%dma_start3A_120, %dma_start3A_121] : memref<10000x128xf32, #tpu.memory_space<hbm>> -> memref<10000x128xf32, #tpu.memory_space<hbm>>
        tpu.enqueue_indirect_dma source(%dma_start3A_122 : memref<10000x128xf32, #tpu.memory_space<hbm>>) target(%arg9 : memref<128x128xf32, #tpu.memory_space<vmem>>) offsets(%dma_start3A_119 : memref<128xi32, #tpu.memory_space<vmem>>) semaphore(%arg11 : memref<!tpu.dma_semaphore, #tpu.memory_space<semaphore_mem>>)
        %mul3A_123 = arith.constant 2 : i32
        %mul3A_124 = arith.muli %mul3A_123, %add3A_92 : i32
        %add3A_125 = arith.constant 1 : i32
        %add3A_126 = arith.addi %mul3A_124, %add3A_125 : i32
        %dma_wait3A_127 = arith.constant 0 : i32
        %dma_wait3A_128 = tpu.memref_slice %arg7[%add3A_126, %dma_wait3A_127] : memref<40x128xi32, #tpu.memory_space<vmem>> -> memref<1x128xi32, #tpu.memory_space<vmem>>
        %dma_wait3A_129 = tpu.memref_squeeze %dma_wait3A_128 : memref<1x128xi32, #tpu.memory_space<vmem>> -> memref<128xi32, #tpu.memory_space<vmem>>
        %dma_wait3A_130 = arith.constant 0 : i32
        %dma_wait3A_131 = arith.constant 0 : i32
        %dma_wait3A_132 = tpu.memref_slice %arg2[%dma_wait3A_130, %dma_wait3A_131] : memref<10000x128xf32, #tpu.memory_space<hbm>> -> memref<10000x128xf32, #tpu.memory_space<hbm>>
        tpu.wait_indirect_dma semaphore(%arg12 : memref<!tpu.dma_semaphore, #tpu.memory_space<semaphore_mem>>) src(%dma_wait3A_132 : memref<10000x128xf32, #tpu.memory_space<hbm>>) dst(%arg10 : memref<128x128xf32, #tpu.memory_space<vmem>>)
        %mul3A_133 = arith.constant 2 : i32
        %mul3A_134 = arith.muli %mul3A_133, %add3A_92 : i32
        %add3A_135 = arith.constant 1 : i32
        %add3A_136 = arith.addi %mul3A_134, %add3A_135 : i32
        "tpu.region"() ({
          %run_scoped3A_137 = tpu.sem_alloc : memref<!tpu.dma_semaphore, #tpu.memory_space<semaphore_mem>>
          %dma_start3A_138 = arith.constant 0 : i32
          %dma_start3A_139 = tpu.memref_slice %arg8[%add3A_136, %dma_start3A_138] : memref<40x128xi32, #tpu.memory_space<vmem>> -> memref<1x128xi32, #tpu.memory_space<vmem>>
          %dma_start3A_140 = tpu.memref_squeeze %dma_start3A_139 : memref<1x128xi32, #tpu.memory_space<vmem>> -> memref<128xi32, #tpu.memory_space<vmem>>
          %dma_start3A_141 = arith.constant 0 : i32
          %dma_start3A_142 = arith.constant 0 : i32
          %dma_start3A_143 = tpu.memref_slice %arg6[%dma_start3A_141, %dma_start3A_142] : memref<10112x128xf32, #tpu.memory_space<vmem_shared>> -> memref<10112x128xf32, #tpu.memory_space<vmem_shared>>
          tpu.enqueue_indirect_dma source(%arg10 : memref<128x128xf32, #tpu.memory_space<vmem>>) target(%dma_start3A_143 : memref<10112x128xf32, #tpu.memory_space<vmem_shared>>) offsets(%dma_start3A_140 : memref<128xi32, #tpu.memory_space<vmem>>) semaphore(%run_scoped3A_137 : memref<!tpu.dma_semaphore, #tpu.memory_space<semaphore_mem>>) {add = true}
          %dma_wait3A_144 = arith.constant 0 : i32
          %dma_wait3A_145 = tpu.memref_slice %arg8[%add3A_136, %dma_wait3A_144] : memref<40x128xi32, #tpu.memory_space<vmem>> -> memref<1x128xi32, #tpu.memory_space<vmem>>
          %dma_wait3A_146 = tpu.memref_squeeze %dma_wait3A_145 : memref<1x128xi32, #tpu.memory_space<vmem>> -> memref<128xi32, #tpu.memory_space<vmem>>
          %dma_wait3A_147 = arith.constant 0 : i32
          %dma_wait3A_148 = arith.constant 0 : i32
          %dma_wait3A_149 = tpu.memref_slice %arg6[%dma_wait3A_147, %dma_wait3A_148] : memref<10112x128xf32, #tpu.memory_space<vmem_shared>> -> memref<10112x128xf32, #tpu.memory_space<vmem_shared>>
          tpu.wait_indirect_dma semaphore(%run_scoped3A_137 : memref<!tpu.dma_semaphore, #tpu.memory_space<semaphore_mem>>) src(%arg10 : memref<128x128xf32, #tpu.memory_space<vmem>>) dst(%dma_wait3A_149 : memref<10112x128xf32, #tpu.memory_space<vmem_shared>>)
          tpu.yield
        }) : () -> ()
      }
      %scan3A_66 = arith.constant 19 : i32
      %dma_start3A_67 = arith.constant 39 : i32
      %dma_start3A_68 = arith.constant 0 : i32
      %dma_start3A_69 = tpu.memref_slice %arg7[%dma_start3A_67, %dma_start3A_68] : memref<40x128xi32, #tpu.memory_space<vmem>> -> memref<1x128xi32, #tpu.memory_space<vmem>>
      %dma_start3A_70 = tpu.memref_squeeze %dma_start3A_69 : memref<1x128xi32, #tpu.memory_space<vmem>> -> memref<128xi32, #tpu.memory_space<vmem>>
      %dma_start3A_71 = arith.constant 0 : i32
      %dma_start3A_72 = arith.constant 0 : i32
      %dma_start3A_73 = tpu.memref_slice %arg2[%dma_start3A_71, %dma_start3A_72] : memref<10000x128xf32, #tpu.memory_space<hbm>> -> memref<10000x128xf32, #tpu.memory_space<hbm>>
      tpu.enqueue_indirect_dma source(%dma_start3A_73 : memref<10000x128xf32, #tpu.memory_space<hbm>>) target(%arg10 : memref<128x128xf32, #tpu.memory_space<vmem>>) offsets(%dma_start3A_70 : memref<128xi32, #tpu.memory_space<vmem>>) semaphore(%arg12 : memref<!tpu.dma_semaphore, #tpu.memory_space<semaphore_mem>>)
      %dma_wait3A = arith.constant 38 : i32
      %dma_wait3A_74 = arith.constant 0 : i32
      %dma_wait3A_75 = tpu.memref_slice %arg7[%dma_wait3A, %dma_wait3A_74] : memref<40x128xi32, #tpu.memory_space<vmem>> -> memref<1x128xi32, #tpu.memory_space<vmem>>
      %dma_wait3A_76 = tpu.memref_squeeze %dma_wait3A_75 : memref<1x128xi32, #tpu.memory_space<vmem>> -> memref<128xi32, #tpu.memory_space<vmem>>
      %dma_wait3A_77 = arith.constant 0 : i32
      %dma_wait3A_78 = arith.constant 0 : i32
      %dma_wait3A_79 = tpu.memref_slice %arg2[%dma_wait3A_77, %dma_wait3A_78] : memref<10000x128xf32, #tpu.memory_space<hbm>> -> memref<10000x128xf32, #tpu.memory_space<hbm>>
      tpu.wait_indirect_dma semaphore(%arg11 : memref<!tpu.dma_semaphore, #tpu.memory_space<semaphore_mem>>) src(%dma_wait3A_79 : memref<10000x128xf32, #tpu.memory_space<hbm>>) dst(%arg9 : memref<128x128xf32, #tpu.memory_space<vmem>>)
      %run_scoped3A = arith.constant 38 : i32
      "tpu.region"() ({
        %run_scoped3A_88 = tpu.sem_alloc : memref<!tpu.dma_semaphore, #tpu.memory_space<semaphore_mem>>
        %dma_start3A_89 = arith.constant 0 : i32
        %dma_start3A_90 = tpu.memref_slice %arg8[%run_scoped3A, %dma_start3A_89] : memref<40x128xi32, #tpu.memory_space<vmem>> -> memref<1x128xi32, #tpu.memory_space<vmem>>
        %dma_start3A_91 = tpu.memref_squeeze %dma_start3A_90 : memref<1x128xi32, #tpu.memory_space<vmem>> -> memref<128xi32, #tpu.memory_space<vmem>>
        %dma_start3A_92 = arith.constant 0 : i32
        %dma_start3A_93 = arith.constant 0 : i32
        %dma_start3A_94 = tpu.memref_slice %arg6[%dma_start3A_92, %dma_start3A_93] : memref<10112x128xf32, #tpu.memory_space<vmem_shared>> -> memref<10112x128xf32, #tpu.memory_space<vmem_shared>>
        tpu.enqueue_indirect_dma source(%arg9 : memref<128x128xf32, #tpu.memory_space<vmem>>) target(%dma_start3A_94 : memref<10112x128xf32, #tpu.memory_space<vmem_shared>>) offsets(%dma_start3A_91 : memref<128xi32, #tpu.memory_space<vmem>>) semaphore(%run_scoped3A_88 : memref<!tpu.dma_semaphore, #tpu.memory_space<semaphore_mem>>) {add = true}
        %dma_wait3A_95 = arith.constant 0 : i32
        %dma_wait3A_96 = tpu.memref_slice %arg8[%run_scoped3A, %dma_wait3A_95] : memref<40x128xi32, #tpu.memory_space<vmem>> -> memref<1x128xi32, #tpu.memory_space<vmem>>
        %dma_wait3A_97 = tpu.memref_squeeze %dma_wait3A_96 : memref<1x128xi32, #tpu.memory_space<vmem>> -> memref<128xi32, #tpu.memory_space<vmem>>
        %dma_wait3A_98 = arith.constant 0 : i32
        %dma_wait3A_99 = arith.constant 0 : i32
        %dma_wait3A_100 = tpu.memref_slice %arg6[%dma_wait3A_98, %dma_wait3A_99] : memref<10112x128xf32, #tpu.memory_space<vmem_shared>> -> memref<10112x128xf32, #tpu.memory_space<vmem_shared>>
        tpu.wait_indirect_dma semaphore(%run_scoped3A_88 : memref<!tpu.dma_semaphore, #tpu.memory_space<semaphore_mem>>) src(%arg9 : memref<128x128xf32, #tpu.memory_space<vmem>>) dst(%dma_wait3A_100 : memref<10112x128xf32, #tpu.memory_space<vmem_shared>>)
        tpu.yield
      }) : () -> ()
      %dma_wait3A_80 = arith.constant 39 : i32
      %dma_wait3A_81 = arith.constant 0 : i32
      %dma_wait3A_82 = tpu.memref_slice %arg7[%dma_wait3A_80, %dma_wait3A_81] : memref<40x128xi32, #tpu.memory_space<vmem>> -> memref<1x128xi32, #tpu.memory_space<vmem>>
      %dma_wait3A_83 = tpu.memref_squeeze %dma_wait3A_82 : memref<1x128xi32, #tpu.memory_space<vmem>> -> memref<128xi32, #tpu.memory_space<vmem>>
      %dma_wait3A_84 = arith.constant 0 : i32
      %dma_wait3A_85 = arith.constant 0 : i32
      %dma_wait3A_86 = tpu.memref_slice %arg2[%dma_wait3A_84, %dma_wait3A_85] : memref<10000x128xf32, #tpu.memory_space<hbm>> -> memref<10000x128xf32, #tpu.memory_space<hbm>>
      tpu.wait_indirect_dma semaphore(%arg12 : memref<!tpu.dma_semaphore, #tpu.memory_space<semaphore_mem>>) src(%dma_wait3A_86 : memref<10000x128xf32, #tpu.memory_space<hbm>>) dst(%arg10 : memref<128x128xf32, #tpu.memory_space<vmem>>)
      %run_scoped3A_87 = arith.constant 39 : i32
      "tpu.region"() ({
        %run_scoped3A_88 = tpu.sem_alloc : memref<!tpu.dma_semaphore, #tpu.memory_space<semaphore_mem>>
        %dma_start3A_89 = arith.constant 0 : i32
        %dma_start3A_90 = tpu.memref_slice %arg8[%run_scoped3A_87, %dma_start3A_89] : memref<40x128xi32, #tpu.memory_space<vmem>> -> memref<1x128xi32, #tpu.memory_space<vmem>>
        %dma_start3A_91 = tpu.memref_squeeze %dma_start3A_90 : memref<1x128xi32, #tpu.memory_space<vmem>> -> memref<128xi32, #tpu.memory_space<vmem>>
        %dma_start3A_92 = arith.constant 0 : i32
        %dma_start3A_93 = arith.constant 0 : i32
        %dma_start3A_94 = tpu.memref_slice %arg6[%dma_start3A_92, %dma_start3A_93] : memref<10112x128xf32, #tpu.memory_space<vmem_shared>> -> memref<10112x128xf32, #tpu.memory_space<vmem_shared>>
        tpu.enqueue_indirect_dma source(%arg10 : memref<128x128xf32, #tpu.memory_space<vmem>>) target(%dma_start3A_94 : memref<10112x128xf32, #tpu.memory_space<vmem_shared>>) offsets(%dma_start3A_91 : memref<128xi32, #tpu.memory_space<vmem>>) semaphore(%run_scoped3A_88 : memref<!tpu.dma_semaphore, #tpu.memory_space<semaphore_mem>>) {add = true}
        %dma_wait3A_95 = arith.constant 0 : i32
        %dma_wait3A_96 = tpu.memref_slice %arg8[%run_scoped3A_87, %dma_wait3A_95] : memref<40x128xi32, #tpu.memory_space<vmem>> -> memref<1x128xi32, #tpu.memory_space<vmem>>
        %dma_wait3A_97 = tpu.memref_squeeze %dma_wait3A_96 : memref<1x128xi32, #tpu.memory_space<vmem>> -> memref<128xi32, #tpu.memory_space<vmem>>
        %dma_wait3A_98 = arith.constant 0 : i32
        %dma_wait3A_99 = arith.constant 0 : i32
        %dma_wait3A_100 = tpu.memref_slice %arg6[%dma_wait3A_98, %dma_wait3A_99] : memref<10112x128xf32, #tpu.memory_space<vmem_shared>> -> memref<10112x128xf32, #tpu.memory_space<vmem_shared>>
        tpu.wait_indirect_dma semaphore(%run_scoped3A_88 : memref<!tpu.dma_semaphore, #tpu.memory_space<semaphore_mem>>) src(%arg10 : memref<128x128xf32, #tpu.memory_space<vmem>>) dst(%dma_wait3A_100 : memref<10112x128xf32, #tpu.memory_space<vmem_shared>>)
        tpu.yield
      }) : () -> ()
    }
    %scan3A_23 = arith.constant 2 : i32
    %barrier3A_24 = arith.constant 0 : index
    tpu.barrier barrier_id(%barrier3A_24)
    %add3A_25 = arith.constant 0 : i32
    %add3A_26 = arith.addi %mul3A_0, %add3A_25 : i32
    "tpu.region"() ({
      %run_scoped3A = tpu.sem_alloc : memref<!tpu.dma_semaphore, #tpu.memory_space<semaphore_mem>>
      %dma_start3A = arith.constant 0 : i32
      %dma_start3A_45 = arith.constant 0 : i32
      %dma_start3A_46 = tpu.memref_slice %arg9[%dma_start3A, %dma_start3A_45] : memref<128x128xf32, #tpu.memory_space<vmem>> -> memref<128x128xf32, #tpu.memory_space<vmem>>
      %dma_start3A_47 = arith.constant 0 : i32
      %dma_start3A_48 = tpu.memref_slice %arg6[%add3A_26, %dma_start3A_47] : memref<10112x128xf32, #tpu.memory_space<vmem_shared>> -> memref<128x128xf32, #tpu.memory_space<vmem_shared>>
      %dma_start3A_49 = arith.constant 0 : i32
      %dma_start3A_50 = arith.constant 0 : i32
      %dma_start3A_51 = tpu.memref_slice %arg9[%dma_start3A_49, %dma_start3A_50] : memref<128x128xf32, #tpu.memory_space<vmem>> -> memref<128x128xf32, #tpu.memory_space<vmem>>
      %dma_start3A_52 = arith.constant 0 : i32
      %dma_start3A_53 = tpu.memref_slice %arg6[%add3A_26, %dma_start3A_52] : memref<10112x128xf32, #tpu.memory_space<vmem_shared>> -> memref<128x128xf32, #tpu.memory_space<vmem_shared>>
      tpu.enqueue_dma source(%dma_start3A_53 : memref<128x128xf32, #tpu.memory_space<vmem_shared>>) target(%dma_start3A_51 : memref<128x128xf32, #tpu.memory_space<vmem>>) target_semaphore(%run_scoped3A : memref<!tpu.dma_semaphore, #tpu.memory_space<semaphore_mem>>)
      %dma_wait3A = arith.constant 0 : i32
      %dma_wait3A_54 = arith.constant 0 : i32
      %dma_wait3A_55 = tpu.memref_slice %arg9[%dma_wait3A, %dma_wait3A_54] : memref<128x128xf32, #tpu.memory_space<vmem>> -> memref<128x128xf32, #tpu.memory_space<vmem>>
      %dma_wait3A_56 = arith.constant 0 : i32
      %dma_wait3A_57 = tpu.memref_slice %arg6[%add3A_26, %dma_wait3A_56] : memref<10112x128xf32, #tpu.memory_space<vmem_shared>> -> memref<128x128xf32, #tpu.memory_space<vmem_shared>>
      %dma_wait3A_58 = arith.constant 0 : i32
      %dma_wait3A_59 = arith.constant 0 : i32
      %dma_wait3A_60 = tpu.memref_slice %arg9[%dma_wait3A_58, %dma_wait3A_59] : memref<128x128xf32, #tpu.memory_space<vmem>> -> memref<128x128xf32, #tpu.memory_space<vmem>>
      %dma_wait3A_61 = arith.constant 0 : i32
      %dma_wait3A_62 = tpu.memref_slice %arg6[%add3A_26, %dma_wait3A_61] : memref<10112x128xf32, #tpu.memory_space<vmem_shared>> -> memref<128x128xf32, #tpu.memory_space<vmem_shared>>
      tpu.wait_dma2 semaphore(%run_scoped3A : memref<!tpu.dma_semaphore, #tpu.memory_space<semaphore_mem>>) src(%dma_wait3A_62 : memref<128x128xf32, #tpu.memory_space<vmem_shared>>) dst(%dma_wait3A_60 : memref<128x128xf32, #tpu.memory_space<vmem>>)
      tpu.yield
    }) : () -> ()
    %add3A_27 = arith.constant 0 : i32
    %add3A_28 = arith.addi %mul3A_0, %add3A_27 : i32
    "tpu.region"() ({
      %run_scoped3A = tpu.sem_alloc : memref<!tpu.dma_semaphore, #tpu.memory_space<semaphore_mem>>
      %dma_start3A = arith.constant 0 : i32
      %dma_start3A_45 = arith.constant 0 : i32
      %dma_start3A_46 = tpu.memref_slice %arg9[%dma_start3A, %dma_start3A_45] : memref<128x128xf32, #tpu.memory_space<vmem>> -> memref<128x128xf32, #tpu.memory_space<vmem>>
      %dma_start3A_47 = arith.constant 0 : i32
      %dma_start3A_48 = tpu.memref_slice %arg5[%arg0, %add3A_28, %dma_start3A_47] : memref<2x10112x128xf32, #tpu.memory_space<hbm>> -> memref<1x128x128xf32, #tpu.memory_space<hbm>>
      %dma_start3A_49 = tpu.memref_squeeze %dma_start3A_48 : memref<1x128x128xf32, #tpu.memory_space<hbm>> -> memref<128x128xf32, #tpu.memory_space<hbm>>
      %dma_start3A_50 = arith.constant 0 : i32
      %dma_start3A_51 = tpu.memref_slice %arg5[%arg0, %add3A_28, %dma_start3A_50] : memref<2x10112x128xf32, #tpu.memory_space<hbm>> -> memref<1x128x128xf32, #tpu.memory_space<hbm>>
      %dma_start3A_52 = tpu.memref_squeeze %dma_start3A_51 : memref<1x128x128xf32, #tpu.memory_space<hbm>> -> memref<128x128xf32, #tpu.memory_space<hbm>>
      %dma_start3A_53 = arith.constant 0 : i32
      %dma_start3A_54 = arith.constant 0 : i32
      %dma_start3A_55 = tpu.memref_slice %arg9[%dma_start3A_53, %dma_start3A_54] : memref<128x128xf32, #tpu.memory_space<vmem>> -> memref<128x128xf32, #tpu.memory_space<vmem>>
      tpu.enqueue_dma source(%dma_start3A_55 : memref<128x128xf32, #tpu.memory_space<vmem>>) target(%dma_start3A_52 : memref<128x128xf32, #tpu.memory_space<hbm>>) target_semaphore(%run_scoped3A : memref<!tpu.dma_semaphore, #tpu.memory_space<semaphore_mem>>)
      %dma_wait3A = arith.constant 0 : i32
      %dma_wait3A_56 = arith.constant 0 : i32
      %dma_wait3A_57 = tpu.memref_slice %arg9[%dma_wait3A, %dma_wait3A_56] : memref<128x128xf32, #tpu.memory_space<vmem>> -> memref<128x128xf32, #tpu.memory_space<vmem>>
      %dma_wait3A_58 = arith.constant 0 : i32
      %dma_wait3A_59 = tpu.memref_slice %arg5[%arg0, %add3A_28, %dma_wait3A_58] : memref<2x10112x128xf32, #tpu.memory_space<hbm>> -> memref<1x128x128xf32, #tpu.memory_space<hbm>>
      %dma_wait3A_60 = tpu.memref_squeeze %dma_wait3A_59 : memref<1x128x128xf32, #tpu.memory_space<hbm>> -> memref<128x128xf32, #tpu.memory_space<hbm>>
      %dma_wait3A_61 = arith.constant 0 : i32
      %dma_wait3A_62 = tpu.memref_slice %arg5[%arg0, %add3A_28, %dma_wait3A_61] : memref<2x10112x128xf32, #tpu.memory_space<hbm>> -> memref<1x128x128xf32, #tpu.memory_space<hbm>>
      %dma_wait3A_63 = tpu.memref_squeeze %dma_wait3A_62 : memref<1x128x128xf32, #tpu.memory_space<hbm>> -> memref<128x128xf32, #tpu.memory_space<hbm>>
      %dma_wait3A_64 = arith.constant 0 : i32
      %dma_wait3A_65 = arith.constant 0 : i32
      %dma_wait3A_66 = tpu.memref_slice %arg9[%dma_wait3A_64, %dma_wait3A_65] : memref<128x128xf32, #tpu.memory_space<vmem>> -> memref<128x128xf32, #tpu.memory_space<vmem>>
      tpu.wait_dma2 semaphore(%run_scoped3A : memref<!tpu.dma_semaphore, #tpu.memory_space<semaphore_mem>>) src(%dma_wait3A_66 : memref<128x128xf32, #tpu.memory_space<vmem>>) dst(%dma_wait3A_63 : memref<128x128xf32, #tpu.memory_space<hbm>>)
      tpu.yield
    }) : () -> ()
    %add3A_29 = arith.constant 128 : i32
    %add3A_30 = arith.addi %mul3A_0, %add3A_29 : i32
    "tpu.region"() ({
      %run_scoped3A = tpu.sem_alloc : memref<!tpu.dma_semaphore, #tpu.memory_space<semaphore_mem>>
      %dma_start3A = arith.constant 0 : i32
      %dma_start3A_45 = arith.constant 0 : i32
      %dma_start3A_46 = tpu.memref_slice %arg9[%dma_start3A, %dma_start3A_45] : memref<128x128xf32, #tpu.memory_space<vmem>> -> memref<128x128xf32, #tpu.memory_space<vmem>>
      %dma_start3A_47 = arith.constant 0 : i32
      %dma_start3A_48 = tpu.memref_slice %arg6[%add3A_30, %dma_start3A_47] : memref<10112x128xf32, #tpu.memory_space<vmem_shared>> -> memref<128x128xf32, #tpu.memory_space<vmem_shared>>
      %dma_start3A_49 = arith.constant 0 : i32
      %dma_start3A_50 = arith.constant 0 : i32
      %dma_start3A_51 = tpu.memref_slice %arg9[%dma_start3A_49, %dma_start3A_50] : memref<128x128xf32, #tpu.memory_space<vmem>> -> memref<128x128xf32, #tpu.memory_space<vmem>>
      %dma_start3A_52 = arith.constant 0 : i32
      %dma_start3A_53 = tpu.memref_slice %arg6[%add3A_30, %dma_start3A_52] : memref<10112x128xf32, #tpu.memory_space<vmem_shared>> -> memref<128x128xf32, #tpu.memory_space<vmem_shared>>
      tpu.enqueue_dma source(%dma_start3A_53 : memref<128x128xf32, #tpu.memory_space<vmem_shared>>) target(%dma_start3A_51 : memref<128x128xf32, #tpu.memory_space<vmem>>) target_semaphore(%run_scoped3A : memref<!tpu.dma_semaphore, #tpu.memory_space<semaphore_mem>>)
      %dma_wait3A = arith.constant 0 : i32
      %dma_wait3A_54 = arith.constant 0 : i32
      %dma_wait3A_55 = tpu.memref_slice %arg9[%dma_wait3A, %dma_wait3A_54] : memref<128x128xf32, #tpu.memory_space<vmem>> -> memref<128x128xf32, #tpu.memory_space<vmem>>
      %dma_wait3A_56 = arith.constant 0 : i32
      %dma_wait3A_57 = tpu.memref_slice %arg6[%add3A_30, %dma_wait3A_56] : memref<10112x128xf32, #tpu.memory_space<vmem_shared>> -> memref<128x128xf32, #tpu.memory_space<vmem_shared>>
      %dma_wait3A_58 = arith.constant 0 : i32
      %dma_wait3A_59 = arith.constant 0 : i32
      %dma_wait3A_60 = tpu.memref_slice %arg9[%dma_wait3A_58, %dma_wait3A_59] : memref<128x128xf32, #tpu.memory_space<vmem>> -> memref<128x128xf32, #tpu.memory_space<vmem>>
      %dma_wait3A_61 = arith.constant 0 : i32
      %dma_wait3A_62 = tpu.memref_slice %arg6[%add3A_30, %dma_wait3A_61] : memref<10112x128xf32, #tpu.memory_space<vmem_shared>> -> memref<128x128xf32, #tpu.memory_space<vmem_shared>>
      tpu.wait_dma2 semaphore(%run_scoped3A : memref<!tpu.dma_semaphore, #tpu.memory_space<semaphore_mem>>) src(%dma_wait3A_62 : memref<128x128xf32, #tpu.memory_space<vmem_shared>>) dst(%dma_wait3A_60 : memref<128x128xf32, #tpu.memory_space<vmem>>)
      tpu.yield
    }) : () -> ()
    %add3A_31 = arith.constant 128 : i32
    %add3A_32 = arith.addi %mul3A_0, %add3A_31 : i32
    "tpu.region"() ({
      %run_scoped3A = tpu.sem_alloc : memref<!tpu.dma_semaphore, #tpu.memory_space<semaphore_mem>>
      %dma_start3A = arith.constant 0 : i32
      %dma_start3A_45 = arith.constant 0 : i32
      %dma_start3A_46 = tpu.memref_slice %arg9[%dma_start3A, %dma_start3A_45] : memref<128x128xf32, #tpu.memory_space<vmem>> -> memref<128x128xf32, #tpu.memory_space<vmem>>
      %dma_start3A_47 = arith.constant 0 : i32
      %dma_start3A_48 = tpu.memref_slice %arg5[%arg0, %add3A_32, %dma_start3A_47] : memref<2x10112x128xf32, #tpu.memory_space<hbm>> -> memref<1x128x128xf32, #tpu.memory_space<hbm>>
      %dma_start3A_49 = tpu.memref_squeeze %dma_start3A_48 : memref<1x128x128xf32, #tpu.memory_space<hbm>> -> memref<128x128xf32, #tpu.memory_space<hbm>>
      %dma_start3A_50 = arith.constant 0 : i32
      %dma_start3A_51 = tpu.memref_slice %arg5[%arg0, %add3A_32, %dma_start3A_50] : memref<2x10112x128xf32, #tpu.memory_space<hbm>> -> memref<1x128x128xf32, #tpu.memory_space<hbm>>
      %dma_start3A_52 = tpu.memref_squeeze %dma_start3A_51 : memref<1x128x128xf32, #tpu.memory_space<hbm>> -> memref<128x128xf32, #tpu.memory_space<hbm>>
      %dma_start3A_53 = arith.constant 0 : i32
      %dma_start3A_54 = arith.constant 0 : i32
      %dma_start3A_55 = tpu.memref_slice %arg9[%dma_start3A_53, %dma_start3A_54] : memref<128x128xf32, #tpu.memory_space<vmem>> -> memref<128x128xf32, #tpu.memory_space<vmem>>
      tpu.enqueue_dma source(%dma_start3A_55 : memref<128x128xf32, #tpu.memory_space<vmem>>) target(%dma_start3A_52 : memref<128x128xf32, #tpu.memory_space<hbm>>) target_semaphore(%run_scoped3A : memref<!tpu.dma_semaphore, #tpu.memory_space<semaphore_mem>>)
      %dma_wait3A = arith.constant 0 : i32
      %dma_wait3A_56 = arith.constant 0 : i32
      %dma_wait3A_57 = tpu.memref_slice %arg9[%dma_wait3A, %dma_wait3A_56] : memref<128x128xf32, #tpu.memory_space<vmem>> -> memref<128x128xf32, #tpu.memory_space<vmem>>
      %dma_wait3A_58 = arith.constant 0 : i32
      %dma_wait3A_59 = tpu.memref_slice %arg5[%arg0, %add3A_32, %dma_wait3A_58] : memref<2x10112x128xf32, #tpu.memory_space<hbm>> -> memref<1x128x128xf32, #tpu.memory_space<hbm>>
      %dma_wait3A_60 = tpu.memref_squeeze %dma_wait3A_59 : memref<1x128x128xf32, #tpu.memory_space<hbm>> -> memref<128x128xf32, #tpu.memory_space<hbm>>
      %dma_wait3A_61 = arith.constant 0 : i32
      %dma_wait3A_62 = tpu.memref_slice %arg5[%arg0, %add3A_32, %dma_wait3A_61] : memref<2x10112x128xf32, #tpu.memory_space<hbm>> -> memref<1x128x128xf32, #tpu.memory_space<hbm>>
      %dma_wait3A_63 = tpu.memref_squeeze %dma_wait3A_62 : memref<1x128x128xf32, #tpu.memory_space<hbm>> -> memref<128x128xf32, #tpu.memory_space<hbm>>
      %dma_wait3A_64 = arith.constant 0 : i32
      %dma_wait3A_65 = arith.constant 0 : i32
      %dma_wait3A_66 = tpu.memref_slice %arg9[%dma_wait3A_64, %dma_wait3A_65] : memref<128x128xf32, #tpu.memory_space<vmem>> -> memref<128x128xf32, #tpu.memory_space<vmem>>
      tpu.wait_dma2 semaphore(%run_scoped3A : memref<!tpu.dma_semaphore, #tpu.memory_space<semaphore_mem>>) src(%dma_wait3A_66 : memref<128x128xf32, #tpu.memory_space<vmem>>) dst(%dma_wait3A_63 : memref<128x128xf32, #tpu.memory_space<hbm>>)
      tpu.yield
    }) : () -> ()
    %add3A_33 = arith.constant 256 : i32
    %add3A_34 = arith.addi %mul3A_0, %add3A_33 : i32
    "tpu.region"() ({
      %run_scoped3A = tpu.sem_alloc : memref<!tpu.dma_semaphore, #tpu.memory_space<semaphore_mem>>
      %dma_start3A = arith.constant 0 : i32
      %dma_start3A_45 = arith.constant 0 : i32
      %dma_start3A_46 = tpu.memref_slice %arg9[%dma_start3A, %dma_start3A_45] : memref<128x128xf32, #tpu.memory_space<vmem>> -> memref<128x128xf32, #tpu.memory_space<vmem>>
      %dma_start3A_47 = arith.constant 0 : i32
      %dma_start3A_48 = tpu.memref_slice %arg6[%add3A_34, %dma_start3A_47] : memref<10112x128xf32, #tpu.memory_space<vmem_shared>> -> memref<128x128xf32, #tpu.memory_space<vmem_shared>>
      %dma_start3A_49 = arith.constant 0 : i32
      %dma_start3A_50 = arith.constant 0 : i32
      %dma_start3A_51 = tpu.memref_slice %arg9[%dma_start3A_49, %dma_start3A_50] : memref<128x128xf32, #tpu.memory_space<vmem>> -> memref<128x128xf32, #tpu.memory_space<vmem>>
      %dma_start3A_52 = arith.constant 0 : i32
      %dma_start3A_53 = tpu.memref_slice %arg6[%add3A_34, %dma_start3A_52] : memref<10112x128xf32, #tpu.memory_space<vmem_shared>> -> memref<128x128xf32, #tpu.memory_space<vmem_shared>>
      tpu.enqueue_dma source(%dma_start3A_53 : memref<128x128xf32, #tpu.memory_space<vmem_shared>>) target(%dma_start3A_51 : memref<128x128xf32, #tpu.memory_space<vmem>>) target_semaphore(%run_scoped3A : memref<!tpu.dma_semaphore, #tpu.memory_space<semaphore_mem>>)
      %dma_wait3A = arith.constant 0 : i32
      %dma_wait3A_54 = arith.constant 0 : i32
      %dma_wait3A_55 = tpu.memref_slice %arg9[%dma_wait3A, %dma_wait3A_54] : memref<128x128xf32, #tpu.memory_space<vmem>> -> memref<128x128xf32, #tpu.memory_space<vmem>>
      %dma_wait3A_56 = arith.constant 0 : i32
      %dma_wait3A_57 = tpu.memref_slice %arg6[%add3A_34, %dma_wait3A_56] : memref<10112x128xf32, #tpu.memory_space<vmem_shared>> -> memref<128x128xf32, #tpu.memory_space<vmem_shared>>
      %dma_wait3A_58 = arith.constant 0 : i32
      %dma_wait3A_59 = arith.constant 0 : i32
      %dma_wait3A_60 = tpu.memref_slice %arg9[%dma_wait3A_58, %dma_wait3A_59] : memref<128x128xf32, #tpu.memory_space<vmem>> -> memref<128x128xf32, #tpu.memory_space<vmem>>
      %dma_wait3A_61 = arith.constant 0 : i32
      %dma_wait3A_62 = tpu.memref_slice %arg6[%add3A_34, %dma_wait3A_61] : memref<10112x128xf32, #tpu.memory_space<vmem_shared>> -> memref<128x128xf32, #tpu.memory_space<vmem_shared>>
      tpu.wait_dma2 semaphore(%run_scoped3A : memref<!tpu.dma_semaphore, #tpu.memory_space<semaphore_mem>>) src(%dma_wait3A_62 : memref<128x128xf32, #tpu.memory_space<vmem_shared>>) dst(%dma_wait3A_60 : memref<128x128xf32, #tpu.memory_space<vmem>>)
      tpu.yield
    }) : () -> ()
    %add3A_35 = arith.constant 256 : i32
    %add3A_36 = arith.addi %mul3A_0, %add3A_35 : i32
    "tpu.region"() ({
      %run_scoped3A = tpu.sem_alloc : memref<!tpu.dma_semaphore, #tpu.memory_space<semaphore_mem>>
      %dma_start3A = arith.constant 0 : i32
      %dma_start3A_45 = arith.constant 0 : i32
      %dma_start3A_46 = tpu.memref_slice %arg9[%dma_start3A, %dma_start3A_45] : memref<128x128xf32, #tpu.memory_space<vmem>> -> memref<128x128xf32, #tpu.memory_space<vmem>>
      %dma_start3A_47 = arith.constant 0 : i32
      %dma_start3A_48 = tpu.memref_slice %arg5[%arg0, %add3A_36, %dma_start3A_47] : memref<2x10112x128xf32, #tpu.memory_space<hbm>> -> memref<1x128x128xf32, #tpu.memory_space<hbm>>
      %dma_start3A_49 = tpu.memref_squeeze %dma_start3A_48 : memref<1x128x128xf32, #tpu.memory_space<hbm>> -> memref<128x128xf32, #tpu.memory_space<hbm>>
      %dma_start3A_50 = arith.constant 0 : i32
      %dma_start3A_51 = tpu.memref_slice %arg5[%arg0, %add3A_36, %dma_start3A_50] : memref<2x10112x128xf32, #tpu.memory_space<hbm>> -> memref<1x128x128xf32, #tpu.memory_space<hbm>>
      %dma_start3A_52 = tpu.memref_squeeze %dma_start3A_51 : memref<1x128x128xf32, #tpu.memory_space<hbm>> -> memref<128x128xf32, #tpu.memory_space<hbm>>
      %dma_start3A_53 = arith.constant 0 : i32
      %dma_start3A_54 = arith.constant 0 : i32
      %dma_start3A_55 = tpu.memref_slice %arg9[%dma_start3A_53, %dma_start3A_54] : memref<128x128xf32, #tpu.memory_space<vmem>> -> memref<128x128xf32, #tpu.memory_space<vmem>>
      tpu.enqueue_dma source(%dma_start3A_55 : memref<128x128xf32, #tpu.memory_space<vmem>>) target(%dma_start3A_52 : memref<128x128xf32, #tpu.memory_space<hbm>>) target_semaphore(%run_scoped3A : memref<!tpu.dma_semaphore, #tpu.memory_space<semaphore_mem>>)
      %dma_wait3A = arith.constant 0 : i32
      %dma_wait3A_56 = arith.constant 0 : i32
      %dma_wait3A_57 = tpu.memref_slice %arg9[%dma_wait3A, %dma_wait3A_56] : memref<128x128xf32, #tpu.memory_space<vmem>> -> memref<128x128xf32, #tpu.memory_space<vmem>>
      %dma_wait3A_58 = arith.constant 0 : i32
      %dma_wait3A_59 = tpu.memref_slice %arg5[%arg0, %add3A_36, %dma_wait3A_58] : memref<2x10112x128xf32, #tpu.memory_space<hbm>> -> memref<1x128x128xf32, #tpu.memory_space<hbm>>
      %dma_wait3A_60 = tpu.memref_squeeze %dma_wait3A_59 : memref<1x128x128xf32, #tpu.memory_space<hbm>> -> memref<128x128xf32, #tpu.memory_space<hbm>>
      %dma_wait3A_61 = arith.constant 0 : i32
      %dma_wait3A_62 = tpu.memref_slice %arg5[%arg0, %add3A_36, %dma_wait3A_61] : memref<2x10112x128xf32, #tpu.memory_space<hbm>> -> memref<1x128x128xf32, #tpu.memory_space<hbm>>
      %dma_wait3A_63 = tpu.memref_squeeze %dma_wait3A_62 : memref<1x128x128xf32, #tpu.memory_space<hbm>> -> memref<128x128xf32, #tpu.memory_space<hbm>>
      %dma_wait3A_64 = arith.constant 0 : i32
      %dma_wait3A_65 = arith.constant 0 : i32
      %dma_wait3A_66 = tpu.memref_slice %arg9[%dma_wait3A_64, %dma_wait3A_65] : memref<128x128xf32, #tpu.memory_space<vmem>> -> memref<128x128xf32, #tpu.memory_space<vmem>>
      tpu.wait_dma2 semaphore(%run_scoped3A : memref<!tpu.dma_semaphore, #tpu.memory_space<semaphore_mem>>) src(%dma_wait3A_66 : memref<128x128xf32, #tpu.memory_space<vmem>>) dst(%dma_wait3A_63 : memref<128x128xf32, #tpu.memory_space<hbm>>)
      tpu.yield
    }) : () -> ()
    %add3A_37 = arith.constant 384 : i32
    %add3A_38 = arith.addi %mul3A_0, %add3A_37 : i32
    "tpu.region"() ({
      %run_scoped3A = tpu.sem_alloc : memref<!tpu.dma_semaphore, #tpu.memory_space<semaphore_mem>>
      %dma_start3A = arith.constant 0 : i32
      %dma_start3A_45 = arith.constant 0 : i32
      %dma_start3A_46 = tpu.memref_slice %arg9[%dma_start3A, %dma_start3A_45] : memref<128x128xf32, #tpu.memory_space<vmem>> -> memref<128x128xf32, #tpu.memory_space<vmem>>
      %dma_start3A_47 = arith.constant 0 : i32
      %dma_start3A_48 = tpu.memref_slice %arg6[%add3A_38, %dma_start3A_47] : memref<10112x128xf32, #tpu.memory_space<vmem_shared>> -> memref<128x128xf32, #tpu.memory_space<vmem_shared>>
      %dma_start3A_49 = arith.constant 0 : i32
      %dma_start3A_50 = arith.constant 0 : i32
      %dma_start3A_51 = tpu.memref_slice %arg9[%dma_start3A_49, %dma_start3A_50] : memref<128x128xf32, #tpu.memory_space<vmem>> -> memref<128x128xf32, #tpu.memory_space<vmem>>
      %dma_start3A_52 = arith.constant 0 : i32
      %dma_start3A_53 = tpu.memref_slice %arg6[%add3A_38, %dma_start3A_52] : memref<10112x128xf32, #tpu.memory_space<vmem_shared>> -> memref<128x128xf32, #tpu.memory_space<vmem_shared>>
      tpu.enqueue_dma source(%dma_start3A_53 : memref<128x128xf32, #tpu.memory_space<vmem_shared>>) target(%dma_start3A_51 : memref<128x128xf32, #tpu.memory_space<vmem>>) target_semaphore(%run_scoped3A : memref<!tpu.dma_semaphore, #tpu.memory_space<semaphore_mem>>)
      %dma_wait3A = arith.constant 0 : i32
      %dma_wait3A_54 = arith.constant 0 : i32
      %dma_wait3A_55 = tpu.memref_slice %arg9[%dma_wait3A, %dma_wait3A_54] : memref<128x128xf32, #tpu.memory_space<vmem>> -> memref<128x128xf32, #tpu.memory_space<vmem>>
      %dma_wait3A_56 = arith.constant 0 : i32
      %dma_wait3A_57 = tpu.memref_slice %arg6[%add3A_38, %dma_wait3A_56] : memref<10112x128xf32, #tpu.memory_space<vmem_shared>> -> memref<128x128xf32, #tpu.memory_space<vmem_shared>>
      %dma_wait3A_58 = arith.constant 0 : i32
      %dma_wait3A_59 = arith.constant 0 : i32
      %dma_wait3A_60 = tpu.memref_slice %arg9[%dma_wait3A_58, %dma_wait3A_59] : memref<128x128xf32, #tpu.memory_space<vmem>> -> memref<128x128xf32, #tpu.memory_space<vmem>>
      %dma_wait3A_61 = arith.constant 0 : i32
      %dma_wait3A_62 = tpu.memref_slice %arg6[%add3A_38, %dma_wait3A_61] : memref<10112x128xf32, #tpu.memory_space<vmem_shared>> -> memref<128x128xf32, #tpu.memory_space<vmem_shared>>
      tpu.wait_dma2 semaphore(%run_scoped3A : memref<!tpu.dma_semaphore, #tpu.memory_space<semaphore_mem>>) src(%dma_wait3A_62 : memref<128x128xf32, #tpu.memory_space<vmem_shared>>) dst(%dma_wait3A_60 : memref<128x128xf32, #tpu.memory_space<vmem>>)
      tpu.yield
    }) : () -> ()
    %add3A_39 = arith.constant 384 : i32
    %add3A_40 = arith.addi %mul3A_0, %add3A_39 : i32
    "tpu.region"() ({
      %run_scoped3A = tpu.sem_alloc : memref<!tpu.dma_semaphore, #tpu.memory_space<semaphore_mem>>
      %dma_start3A = arith.constant 0 : i32
      %dma_start3A_45 = arith.constant 0 : i32
      %dma_start3A_46 = tpu.memref_slice %arg9[%dma_start3A, %dma_start3A_45] : memref<128x128xf32, #tpu.memory_space<vmem>> -> memref<128x128xf32, #tpu.memory_space<vmem>>
      %dma_start3A_47 = arith.constant 0 : i32
      %dma_start3A_48 = tpu.memref_slice %arg5[%arg0, %add3A_40, %dma_start3A_47] : memref<2x10112x128xf32, #tpu.memory_space<hbm>> -> memref<1x128x128xf32, #tpu.memory_space<hbm>>
      %dma_start3A_49 = tpu.memref_squeeze %dma_start3A_48 : memref<1x128x128xf32, #tpu.memory_space<hbm>> -> memref<128x128xf32, #tpu.memory_space<hbm>>
      %dma_start3A_50 = arith.constant 0 : i32
      %dma_start3A_51 = tpu.memref_slice %arg5[%arg0, %add3A_40, %dma_start3A_50] : memref<2x10112x128xf32, #tpu.memory_space<hbm>> -> memref<1x128x128xf32, #tpu.memory_space<hbm>>
      %dma_start3A_52 = tpu.memref_squeeze %dma_start3A_51 : memref<1x128x128xf32, #tpu.memory_space<hbm>> -> memref<128x128xf32, #tpu.memory_space<hbm>>
      %dma_start3A_53 = arith.constant 0 : i32
      %dma_start3A_54 = arith.constant 0 : i32
      %dma_start3A_55 = tpu.memref_slice %arg9[%dma_start3A_53, %dma_start3A_54] : memref<128x128xf32, #tpu.memory_space<vmem>> -> memref<128x128xf32, #tpu.memory_space<vmem>>
      tpu.enqueue_dma source(%dma_start3A_55 : memref<128x128xf32, #tpu.memory_space<vmem>>) target(%dma_start3A_52 : memref<128x128xf32, #tpu.memory_space<hbm>>) target_semaphore(%run_scoped3A : memref<!tpu.dma_semaphore, #tpu.memory_space<semaphore_mem>>)
      %dma_wait3A = arith.constant 0 : i32
      %dma_wait3A_56 = arith.constant 0 : i32
      %dma_wait3A_57 = tpu.memref_slice %arg9[%dma_wait3A, %dma_wait3A_56] : memref<128x128xf32, #tpu.memory_space<vmem>> -> memref<128x128xf32, #tpu.memory_space<vmem>>
      %dma_wait3A_58 = arith.constant 0 : i32
      %dma_wait3A_59 = tpu.memref_slice %arg5[%arg0, %add3A_40, %dma_wait3A_58] : memref<2x10112x128xf32, #tpu.memory_space<hbm>> -> memref<1x128x128xf32, #tpu.memory_space<hbm>>
      %dma_wait3A_60 = tpu.memref_squeeze %dma_wait3A_59 : memref<1x128x128xf32, #tpu.memory_space<hbm>> -> memref<128x128xf32, #tpu.memory_space<hbm>>
      %dma_wait3A_61 = arith.constant 0 : i32
      %dma_wait3A_62 = tpu.memref_slice %arg5[%arg0, %add3A_40, %dma_wait3A_61] : memref<2x10112x128xf32, #tpu.memory_space<hbm>> -> memref<1x128x128xf32, #tpu.memory_space<hbm>>
      %dma_wait3A_63 = tpu.memref_squeeze %dma_wait3A_62 : memref<1x128x128xf32, #tpu.memory_space<hbm>> -> memref<128x128xf32, #tpu.memory_space<hbm>>
      %dma_wait3A_64 = arith.constant 0 : i32
      %dma_wait3A_65 = arith.constant 0 : i32
      %dma_wait3A_66 = tpu.memref_slice %arg9[%dma_wait3A_64, %dma_wait3A_65] : memref<128x128xf32, #tpu.memory_space<vmem>> -> memref<128x128xf32, #tpu.memory_space<vmem>>
      tpu.wait_dma2 semaphore(%run_scoped3A : memref<!tpu.dma_semaphore, #tpu.memory_space<semaphore_mem>>) src(%dma_wait3A_66 : memref<128x128xf32, #tpu.memory_space<vmem>>) dst(%dma_wait3A_63 : memref<128x128xf32, #tpu.memory_space<hbm>>)
      tpu.yield
    }) : () -> ()
    %add3A_41 = arith.constant 512 : i32
    %add3A_42 = arith.addi %mul3A_0, %add3A_41 : i32
    "tpu.region"() ({
      %run_scoped3A = tpu.sem_alloc : memref<!tpu.dma_semaphore, #tpu.memory_space<semaphore_mem>>
      %dma_start3A = arith.constant 0 : i32
      %dma_start3A_45 = arith.constant 0 : i32
      %dma_start3A_46 = tpu.memref_slice %arg9[%dma_start3A, %dma_start3A_45] : memref<128x128xf32, #tpu.memory_space<vmem>> -> memref<120x128xf32, #tpu.memory_space<vmem>>
      %dma_start3A_47 = arith.constant 0 : i32
      %dma_start3A_48 = tpu.memref_slice %arg6[%add3A_42, %dma_start3A_47] : memref<10112x128xf32, #tpu.memory_space<vmem_shared>> -> memref<120x128xf32, #tpu.memory_space<vmem_shared>>
      %dma_start3A_49 = arith.constant 0 : i32
      %dma_start3A_50 = arith.constant 0 : i32
      %dma_start3A_51 = tpu.memref_slice %arg9[%dma_start3A_49, %dma_start3A_50] : memref<128x128xf32, #tpu.memory_space<vmem>> -> memref<120x128xf32, #tpu.memory_space<vmem>>
      %dma_start3A_52 = arith.constant 0 : i32
      %dma_start3A_53 = tpu.memref_slice %arg6[%add3A_42, %dma_start3A_52] : memref<10112x128xf32, #tpu.memory_space<vmem_shared>> -> memref<120x128xf32, #tpu.memory_space<vmem_shared>>
      tpu.enqueue_dma source(%dma_start3A_53 : memref<120x128xf32, #tpu.memory_space<vmem_shared>>) target(%dma_start3A_51 : memref<120x128xf32, #tpu.memory_space<vmem>>) target_semaphore(%run_scoped3A : memref<!tpu.dma_semaphore, #tpu.memory_space<semaphore_mem>>)
      %dma_wait3A = arith.constant 0 : i32
      %dma_wait3A_54 = arith.constant 0 : i32
      %dma_wait3A_55 = tpu.memref_slice %arg9[%dma_wait3A, %dma_wait3A_54] : memref<128x128xf32, #tpu.memory_space<vmem>> -> memref<120x128xf32, #tpu.memory_space<vmem>>
      %dma_wait3A_56 = arith.constant 0 : i32
      %dma_wait3A_57 = tpu.memref_slice %arg6[%add3A_42, %dma_wait3A_56] : memref<10112x128xf32, #tpu.memory_space<vmem_shared>> -> memref<120x128xf32, #tpu.memory_space<vmem_shared>>
      %dma_wait3A_58 = arith.constant 0 : i32
      %dma_wait3A_59 = arith.constant 0 : i32
      %dma_wait3A_60 = tpu.memref_slice %arg9[%dma_wait3A_58, %dma_wait3A_59] : memref<128x128xf32, #tpu.memory_space<vmem>> -> memref<120x128xf32, #tpu.memory_space<vmem>>
      %dma_wait3A_61 = arith.constant 0 : i32
      %dma_wait3A_62 = tpu.memref_slice %arg6[%add3A_42, %dma_wait3A_61] : memref<10112x128xf32, #tpu.memory_space<vmem_shared>> -> memref<120x128xf32, #tpu.memory_space<vmem_shared>>
      tpu.wait_dma2 semaphore(%run_scoped3A : memref<!tpu.dma_semaphore, #tpu.memory_space<semaphore_mem>>) src(%dma_wait3A_62 : memref<120x128xf32, #tpu.memory_space<vmem_shared>>) dst(%dma_wait3A_60 : memref<120x128xf32, #tpu.memory_space<vmem>>)
      tpu.yield
    }) : () -> ()
    %add3A_43 = arith.constant 512 : i32
    %add3A_44 = arith.addi %mul3A_0, %add3A_43 : i32
    "tpu.region"() ({
      %run_scoped3A = tpu.sem_alloc : memref<!tpu.dma_semaphore, #tpu.memory_space<semaphore_mem>>
      %dma_start3A = arith.constant 0 : i32
      %dma_start3A_45 = arith.constant 0 : i32
      %dma_start3A_46 = tpu.memref_slice %arg9[%dma_start3A, %dma_start3A_45] : memref<128x128xf32, #tpu.memory_space<vmem>> -> memref<120x128xf32, #tpu.memory_space<vmem>>
      %dma_start3A_47 = arith.constant 0 : i32
      %dma_start3A_48 = tpu.memref_slice %arg5[%arg0, %add3A_44, %dma_start3A_47] : memref<2x10112x128xf32, #tpu.memory_space<hbm>> -> memref<1x120x128xf32, #tpu.memory_space<hbm>>
      %dma_start3A_49 = tpu.memref_squeeze %dma_start3A_48 : memref<1x120x128xf32, #tpu.memory_space<hbm>> -> memref<120x128xf32, #tpu.memory_space<hbm>>
      %dma_start3A_50 = arith.constant 0 : i32
      %dma_start3A_51 = tpu.memref_slice %arg5[%arg0, %add3A_44, %dma_start3A_50] : memref<2x10112x128xf32, #tpu.memory_space<hbm>> -> memref<1x120x128xf32, #tpu.memory_space<hbm>>
      %dma_start3A_52 = tpu.memref_squeeze %dma_start3A_51 : memref<1x120x128xf32, #tpu.memory_space<hbm>> -> memref<120x128xf32, #tpu.memory_space<hbm>>
      %dma_start3A_53 = arith.constant 0 : i32
      %dma_start3A_54 = arith.constant 0 : i32
      %dma_start3A_55 = tpu.memref_slice %arg9[%dma_start3A_53, %dma_start3A_54] : memref<128x128xf32, #tpu.memory_space<vmem>> -> memref<120x128xf32, #tpu.memory_space<vmem>>
      tpu.enqueue_dma source(%dma_start3A_55 : memref<120x128xf32, #tpu.memory_space<vmem>>) target(%dma_start3A_52 : memref<120x128xf32, #tpu.memory_space<hbm>>) target_semaphore(%run_scoped3A : memref<!tpu.dma_semaphore, #tpu.memory_space<semaphore_mem>>)
      %dma_wait3A = arith.constant 0 : i32
      %dma_wait3A_56 = arith.constant 0 : i32
      %dma_wait3A_57 = tpu.memref_slice %arg9[%dma_wait3A, %dma_wait3A_56] : memref<128x128xf32, #tpu.memory_space<vmem>> -> memref<120x128xf32, #tpu.memory_space<vmem>>
      %dma_wait3A_58 = arith.constant 0 : i32
      %dma_wait3A_59 = tpu.memref_slice %arg5[%arg0, %add3A_44, %dma_wait3A_58] : memref<2x10112x128xf32, #tpu.memory_space<hbm>> -> memref<1x120x128xf32, #tpu.memory_space<hbm>>
      %dma_wait3A_60 = tpu.memref_squeeze %dma_wait3A_59 : memref<1x120x128xf32, #tpu.memory_space<hbm>> -> memref<120x128xf32, #tpu.memory_space<hbm>>
      %dma_wait3A_61 = arith.constant 0 : i32
      %dma_wait3A_62 = tpu.memref_slice %arg5[%arg0, %add3A_44, %dma_wait3A_61] : memref<2x10112x128xf32, #tpu.memory_space<hbm>> -> memref<1x120x128xf32, #tpu.memory_space<hbm>>
      %dma_wait3A_63 = tpu.memref_squeeze %dma_wait3A_62 : memref<1x120x128xf32, #tpu.memory_space<hbm>> -> memref<120x128xf32, #tpu.memory_space<hbm>>
      %dma_wait3A_64 = arith.constant 0 : i32
      %dma_wait3A_65 = arith.constant 0 : i32
      %dma_wait3A_66 = tpu.memref_slice %arg9[%dma_wait3A_64, %dma_wait3A_65] : memref<128x128xf32, #tpu.memory_space<vmem>> -> memref<120x128xf32, #tpu.memory_space<vmem>>
      tpu.wait_dma2 semaphore(%run_scoped3A : memref<!tpu.dma_semaphore, #tpu.memory_space<semaphore_mem>>) src(%dma_wait3A_66 : memref<120x128xf32, #tpu.memory_space<vmem>>) dst(%dma_wait3A_63 : memref<120x128xf32, #tpu.memory_space<hbm>>)
      tpu.yield
    }) : () -> ()
    return
  }
}

module attributes {stable_mosaic.version = 14 : i64} {
  func.func @_mlp_bn_body(%arg0: memref<10000x128xf32, #tpu.memory_space<vmem>>, %arg1: memref<128x128xf32, #tpu.memory_space<vmem>>, %arg2: memref<1x128xf32, #tpu.memory_space<vmem>>, %arg3: memref<1x128xf32, #tpu.memory_space<vmem>>, %arg4: memref<1x128xf32, #tpu.memory_space<vmem>>, %arg5: memref<10000x128xf32, #tpu.memory_space<vmem>>) attributes {dimension_semantics = [], scalar_prefetch = 0 : i64, scratch_operands = 0 : i64, tpu.core_type = #tpu.core_type<tc>} {
    %get3A = arith.constant 0 : index
    %get3A_0 = arith.constant 0 : index
    %get3A_1 = vector.load %arg0[%get3A, %get3A_0] : memref<10000x128xf32, #tpu.memory_space<vmem>>, vector<10000x128xf32>
    %get3A_2 = arith.constant 0 : index
    %get3A_3 = arith.constant 0 : index
    %get3A_4 = vector.load %arg1[%get3A_2, %get3A_3] : memref<128x128xf32, #tpu.memory_space<vmem>>, vector<128x128xf32>
    %dot_general3A = arith.constant dense<0.000000e+00> : vector<10000x128xf32>
    %dot_general3A_5 = tpu.matmul %get3A_1, %get3A_4, %dot_general3A {dimension_numbers = #tpu.dot_dimension_numbers<[1], [0], [0], [1], [0, 0, 1, 1], [], []>, transpose_lhs_hint = false} : vector<10000x128xf32>, vector<128x128xf32>, vector<10000x128xf32> -> vector<10000x128xf32>
    %get3A_6 = arith.constant 0 : index
    %get3A_7 = arith.constant 0 : index
    %get3A_8 = vector.load %arg2[%get3A_6, %get3A_7] : memref<1x128xf32, #tpu.memory_space<vmem>>, vector<1x128xf32>
    %add3A = vector.broadcast %get3A_8 : vector<1x128xf32> to vector<10000x128xf32>
    %add3A_9 = arith.addf %dot_general3A_5, %add3A : vector<10000x128xf32>
    %ge3A = arith.constant 0.000000e+00 : f32
    %ge3A_10 = vector.broadcast %ge3A : f32 to vector<10000x128xf32>
    %ge3A_11 = arith.cmpf oge, %add3A_9, %ge3A_10 : vector<10000x128xf32>
    %mul3A = arith.constant 1.000000e-01 : f32
    %mul3A_12 = vector.broadcast %mul3A : f32 to vector<10000x128xf32>
    %mul3A_13 = arith.mulf %mul3A_12, %add3A_9 : vector<10000x128xf32>
    %select_n3A = arith.select %ge3A_11, %add3A_9, %mul3A_13 : vector<10000x128xi1>, vector<10000x128xf32>
    %reduce_sum3A = arith.constant dense<0.000000e+00> : vector<128xf32>
    %reduce_sum3A_14 = vector.multi_reduction <add>, %select_n3A, %reduce_sum3A [0] : vector<10000x128xf32> to vector<128xf32>
    %broadcast_in_dim3A = vector.shape_cast %reduce_sum3A_14 : vector<128xf32> to vector<1x128xf32>
    %div3A = arith.constant 1.000000e+04 : f32
    %div3A_15 = vector.broadcast %div3A : f32 to vector<1x128xf32>
    %div3A_16 = arith.divf %broadcast_in_dim3A, %div3A_15 : vector<1x128xf32>
    %sub3A = vector.broadcast %div3A_16 : vector<1x128xf32> to vector<10000x128xf32>
    %sub3A_17 = arith.subf %select_n3A, %sub3A : vector<10000x128xf32>
    %integer_pow3A = arith.mulf %sub3A_17, %sub3A_17 : vector<10000x128xf32>
    %reduce_sum3A_18 = arith.constant dense<0.000000e+00> : vector<128xf32>
    %reduce_sum3A_19 = vector.multi_reduction <add>, %integer_pow3A, %reduce_sum3A_18 [0] : vector<10000x128xf32> to vector<128xf32>
    %broadcast_in_dim3A_20 = vector.shape_cast %reduce_sum3A_19 : vector<128xf32> to vector<1x128xf32>
    %div3A_21 = arith.constant 1.000000e+04 : f32
    %div3A_22 = vector.broadcast %div3A_21 : f32 to vector<1x128xf32>
    %div3A_23 = arith.divf %broadcast_in_dim3A_20, %div3A_22 : vector<1x128xf32>
    %sub3A_24 = vector.broadcast %div3A_16 : vector<1x128xf32> to vector<10000x128xf32>
    %sub3A_25 = arith.subf %select_n3A, %sub3A_24 : vector<10000x128xf32>
    %add3A_26 = arith.constant 9.99999974E-6 : f32
    %add3A_27 = vector.broadcast %add3A_26 : f32 to vector<1x128xf32>
    %add3A_28 = arith.addf %div3A_23, %add3A_27 : vector<1x128xf32>
    %rsqrt3A = math.rsqrt %add3A_28 : vector<1x128xf32>
    %mul3A_29 = vector.broadcast %rsqrt3A : vector<1x128xf32> to vector<10000x128xf32>
    %mul3A_30 = arith.mulf %sub3A_25, %mul3A_29 : vector<10000x128xf32>
    %get3A_31 = arith.constant 0 : index
    %get3A_32 = arith.constant 0 : index
    %get3A_33 = vector.load %arg3[%get3A_31, %get3A_32] : memref<1x128xf32, #tpu.memory_space<vmem>>, vector<1x128xf32>
    %mul3A_34 = vector.broadcast %get3A_33 : vector<1x128xf32> to vector<10000x128xf32>
    %mul3A_35 = arith.mulf %mul3A_30, %mul3A_34 : vector<10000x128xf32>
    %get3A_36 = arith.constant 0 : index
    %get3A_37 = arith.constant 0 : index
    %get3A_38 = vector.load %arg4[%get3A_36, %get3A_37] : memref<1x128xf32, #tpu.memory_space<vmem>>, vector<1x128xf32>
    %add3A_39 = vector.broadcast %get3A_38 : vector<1x128xf32> to vector<10000x128xf32>
    %add3A_40 = arith.addf %mul3A_35, %add3A_39 : vector<10000x128xf32>
    %swap3A = arith.constant 0 : index
    %swap3A_41 = arith.constant 0 : index
    %swap3A_42 = vector.load %arg5[%swap3A, %swap3A_41] : memref<10000x128xf32, #tpu.memory_space<vmem>>, vector<10000x128xf32>
    tpu.vector_store %arg5[%swap3A, %swap3A_41], %add3A_40 {strides = array<i32>} : memref<10000x128xf32, #tpu.memory_space<vmem>>, vector<10000x128xf32>,
    return
  }
}

module attributes {stable_mosaic.version = 14 : i64} {
  func.func @_sage_body(%arg0: memref<10000x128xf32, #tpu.memory_space<vmem>>, %arg1: memref<2x10112x128xf32, #tpu.memory_space<vmem>>, %arg2: memref<10112x32xf32, #tpu.memory_space<vmem>>, %arg3: memref<128x128xf32, #tpu.memory_space<vmem>>, %arg4: memref<128x128xf32, #tpu.memory_space<vmem>>, %arg5: memref<1x128xf32, #tpu.memory_space<vmem>>, %arg6: memref<10000x128xf32, #tpu.memory_space<vmem>>) attributes {dimension_semantics = [], scalar_prefetch = 0 : i64, scratch_operands = 0 : i64, tpu.core_type = #tpu.core_type<tc>} {
    %get3A = arith.constant 0 : index
    %get3A_0 = arith.constant 0 : index
    %get3A_1 = arith.constant 0 : index
    %get3A_2 = vector.load %arg1[%get3A, %get3A_0, %get3A_1] : memref<2x10112x128xf32, #tpu.memory_space<vmem>>, vector<1x10112x128xf32>
    %get3A_3 = vector.shape_cast %get3A_2 : vector<1x10112x128xf32> to vector<10112x128xf32>
    %get3A_4 = arith.constant 1 : index
    %get3A_5 = arith.constant 0 : index
    %get3A_6 = arith.constant 0 : index
    %get3A_7 = vector.load %arg1[%get3A_4, %get3A_5, %get3A_6] : memref<2x10112x128xf32, #tpu.memory_space<vmem>>, vector<1x10112x128xf32>
    %get3A_8 = vector.shape_cast %get3A_7 : vector<1x10112x128xf32> to vector<10112x128xf32>
    %add3A = arith.addf %get3A_3, %get3A_8 : vector<10112x128xf32>
    %get3A_9 = arith.constant 0 : index
    %get3A_10 = arith.constant 0 : index
    %get3A_11 = vector.load %arg2[%get3A_9, %get3A_10] : memref<10112x32xf32, #tpu.memory_space<vmem>>, vector<10112x32xf32>
    %reduce_sum3A = arith.constant dense<0.000000e+00> : vector<10112xf32>
    %reduce_sum3A_12 = vector.multi_reduction <add>, %get3A_11, %reduce_sum3A [1] : vector<10112x32xf32> to vector<10112xf32>
    %broadcast_in_dim3A = vector.shape_cast %reduce_sum3A_12 : vector<10112xf32> to vector<10112x1xf32>
    %max3A = arith.constant 1.000000e+00 : f32
    %max3A_13 = vector.broadcast %max3A : f32 to vector<10112x1xf32>
    %max3A_14 = arith.maximumf %broadcast_in_dim3A, %max3A_13 : vector<10112x1xf32>
    %div3A = arith.constant 1.000000e+00 : f32
    %div3A_15 = vector.broadcast %div3A : f32 to vector<10112x1xf32>
    %div3A_16 = arith.divf %div3A_15, %max3A_14 : vector<10112x1xf32>
    %mul3A = vector.broadcast %div3A_16 : vector<10112x1xf32> to vector<10112x128xf32>
    %mul3A_17 = arith.mulf %add3A, %mul3A : vector<10112x128xf32>
    %slice3A = vector.extract_strided_slice %mul3A_17 {offsets = [0, 0], sizes = [10000, 128], strides = [1, 1]} : vector<10112x128xf32> to vector<10000x128xf32>
    %get3A_18 = arith.constant 0 : index
    %get3A_19 = arith.constant 0 : index
    %get3A_20 = vector.load %arg0[%get3A_18, %get3A_19] : memref<10000x128xf32, #tpu.memory_space<vmem>>, vector<10000x128xf32>
    %get3A_21 = arith.constant 0 : index
    %get3A_22 = arith.constant 0 : index
    %get3A_23 = vector.load %arg3[%get3A_21, %get3A_22] : memref<128x128xf32, #tpu.memory_space<vmem>>, vector<128x128xf32>
    %dot_general3A = arith.constant dense<0.000000e+00> : vector<10000x128xf32>
    %dot_general3A_24 = tpu.matmul %get3A_20, %get3A_23, %dot_general3A {dimension_numbers = #tpu.dot_dimension_numbers<[1], [0], [0], [1], [0, 0, 1, 1], [], []>, transpose_lhs_hint = false} : vector<10000x128xf32>, vector<128x128xf32>, vector<10000x128xf32> -> vector<10000x128xf32>
    %get3A_25 = arith.constant 0 : index
    %get3A_26 = arith.constant 0 : index
    %get3A_27 = vector.load %arg4[%get3A_25, %get3A_26] : memref<128x128xf32, #tpu.memory_space<vmem>>, vector<128x128xf32>
    %dot_general3A_28 = arith.constant dense<0.000000e+00> : vector<10000x128xf32>
    %dot_general3A_29 = tpu.matmul %slice3A, %get3A_27, %dot_general3A_28 {dimension_numbers = #tpu.dot_dimension_numbers<[1], [0], [0], [1], [0, 0, 1, 1], [], []>, transpose_lhs_hint = false} : vector<10000x128xf32>, vector<128x128xf32>, vector<10000x128xf32> -> vector<10000x128xf32>
    %add3A_30 = arith.addf %dot_general3A_24, %dot_general3A_29 : vector<10000x128xf32>
    %get3A_31 = arith.constant 0 : index
    %get3A_32 = arith.constant 0 : index
    %get3A_33 = vector.load %arg5[%get3A_31, %get3A_32] : memref<1x128xf32, #tpu.memory_space<vmem>>, vector<1x128xf32>
    %add3A_34 = vector.broadcast %get3A_33 : vector<1x128xf32> to vector<10000x128xf32>
    %add3A_35 = arith.addf %add3A_30, %add3A_34 : vector<10000x128xf32>
    %ge3A = arith.constant 0.000000e+00 : f32
    %ge3A_36 = vector.broadcast %ge3A : f32 to vector<10000x128xf32>
    %ge3A_37 = arith.cmpf oge, %add3A_35, %ge3A_36 : vector<10000x128xf32>
    %mul3A_38 = arith.constant 1.000000e-01 : f32
    %mul3A_39 = vector.broadcast %mul3A_38 : f32 to vector<10000x128xf32>
    %mul3A_40 = arith.mulf %mul3A_39, %add3A_35 : vector<10000x128xf32>
    %select_n3A = arith.select %ge3A_37, %add3A_35, %mul3A_40 : vector<10000x128xi1>, vector<10000x128xf32>
    %swap3A = arith.constant 0 : index
    %swap3A_41 = arith.constant 0 : index
    %swap3A_42 = vector.load %arg6[%swap3A, %swap3A_41] : memref<10000x128xf32, #tpu.memory_space<vmem>>, vector<10000x128xf32>
    tpu.vector_store %arg6[%swap3A, %swap3A_41], %select_n3A {strides = array<i32>} : memref<10000x128xf32, #tpu.memory_space<vmem>>, vector<10000x128xf32>,
    return
  }
}

module attributes {stable_mosaic.version = 14 : i64} {
  func.func @_pred_body(%arg0: memref<1024x128xf32, #tpu.memory_space<vmem>>, %arg1: memref<1024x128xf32, #tpu.memory_space<vmem>>, %arg2: memref<128x128xf32, #tpu.memory_space<vmem>>, %arg3: memref<1x128xf32, #tpu.memory_space<vmem>>, %arg4: memref<1024x128xf32, #tpu.memory_space<vmem>>, %arg5: memref<1x1xf32, #tpu.memory_space<vmem>>) attributes {dimension_semantics = [], scalar_prefetch = 0 : i64, scratch_operands = 0 : i64, tpu.core_type = #tpu.core_type<tc>} {
    %get3A = arith.constant 0 : index
    %get3A_0 = arith.constant 0 : index
    %get3A_1 = vector.load %arg0[%get3A, %get3A_0] : memref<1024x128xf32, #tpu.memory_space<vmem>>, vector<1024x128xf32>
    %ge3A = arith.constant 0.000000e+00 : f32
    %ge3A_2 = vector.broadcast %ge3A : f32 to vector<1024x128xf32>
    %ge3A_3 = arith.cmpf oge, %get3A_1, %ge3A_2 : vector<1024x128xf32>
    %mul3A = arith.constant 1.000000e-01 : f32
    %mul3A_4 = vector.broadcast %mul3A : f32 to vector<1024x128xf32>
    %mul3A_5 = arith.mulf %mul3A_4, %get3A_1 : vector<1024x128xf32>
    %select_n3A = arith.select %ge3A_3, %get3A_1, %mul3A_5 : vector<1024x128xi1>, vector<1024x128xf32>
    %get3A_6 = arith.constant 0 : index
    %get3A_7 = arith.constant 0 : index
    %get3A_8 = vector.load %arg2[%get3A_6, %get3A_7] : memref<128x128xf32, #tpu.memory_space<vmem>>, vector<128x128xf32>
    %dot_general3A = arith.constant dense<0.000000e+00> : vector<1024x128xf32>
    %dot_general3A_9 = tpu.matmul %select_n3A, %get3A_8, %dot_general3A {dimension_numbers = #tpu.dot_dimension_numbers<[1], [0], [0], [1], [0, 0, 1, 1], [], []>, transpose_lhs_hint = false} : vector<1024x128xf32>, vector<128x128xf32>, vector<1024x128xf32> -> vector<1024x128xf32>
    %get3A_10 = arith.constant 0 : index
    %get3A_11 = arith.constant 0 : index
    %get3A_12 = vector.load %arg3[%get3A_10, %get3A_11] : memref<1x128xf32, #tpu.memory_space<vmem>>, vector<1x128xf32>
    %add3A = vector.broadcast %get3A_12 : vector<1x128xf32> to vector<1024x128xf32>
    %add3A_13 = arith.addf %dot_general3A_9, %add3A : vector<1024x128xf32>
    %swap3A = arith.constant 0 : index
    %swap3A_14 = arith.constant 0 : index
    %swap3A_15 = vector.load %arg4[%swap3A, %swap3A_14] : memref<1024x128xf32, #tpu.memory_space<vmem>>, vector<1024x128xf32>
    tpu.vector_store %arg4[%swap3A, %swap3A_14], %add3A_13 {strides = array<i32>} : memref<1024x128xf32, #tpu.memory_space<vmem>>, vector<1024x128xf32>,
    %get3A_16 = arith.constant 0 : index
    %get3A_17 = arith.constant 0 : index
    %get3A_18 = vector.load %arg1[%get3A_16, %get3A_17] : memref<1024x128xf32, #tpu.memory_space<vmem>>, vector<1024x128xf32>
    %sub3A = arith.subf %add3A_13, %get3A_18 : vector<1024x128xf32>
    %mul3A_19 = arith.mulf %sub3A, %sub3A : vector<1024x128xf32>
    %reduce_sum3A = vector.shape_cast %mul3A_19 : vector<1024x128xf32> to vector<1x1024x128xf32>
    %reduce_sum3A_20 = arith.constant dense<0.000000e+00> : vector<1xf32>
    %reduce_sum3A_21 = vector.multi_reduction <add>, %reduce_sum3A, %reduce_sum3A_20 [1, 2] : vector<1x1024x128xf32> to vector<1xf32>
    %reduce_sum3A_22 = vector.shape_cast %reduce_sum3A_21 : vector<1xf32> to vector<1x1x1xf32>
    %reduce_sum3A_23 = vector.extract %reduce_sum3A_22[0, 0, 0] : f32 from vector<1x1x1xf32>
    %div3A = arith.constant 1.310720e+05 : f32
    %div3A_24 = arith.divf %reduce_sum3A_23, %div3A : f32
    %reshape3A = vector.broadcast %div3A_24 : f32 to vector<1x1xf32>
    %swap3A_25 = arith.constant 0 : index
    %swap3A_26 = arith.constant 0 : index
    %swap3A_27 = vector.load %arg5[%swap3A_25, %swap3A_26] : memref<1x1xf32, #tpu.memory_space<vmem>>, vector<1x1xf32>
    tpu.vector_store %arg5[%swap3A_25, %swap3A_26], %reshape3A {strides = array<i32>} : memref<1x1xf32, #tpu.memory_space<vmem>>, vector<1x1xf32>,
    return
  }
}

</mosaic_0001>

<sc_bundles>
// kernel: kernel.10.cloned.1.call-start
scs
__scs_entry_jumppad:
0x0: {  	(pc) =	sbr.rel $0x88, $3  }
0x1: {  	(tag) =	ssettag $0x0;
	lr =	simm.s32 $0x1  }
0x2: {  	[smem:$0x3F91] =	sst lr;
	_ =	strace $0xD0000000  }
0x3: {  	_ = 	snop  }
0x4: {  	_ = 	snop  }
0x5: {  	_ = 	snop  }
0x6: {  	_ = 	snop  }
0x7: {  	_ = 	snop  }
__scs_overlays_trampoline_lowered:
0x8: {  	[smem:$0x3FA0] =	sst s0  }
0x9: {  	[smem:$0x3FA1] =	sst s1  }
0xa: {  	[smem:$0x3FA2] =	sst s2  }
0xb: {  	[smem:$0x3FA3] =	sst s3  }
0xc: {  	[smem:$0x3FA4] =	sst s4  }
0xd: {  	[smem:$0x3FA5] =	sst s5  }
0xe: {  	[smem:$0x3FA6] =	sst s6  }
0xf: {  	[smem:$0x3FA7] =	sst s7  }
0x10: {  	[smem:$0x3FA8] =	sst s8  }
0x11: {  	[smem:$0x3FA9] =	sst s9;
	s0 =	simm.s32 @!p0 $0x0  }
0x12: {  	s1 =	sld [smem:$0x3F8F];
	s0 =	simm.s32 @p0 $0x1  }
0x13: {  	[smem:$0x3FAA] =	sst s0;
	s0 =	simm.s32 @!p1 $0x0  }
0x14: {  	s2 =	sld [smem:$0x3F8E];
	s0 =	simm.s32 @p1 $0x1  }
0x15: {  	[smem:$0x3FAB] =	sst s0;
	s0 =	simm.s32 @!p2 $0x0  }
0x16: {  	s3 =	sld [smem:$0x3FDB];
	s0 =	simm.s32 @p2 $0x1  }
0x17: {  	s4 =	simm.s32 $0x1BF5;
	[smem:$0x3FAD] =	sst s0  }
0x18: {  	s0 =	sld [smem:$0x3F90];
	_ =	swait.ge [sflag:s4], $0x0  }
0x19: {  	s7 =	sld [smem:$0x3F91]  }
0x1a: {  	s8 =	sadd.s32 $0xFFFFE003, lr  }
0x1b: {  	s9 =	sadd.s32 $0xFFFFFEF7, lr;
	s5 =	simm.s32 $0xFFFFFFFF;
	p2 =	slt.u32 s8, $0xFFFFF086  }
0x1c: {  	p1 =	slt.u32 s9, $0xF7A;
	s5 =	simm.s32 @!p2 $0x0  }
0x1d: {  	s5 =	simm.s32 @p1 $0x1;
	p0 =	seq.s32 s7, s2  }
0x1e: {  	s7 =	smul.u32 @!p0 $0xF7A, s2;
	p2 =	seq.s32 @!p0 s5, $0x0  }
0x1f: {  	s9 =	smul.u32 $0xF7A, s1;
	s8 =	simm.s32 @!p0 $0x1BF5;
	p2 =	por !p2, p0  }
0x20: {  	[sflag:s8] =	ssyncset.s32 @!p0 $0xFFFFF086;
	s6 =	sadd.s32 @!p0 s3, s7;
	s7 =	simm.s32 @!p0 $0x108  }
0x21: {  	s3 =	sadd.s32 s3, s9;
	s6 =	sadd.s32 @!p0 $0x88, s6;
	s7 =	simm.s32 @p2 $0x1082  }
0x22: {  	[simem:s7], [sflag:s8] =	dma.local @!p0 [hbm:s6], $0xF7A  }
0x23: {  	s9 =	sor.u32 $0xD0000000, s2;
	s6 =	simm.s32 $0x108;
	_ =	swait.ge @!p0 [sflag:s8], $0x0  }
0x24: {  	s3 =	sadd.s32 $0x88, s3;
	s6 =	simm.s32 @!p1 $0x1082;
	[sflag:s4] =	ssyncset.s32 $0xFFFFF086  }
0x25: {  	[simem:s6], [sflag:s4] =	dma.local [hbm:s3], $0xF7A  }
0x26: {  	[smem:$0x3F91] =	sst s1;
	(tag) =	ssettag s2;
	_ =	strace s9  }
0x27: {  	s1 =	sld [smem:$0x3FA1]  }
0x28: {  	s2 =	sld [smem:$0x3FA2]  }
0x29: {  	s4 =	sld [smem:$0x3FA4]  }
0x2a: {  	p0 =	seq.s32 s5, $0x0;
	s5 =	sld [smem:$0x3FA5]  }
0x2b: {  	s6 =	sld [smem:$0x3FA6]  }
0x2c: {  	s7 =	sld [smem:$0x3FA7]  }
0x2d: {  	s3 =	simm.s32 $0x108;
	s8 =	sld [smem:$0x3FA8]  }
0x2e: {  	s3 =	simm.s32 @!p0 $0x1082;
	s9 =	sld [smem:$0x3FA9]  }
0x2f: {  	lr =	sadd.s32 s0, s3;
	s0 =	sld [smem:$0x3FA0]  }
0x30: {  	s3 =	sld [smem:$0x3FA3]  }
0x31: {  	[smem:$0x3FAC] =	sst s10  }
0x32: {  	s10 =	sld [smem:$0x3FAA];
	_ =	sdelay $0x3  }
0x33: {  	p0 =	seq.s32 s10, $0x1;
	s10 =	sld [smem:$0x3FAC];
	_ =	sdelay $0x3  }
0x34: {  	[smem:$0x3FAC] =	sst s10  }
0x35: {  	s10 =	sld [smem:$0x3FAB];
	_ =	sdelay $0x3  }
0x36: {  	p1 =	seq.s32 s10, $0x1;
	s10 =	sld [smem:$0x3FAC];
	_ =	sdelay $0x3  }
0x37: {  	[smem:$0x3FAC] =	sst s10  }
0x38: {  	s10 =	sld [smem:$0x3FAD]  }
0x39: {  	_ = 	snop;
	(pc) =	sbr.ind lr, $3  }
0x3a: {  	_ = 	snop  }
0x3b: {  	_ = 	snop  }
0x3c: {  	p2 =	seq.s32 s10, $0x1;
	s10 =	sld [smem:$0x3FAC]  }
0x3d: {  	_ =	shalt  }
0x3e: {  	_ =	shalt  }
0x3f: {  	_ =	shalt  }
0x40: {  	_ =	shalt  }
0x41: {  	_ =	shalt  }
0x42: {  	_ =	shalt  }
0x43: {  	_ =	shalt  }
0x44: {  	_ =	shalt  }
0x45: {  	_ =	shalt  }
0x46: {  	_ =	shalt  }
0x47: {  	_ =	shalt  }
0x48: {  	_ =	shalt  }
0x49: {  	_ =	shalt  }
0x4a: {  	_ =	shalt  }
0x4b: {  	_ =	shalt  }
0x4c: {  	_ =	shalt  }
0x4d: {  	_ =	shalt  }
0x4e: {  	_ =	shalt  }
0x4f: {  	_ =	shalt  }
0x50: {  	_ =	shalt  }
0x51: {  	_ =	shalt  }
0x52: {  	_ =	shalt  }
0x53: {  	_ =	shalt  }
0x54: {  	_ =	shalt  }
0x55: {  	_ =	shalt  }
0x56: {  	_ =	shalt  }
0x57: {  	_ =	shalt  }
0x58: {  	_ =	shalt  }
0x59: {  	_ =	shalt  }
0x5a: {  	_ =	shalt  }
0x5b: {  	_ =	shalt  }
0x5c: {  	_ =	shalt  }
0x5d: {  	_ =	shalt  }
0x5e: {  	_ =	shalt  }
0x5f: {  	_ =	shalt  }
0x60: {  	_ =	shalt  }
0x61: {  	_ =	shalt  }
0x62: {  	_ =	shalt  }
0x63: {  	_ =	shalt  }
0x64: {  	_ =	shalt  }
0x65: {  	_ =	shalt  }
0x66: {  	_ =	shalt  }
0x67: {  	_ =	shalt  }
0x68: {  	_ =	shalt  }
0x69: {  	_ =	shalt  }
0x6a: {  	_ =	shalt  }
0x6b: {  	_ =	shalt  }
0x6c: {  	_ =	shalt  }
0x6d: {  	_ =	shalt  }
0x6e: {  	_ =	shalt  }
0x6f: {  	_ =	shalt  }
0x70: {  	_ =	shalt  }
0x71: {  	_ =	shalt  }
0x72: {  	_ =	shalt  }
0x73: {  	_ =	shalt  }
0x74: {  	_ =	shalt  }
0x75: {  	_ =	shalt  }
0x76: {  	_ =	shalt  }
0x77: {  	_ =	shalt  }
0x78: {  	_ =	shalt  }
0x79: {  	_ =	shalt  }
0x7a: {  	_ =	shalt  }
0x7b: {  	_ =	shalt  }
0x7c: {  	_ =	shalt  }
0x7d: {  	_ =	shalt  }
0x7e: {  	_ =	shalt  }
0x7f: {  	_ =	shalt  }
0x80: {  	_ =	shalt  }
0x81: {  	_ =	shalt  }
0x82: {  	_ =	shalt  }
0x83: {  	_ =	shalt  }
0x84: {  	_ =	shalt  }
0x85: {  	_ =	shalt  }
0x86: {  	_ =	shalt  }
0x87: {  	_ =	shalt  }
.Lfunc_end0:
.L_simem_size_0:
called_computation_lowered:
.L_overlay_start_0:
0x88: {  	s2 =	sld [smem:$0x3FD9]  }
0x89: {  	s3 =	sld [smem:$0x3FFE];
	_ =	sdelay $0x1  }
0x8a: {  	s1 =	srdreg.scid  }
0x8b: {  	s0 =	sand.u32 $0x1, s1  }
0x8c: {  	s16 =	sshll.u32 s0, $0xA;
	s2 =	sadd.s32 s3, s2  }
0x8d: {  	s2 =	sadd.s32 s2, s16  }
0x8e: {  	[smem:$0x3FB8] =	sst s2  }
0x8f: {  	_ = 	snop  }
0x90: {  	(tm) =	ssettm $0x1  }
0x91: {  	s17 =	sld [smem:$0x3FFB];
	_ =	sdelay $0x3  }
0x92: {  	_ =	strace s17  }
0x93: {  	s2 =	sld [smem:$0x3FFC];
	_ =	sdelay $0x3  }
0x94: {  	_ =	strace s2  }
0x95: {  	s2 =	sld [smem:$0x3FFD];
	_ =	sdelay $0x3  }
0x96: {  	_ =	strace s2  }
0x97: {  	_ =	strace $0x8FFFFFFF  }
0x98: {  	s18 =	sld [smem:$0x3FDB];
	_ =	sdelay $0x1  }
0x99: {  	s19 =	simm.s32 $_scs_section_size  }
0x9a: {  	s4 =	simm.s32 $_size__tile_overlayer_lowered;
	s5 =	simm.s32 $_tile_overlayer_lowered  }
0x9b: {  	s22 =	simm.s32 $0x1BFF;
	s21 =	sshll.u32 s5, $0x1;
	s2 =	sadd.s32 s19, s18  }
0x9c: {  	s6 =	simm.s32 $0x0;
	s20 =	sshll.u32 s4, $0x1;
	s4 =	sadd.s32 s21, s2  }
0x9d: {  	[timem:s6], [sflag:s22] =	dma.local [hbm:s4], s20  }
0x9e: {  	_ =	swait.ge [sflag:s22], s20  }
0x9f: {  	s3 =	ssub.s32 $0x0, s20;
	[sflag:s22] =	ssyncset.done $0x0  }
0xa0: {  	[sflag:s22] =	ssyncadd.s32 s3;
	_ =	sdelay $0x1  }
0xa1: {  	s23 =	simm.s32 $0x1B8B  }
0xa2: {  	_ =	swait.ge [sflag:s23], $0x1  }
0xa3: {  	[sflag:s23] =	ssyncset.done $0x0  }
0xa4: {  	s25 =	simm.s32 $0x1B8E;
	s24 =	sld [smem:$0x3FFE];
	[sflag:s23] =	ssyncadd.s32 $0xFFFFFFFF  }
0xa5: {  	s26 =	simm.s32 $execute0_lowered;
	[smem:$0x3FD2] =	sst s25  }
0xa6: {  	s4 =	sshll.u32 s26, $0x1;
	_ =	strace $0x80000046;
	[dreg:$0x1] =	wrdreg $0xFFFFFFFF  }
0xa7: {  	s28 =	simm.s32 $_size_execute0_lowered;
	s2 =	sadd.s32 s2, s4;
	[dreg:$0x0] =	wrdreg $0x0  }
0xa8: {  	s4 =	sshll.u32 s28, $0x1;
	[dreg:$0x2] =	wrdreg s2  }
0xa9: {  	[dreg:$0x3] =	wrdreg s4  }
0xaa: {  	[dreg:$0x4] =	wrdreg $0xC0  }
0xab: {  	_ =	task [dreg:s6], $0x5FFFF  }
0xac: {  	[dreg:$0x1] =	wrdreg $0xFFFFFFFF  }
0xad: {  	[dreg:$0x0] =	wrdreg $0x60  }
0xae: {  	[dreg:$0x2] =	wrdreg s24  }
0xaf: {  	[dreg:$0x3] =	wrdreg $0x9  }
0xb0: {  	_ =	task.clear_ibuf [dreg:s6], $0x4FFFF;
	_ =	strace $0x90000046  }
0xb1: {  	s29 =	simm.s32 $0x9;
	_ =	strace $0x80000048  }
0xb2: {  	_ =	swait.ge [sflag:s29], $0x1  }
0xb3: {  	[sflag:s29] =	ssyncadd.s32 $0xFFFFFFFF  }
0xb4: {  	_ =	strace $0x90000048  }
0xb5: {  	_ =	sfence  }
0xb6: {  	s30 =	sld [smem:$0x0];
	_ =	sdelay $0x2  }
0xb7: {  	s31 =	sshll.u32 s1, $0xD;
	s1 =	sshrl.u32 s1, $0x2  }
0xb8: {  	s3 =	sand.u32 $0x4000, s31;
	s1 =	sadd.s32 s1, s30  }
0xb9: {  	s0 =	sor.u32 s3, s0;
	s1 =	sshll.u32 s1, $0x11  }
0xba: {  	s0 =	sor.u32 s1, s0  }
0xbb: {  	s0 =	sadd.s32 $0x8F2B, s0  }
0xbc: {  	[sflag:s0] =	ssyncadd.remote.s32 $0x1  }
0xbd: {  	_ =	sfence.sel $0xFFFF  }
0xbe: {  	[dreg:$0x0] =	wrdreg $0xFFFFFFFF;
	(pc) =	sbr.abs _section_cstart, $3  }
0xbf: {  	[dreg:$0x1] =	wrdreg $0xFFFFFFFF  }
0xc0: {  	_ =	task.clear_ibuf [dreg:s6], $0x2FFFF;
	_ =	strace $0x9FFFFFFF  }
0xc1: {  	(tm) =	ssettm $0x7FFFFFFF  }
tec
execute0_lowered:
.L_overlay_start_1:
0x0: {  	(tag) =	ssettag $0x1  }
0x1: {  	s0 =	srdreg.scid  }
0x2: {  	s4 =	rddreg [dreg:$0x0];
	s3 =	sand.u32 $0x1, s0  }
0x3: {  	s2 =	simm.s32 $0x0;
	s0 =	stileid.u32;
	s1 =	sshll.u32 s3, $0x4  }
0x4: {  	s9 =	simm.s32 $0x0;
	[smem:$0x7FF] =	sst s2;
	s5 =	sor.u32 s0, s1  }
0x5: {  	s3 =	ssub.s32 $0x2, s3;
	s1 =	rddreg [dreg:$0x1];
	s6 =	smul.u32 $0x4F0, s5  }
0x6: {  	_ =	strace $0x80000047;
	s7 =	sshrl.u32 s3, $0x1;
	s5 =	smul.u32 $0x500, s5  }
0x7: {  	s31 =	ssub.s32 s3, s7;
	s7 =	simm.s32 $0x2780;
	s6 =	sadd.s32 s6, s4  }
0x8: {  	s8 =	sadd.s32 s5, s4;
	s4 =	smax.u32 s31, $0x1;
	s3 =	sadd.s32 $0x18000, s6  }
0x9: {  	v0 =	vimm.f32 $0.0e+00;
	v1 =	vimm.f32 $1.000000000e+00;
	s5 =	sadd.s32 $0xE000, s8;
	s6 =	sadd.s32 $0xE280, s8;
	s8 =	simm.s32 $0x1  }
.LBB2_1:
0xa: {  	s10 =	simm.s32 $0x40;
	s11 =	simm.s32 $0x0  }
.LBB2_2:
0xb: {  	p0 =	sne.s32 s10, $0x9DC0;
	[tilespmem:s11+$0x0] =	vst v0;
	s11 =	smov.u32 s10;
	s10 =	sadd.s32 $0x40, s10  }
.Ltmp0:
0xc: {  	(pc) =	sbr.rel @p0 .LBB2_2-.Ltmp0, $2  }
0xd: {  	_ =	sdelay $0x2  }
0xe: {  	s11 =	sshra.s32 s11, $0x2  }
0xf: {  	[tilespmem:s11+$0x0] =	vst v0;
	s10 =	simm.s32 $0x0  }
0x10: {  	[tilespmem:s7], [sflag:$0x1] =	stream.linear.gather [hbm4b:s5+s10], $0x1400, $0x38;
	[tilespmem:$0x3B80] =	vst v63  }
0x11: {  	_ =	swait.ge [sflag:s8], $0x1400  }
0x12: {  	[sflag:s8] =	ssyncset.done $0x0  }
0x13: {  	[sflag:s8] =	ssyncadd.s32 $0xFFFFEC00  }
.LBB2_4:
0x14: {  	s11 =	sshra.s32 s10, $0x2  }
0x15: {  	v2 =	vld [tilespmem:s11+$0x2780];
	_ =	sdelay $0x7  }
0x16: {  	[tilespmem:v2+s2+$0x0] =	vst.idx.add.f32.msk $0xffff, v1  }
0x17: {  	v2 =	vld [tilespmem:s11+$0x2790];
	_ =	sdelay $0x7  }
0x18: {  	[tilespmem:v2+s2+$0x0] =	vst.idx.add.f32.msk $0xffff, v1  }
0x19: {  	v2 =	vld [tilespmem:s11+$0x27A0];
	_ =	sdelay $0x7  }
0x1a: {  	[tilespmem:v2+s2+$0x0] =	vst.idx.add.f32.msk $0xffff, v1  }
0x1b: {  	v2 =	vld [tilespmem:s11+$0x27B0];
	_ =	sdelay $0x7  }
0x1c: {  	[tilespmem:v2+s2+$0x0] =	vst.idx.add.f32.msk $0xffff, v1  }
0x1d: {  	v2 =	vld [tilespmem:s11+$0x27C0];
	_ =	sdelay $0x7  }
0x1e: {  	[tilespmem:v2+s2+$0x0] =	vst.idx.add.f32.msk $0xffff, v1  }
0x1f: {  	v2 =	vld [tilespmem:s11+$0x27D0];
	_ =	sdelay $0x7  }
0x20: {  	[tilespmem:v2+s2+$0x0] =	vst.idx.add.f32.msk $0xffff, v1  }
0x21: {  	v2 =	vld [tilespmem:s11+$0x27E0];
	_ =	sdelay $0x7  }
0x22: {  	[tilespmem:v2+s2+$0x0] =	vst.idx.add.f32.msk $0xffff, v1  }
0x23: {  	v2 =	vld [tilespmem:s11+$0x27F0];
	_ =	sdelay $0x2  }
0x24: {  	p0 =	sne.s32 s10, $0x4E00  }
.Ltmp1:
0x25: {  	_ = 	snop;
	(pc) =	sbr.rel @p0 .LBB2_4-.Ltmp1, $2  }
0x26: {  	_ =	sdelay $0x2  }
0x27: {  	s10 =	sadd.s32 $0x200, s10;
	[tilespmem:v2+s2+$0x0] =	vst.idx.add.f32.msk $0xffff, v1  }
0x28: {  	s10 =	simm.s32 $0x0  }
0x29: {  	[tilespmem:s7], [sflag:$0x1] =	stream.linear.gather [hbm4b:s6+s10], $0x1400, $0x38;
	[tilespmem:$0x3B80] =	vst v63  }
0x2a: {  	_ =	swait.ge [sflag:s8], $0x1400  }
0x2b: {  	[sflag:s8] =	ssyncset.done $0x0  }
0x2c: {  	[sflag:s8] =	ssyncadd.s32 $0xFFFFEC00  }
.LBB2_6:
0x2d: {  	s11 =	sshra.s32 s10, $0x2  }
0x2e: {  	v2 =	vld [tilespmem:s11+$0x2780];
	_ =	sdelay $0x7  }
0x2f: {  	[tilespmem:v2+s2+$0x0] =	vst.idx.add.f32.msk $0xffff, v1  }
0x30: {  	v2 =	vld [tilespmem:s11+$0x2790];
	_ =	sdelay $0x7  }
0x31: {  	[tilespmem:v2+s2+$0x0] =	vst.idx.add.f32.msk $0xffff, v1  }
0x32: {  	v2 =	vld [tilespmem:s11+$0x27A0];
	_ =	sdelay $0x7  }
0x33: {  	[tilespmem:v2+s2+$0x0] =	vst.idx.add.f32.msk $0xffff, v1  }
0x34: {  	v2 =	vld [tilespmem:s11+$0x27B0];
	_ =	sdelay $0x7  }
0x35: {  	[tilespmem:v2+s2+$0x0] =	vst.idx.add.f32.msk $0xffff, v1  }
0x36: {  	v2 =	vld [tilespmem:s11+$0x27C0];
	_ =	sdelay $0x7  }
0x37: {  	[tilespmem:v2+s2+$0x0] =	vst.idx.add.f32.msk $0xffff, v1  }
0x38: {  	v2 =	vld [tilespmem:s11+$0x27D0];
	_ =	sdelay $0x7  }
0x39: {  	[tilespmem:v2+s2+$0x0] =	vst.idx.add.f32.msk $0xffff, v1  }
0x3a: {  	v2 =	vld [tilespmem:s11+$0x27E0];
	_ =	sdelay $0x7  }
0x3b: {  	[tilespmem:v2+s2+$0x0] =	vst.idx.add.f32.msk $0xffff, v1  }
0x3c: {  	v2 =	vld [tilespmem:s11+$0x27F0];
	_ =	sdelay $0x2  }
0x3d: {  	p0 =	sne.s32 s10, $0x4E00  }
.Ltmp2:
0x3e: {  	_ = 	snop;
	(pc) =	sbr.rel @p0 .LBB2_6-.Ltmp2, $2  }
0x3f: {  	_ =	sdelay $0x2  }
0x40: {  	s10 =	sadd.s32 $0x200, s10;
	[tilespmem:v2+s2+$0x0] =	vst.idx.add.f32.msk $0xffff, v1  }
0x41: {  	s9 =	sadd.s32 $0x1, s9  }
0x42: {  	p0 =	sne.s32 s9, s4  }
.Ltmp3:
0x43: {  	_ = 	snop;
	(pc) =	sbr.rel @p0 .LBB2_1-.Ltmp3, $4  }
0x44: {  	[hbm4b:s3+s2] =	stream.linear.scatter [tilespmem:s2], [sflag:$0x1], $0x2780, $0x38;
	[tilespmem:$0x3B80] =	vst v63  }
0x45: {  	_ =	swait.ge [sflag:s8], $0x2780  }
0x46: {  	[sflag:s8] =	ssyncset.done $0x0  }
0x47: {  	[sflag:s8] =	ssyncadd.s32 $0xFFFFD880  }
0x48: {  	_ =	sfence.sel $0x180000  }
0x49: {  	[bflag:$0x0] =	sbarrier.arrive $0xFFFF  }
0x4a: {  	p0 =	sne.s32 s0, $0x0;
	_ =	strace $0x90000047  }
0x4b: {  	s0 =	sadd.s32 @!p0 $0x100000, s1;
	[bflag:$0x2] =	sbarrier.arrive $0xFFFF  }
0x4c: {  	[sflag:s0] =	ssyncadd.tile.s32 @!p0 $0x1;
	_ =	shalt  }
.Lfunc_end2:
_tile_overlayer_lowered:
.L_overlay_start_2:
0x4d: {  	(tag) =	ssettag $0x2  }
0x4e: {  	s0 =	rddreg [dreg:$0x0];
	s2 =	stileid.u32  }
0x4f: {  	s1 =	rddreg [dreg:$0x1];
	p0 =	sne.s32 s2, $0x0  }
0x50: {  	s3 =	rddreg [dreg:$0x2];
	[bflag:$0x3] =	sbarrier.arrive $0xFFFF;
	s2 =	simm.s32 @!p0 $0x1C01  }
0x51: {  	[timem:s3], [sflag:s2] =	dma.local @!p0 [hbm:s0], s1  }
0x52: {  	s0 =	simm.s32 @!p0 $0x1  }
0x53: {  	_ =	swait.ge @!p0 [sflag:s0], s1  }
0x54: {  	s1 =	ssub.s32 @!p0 $0x0, s1;
	[sflag:s0] =	ssyncset.done @!p0 $0x0  }
0x55: {  	[sflag:s0] =	ssyncadd.s32 @!p0 s1  }
0x56: {  	[bflag:$0x3] =	sbarrier.arrive $0xFFFF  }
0x57: {  	_ =	shalt  }

// kernel: kernel.13.cloned.1.call-start
scs
__scs_entry_jumppad:
0x0: {  	(pc) =	sbr.rel $0x88, $3  }
0x1: {  	(tag) =	ssettag $0x0;
	lr =	simm.s32 $0x1  }
0x2: {  	[smem:$0x3F91] =	sst lr;
	_ =	strace $0xD0000000  }
0x3: {  	_ = 	snop  }
0x4: {  	_ = 	snop  }
0x5: {  	_ = 	snop  }
0x6: {  	_ = 	snop  }
0x7: {  	_ = 	snop  }
__scs_overlays_trampoline_lowered:
0x8: {  	[smem:$0x3FA0] =	sst s0  }
0x9: {  	[smem:$0x3FA1] =	sst s1  }
0xa: {  	[smem:$0x3FA2] =	sst s2  }
0xb: {  	[smem:$0x3FA3] =	sst s3  }
0xc: {  	[smem:$0x3FA4] =	sst s4  }
0xd: {  	[smem:$0x3FA5] =	sst s5  }
0xe: {  	[smem:$0x3FA6] =	sst s6  }
0xf: {  	[smem:$0x3FA7] =	sst s7  }
0x10: {  	[smem:$0x3FA8] =	sst s8  }
0x11: {  	[smem:$0x3FA9] =	sst s9;
	s0 =	simm.s32 @!p0 $0x0  }
0x12: {  	s1 =	sld [smem:$0x3F8F];
	s0 =	simm.s32 @p0 $0x1  }
0x13: {  	[smem:$0x3FAA] =	sst s0;
	s0 =	simm.s32 @!p1 $0x0  }
0x14: {  	s2 =	sld [smem:$0x3F8E];
	s0 =	simm.s32 @p1 $0x1  }
0x15: {  	[smem:$0x3FAB] =	sst s0;
	s0 =	simm.s32 @!p2 $0x0  }
0x16: {  	s3 =	sld [smem:$0x3FDB];
	s0 =	simm.s32 @p2 $0x1  }
0x17: {  	s4 =	simm.s32 $0x1BF5;
	[smem:$0x3FAD] =	sst s0  }
0x18: {  	s0 =	sld [smem:$0x3F90];
	_ =	swait.ge [sflag:s4], $0x0  }
0x19: {  	s7 =	sld [smem:$0x3F91]  }
0x1a: {  	s8 =	sadd.s32 $0xFFFFE003, lr  }
0x1b: {  	s9 =	sadd.s32 $0xFFFFFEF7, lr;
	s5 =	simm.s32 $0xFFFFFFFF;
	p2 =	slt.u32 s8, $0xFFFFF086  }
0x1c: {  	p1 =	slt.u32 s9, $0xF7A;
	s5 =	simm.s32 @!p2 $0x0  }
0x1d: {  	s5 =	simm.s32 @p1 $0x1;
	p0 =	seq.s32 s7, s2  }
0x1e: {  	s7 =	smul.u32 @!p0 $0xF7A, s2;
	p2 =	seq.s32 @!p0 s5, $0x0  }
0x1f: {  	s9 =	smul.u32 $0xF7A, s1;
	s8 =	simm.s32 @!p0 $0x1BF5;
	p2 =	por !p2, p0  }
0x20: {  	[sflag:s8] =	ssyncset.s32 @!p0 $0xFFFFF086;
	s6 =	sadd.s32 @!p0 s3, s7;
	s7 =	simm.s32 @!p0 $0x108  }
0x21: {  	s3 =	sadd.s32 s3, s9;
	s6 =	sadd.s32 @!p0 $0x88, s6;
	s7 =	simm.s32 @p2 $0x1082  }
0x22: {  	[simem:s7], [sflag:s8] =	dma.local @!p0 [hbm:s6], $0xF7A  }
0x23: {  	s9 =	sor.u32 $0xD0000000, s2;
	s6 =	simm.s32 $0x108;
	_ =	swait.ge @!p0 [sflag:s8], $0x0  }
0x24: {  	s3 =	sadd.s32 $0x88, s3;
	s6 =	simm.s32 @!p1 $0x1082;
	[sflag:s4] =	ssyncset.s32 $0xFFFFF086  }
0x25: {  	[simem:s6], [sflag:s4] =	dma.local [hbm:s3], $0xF7A  }
0x26: {  	[smem:$0x3F91] =	sst s1;
	(tag) =	ssettag s2;
	_ =	strace s9  }
0x27: {  	s1 =	sld [smem:$0x3FA1]  }
0x28: {  	s2 =	sld [smem:$0x3FA2]  }
0x29: {  	s4 =	sld [smem:$0x3FA4]  }
0x2a: {  	p0 =	seq.s32 s5, $0x0;
	s5 =	sld [smem:$0x3FA5]  }
0x2b: {  	s6 =	sld [smem:$0x3FA6]  }
0x2c: {  	s7 =	sld [smem:$0x3FA7]  }
0x2d: {  	s3 =	simm.s32 $0x108;
	s8 =	sld [smem:$0x3FA8]  }
0x2e: {  	s3 =	simm.s32 @!p0 $0x1082;
	s9 =	sld [smem:$0x3FA9]  }
0x2f: {  	lr =	sadd.s32 s0, s3;
	s0 =	sld [smem:$0x3FA0]  }
0x30: {  	s3 =	sld [smem:$0x3FA3]  }
0x31: {  	[smem:$0x3FAC] =	sst s10  }
0x32: {  	s10 =	sld [smem:$0x3FAA];
	_ =	sdelay $0x3  }
0x33: {  	p0 =	seq.s32 s10, $0x1;
	s10 =	sld [smem:$0x3FAC];
	_ =	sdelay $0x3  }
0x34: {  	[smem:$0x3FAC] =	sst s10  }
0x35: {  	s10 =	sld [smem:$0x3FAB];
	_ =	sdelay $0x3  }
0x36: {  	p1 =	seq.s32 s10, $0x1;
	s10 =	sld [smem:$0x3FAC];
	_ =	sdelay $0x3  }
0x37: {  	[smem:$0x3FAC] =	sst s10  }
0x38: {  	s10 =	sld [smem:$0x3FAD]  }
0x39: {  	_ = 	snop;
	(pc) =	sbr.ind lr, $3  }
0x3a: {  	_ = 	snop  }
0x3b: {  	_ = 	snop  }
0x3c: {  	p2 =	seq.s32 s10, $0x1;
	s10 =	sld [smem:$0x3FAC]  }
0x3d: {  	_ =	shalt  }
0x3e: {  	_ =	shalt  }
0x3f: {  	_ =	shalt  }
0x40: {  	_ =	shalt  }
0x41: {  	_ =	shalt  }
0x42: {  	_ =	shalt  }
0x43: {  	_ =	shalt  }
0x44: {  	_ =	shalt  }
0x45: {  	_ =	shalt  }
0x46: {  	_ =	shalt  }
0x47: {  	_ =	shalt  }
0x48: {  	_ =	shalt  }
0x49: {  	_ =	shalt  }
0x4a: {  	_ =	shalt  }
0x4b: {  	_ =	shalt  }
0x4c: {  	_ =	shalt  }
0x4d: {  	_ =	shalt  }
0x4e: {  	_ =	shalt  }
0x4f: {  	_ =	shalt  }
0x50: {  	_ =	shalt  }
0x51: {  	_ =	shalt  }
0x52: {  	_ =	shalt  }
0x53: {  	_ =	shalt  }
0x54: {  	_ =	shalt  }
0x55: {  	_ =	shalt  }
0x56: {  	_ =	shalt  }
0x57: {  	_ =	shalt  }
0x58: {  	_ =	shalt  }
0x59: {  	_ =	shalt  }
0x5a: {  	_ =	shalt  }
0x5b: {  	_ =	shalt  }
0x5c: {  	_ =	shalt  }
0x5d: {  	_ =	shalt  }
0x5e: {  	_ =	shalt  }
0x5f: {  	_ =	shalt  }
0x60: {  	_ =	shalt  }
0x61: {  	_ =	shalt  }
0x62: {  	_ =	shalt  }
0x63: {  	_ =	shalt  }
0x64: {  	_ =	shalt  }
0x65: {  	_ =	shalt  }
0x66: {  	_ =	shalt  }
0x67: {  	_ =	shalt  }
0x68: {  	_ =	shalt  }
0x69: {  	_ =	shalt  }
0x6a: {  	_ =	shalt  }
0x6b: {  	_ =	shalt  }
0x6c: {  	_ =	shalt  }
0x6d: {  	_ =	shalt  }
0x6e: {  	_ =	shalt  }
0x6f: {  	_ =	shalt  }
0x70: {  	_ =	shalt  }
0x71: {  	_ =	shalt  }
0x72: {  	_ =	shalt  }
0x73: {  	_ =	shalt  }
0x74: {  	_ =	shalt  }
0x75: {  	_ =	shalt  }
0x76: {  	_ =	shalt  }
0x77: {  	_ =	shalt  }
0x78: {  	_ =	shalt  }
0x79: {  	_ =	shalt  }
0x7a: {  	_ =	shalt  }
0x7b: {  	_ =	shalt  }
0x7c: {  	_ =	shalt  }
0x7d: {  	_ =	shalt  }
0x7e: {  	_ =	shalt  }
0x7f: {  	_ =	shalt  }
0x80: {  	_ =	shalt  }
0x81: {  	_ =	shalt  }
0x82: {  	_ =	shalt  }
0x83: {  	_ =	shalt  }
0x84: {  	_ =	shalt  }
0x85: {  	_ =	shalt  }
0x86: {  	_ =	shalt  }
0x87: {  	_ =	shalt  }
.Lfunc_end0:
.L_simem_size_0:
called_computation.1_lowered:
.L_overlay_start_0:
0x88: {  	s2 =	sld [smem:$0x3FD9]  }
0x89: {  	s3 =	sld [smem:$0x3FFE];
	_ =	sdelay $0x1  }
0x8a: {  	s1 =	srdreg.scid  }
0x8b: {  	s0 =	sand.u32 $0x1, s1  }
0x8c: {  	s17 =	sshll.u32 s0, $0xA;
	s2 =	sadd.s32 s3, s2  }
0x8d: {  	s2 =	sadd.s32 s2, s17  }
0x8e: {  	[smem:$0x3FB8] =	sst s2  }
0x8f: {  	_ = 	snop  }
0x90: {  	(tm) =	ssettm $0x1  }
0x91: {  	s18 =	sld [smem:$0x3FFB];
	_ =	sdelay $0x3  }
0x92: {  	_ =	strace s18  }
0x93: {  	s2 =	sld [smem:$0x3FFC];
	_ =	sdelay $0x3  }
0x94: {  	_ =	strace s2  }
0x95: {  	s2 =	sld [smem:$0x3FFD];
	_ =	sdelay $0x3  }
0x96: {  	_ =	strace s2  }
0x97: {  	_ =	strace $0x8FFFFFFF  }
0x98: {  	s19 =	sld [smem:$0x3FDB];
	_ =	sdelay $0x1  }
0x99: {  	s20 =	simm.s32 $_scs_section_size  }
0x9a: {  	s4 =	simm.s32 $_size__tile_overlayer_lowered;
	s5 =	simm.s32 $_tile_overlayer_lowered  }
0x9b: {  	s6 =	simm.s32 $0x1BFF;
	s21 =	sshll.u32 s5, $0x1;
	s3 =	sadd.s32 s20, s19  }
0x9c: {  	s22 =	simm.s32 $0x0;
	s4 =	sshll.u32 s4, $0x1;
	s5 =	sadd.s32 s21, s3  }
0x9d: {  	[timem:s22], [sflag:s6] =	dma.local [hbm:s5], s4  }
0x9e: {  	_ =	swait.ge [sflag:s6], s4  }
0x9f: {  	s4 =	ssub.s32 $0x0, s4;
	[sflag:s6] =	ssyncset.done $0x0  }
0xa0: {  	[sflag:s6] =	ssyncadd.s32 s4;
	_ =	sdelay $0x1  }
0xa1: {  	s23 =	simm.s32 $0x1B8B  }
0xa2: {  	_ =	swait.ge [sflag:s23], $0x1  }
0xa3: {  	[sflag:s23] =	ssyncset.done $0x0  }
0xa4: {  	[sflag:s23] =	ssyncadd.s32 $0xFFFFFFFF  }
0xa5: {  	s4 =	sld [smem:$0x0]  }
0xa6: {  	s5 =	sand.u32 $0xFFFFFFFE, s1  }
0xa7: {  	p0 =	sne.s32 s1, s5  }
0xa8: {  	s5 =	sshll.u32 @p0 s5, $0xE  }
0xa9: {  	s5 =	sadd.s32 @p0 $0x11B8D, s5;
	s6 =	sshll.u32 @p0 s4, $0x11  }
0xaa: {  	s5 =	sor.u32 @p0 s6, s5  }
0xab: {  	[sflag:s5] =	ssyncadd.remote.s32 @p0 $0x1;
	_ =	sdelay $0x1  }
0xac: {  	s5 =	simm.s32 @p0 $0x1B8D  }
0xad: {  	_ =	swait.eq @p0 [sflag:s5], $0x1  }
0xae: {  	[sflag:s5] =	ssyncadd.s32 @p0 $0xFFFFFFFF  }
0xaf: {  	s6 =	sshll.u32 @!p0 s1, $0xE  }
0xb0: {  	s6 =	sor.u32 @!p0 $0x4000, s6;
	s5 =	simm.s32 @!p0 $0x1B8D  }
0xb1: {  	s4 =	sshll.u32 @!p0 s4, $0x11;
	s6 =	sadd.s32 @!p0 $0x11B8D, s6;
	_ =	swait.eq @!p0 [sflag:s5], $0x1  }
0xb2: {  	s4 =	sor.u32 @!p0 s4, s6;
	[sflag:s5] =	ssyncadd.s32 @!p0 $0xFFFFFFFF  }
0xb3: {  	s25 =	simm.s32 $0x1B8E;
	s24 =	sld [smem:$0x3FFE];
	[sflag:s4] =	ssyncadd.remote.s32 @!p0 $0x1  }
0xb4: {  	s26 =	simm.s32 $execute0_lowered;
	[smem:$0x3FD2] =	sst s25  }
0xb5: {  	s5 =	sshll.u32 s26, $0x1;
	_ =	strace $0x80000049;
	[dreg:$0x1] =	wrdreg $0xFFFFFFFF  }
0xb6: {  	s28 =	simm.s32 $_size_execute0_lowered;
	s3 =	sadd.s32 s3, s5;
	[dreg:$0x0] =	wrdreg $0x0  }
0xb7: {  	s5 =	sshll.u32 s28, $0x1;
	[dreg:$0x2] =	wrdreg s3  }
0xb8: {  	[dreg:$0x3] =	wrdreg s5  }
0xb9: {  	[dreg:$0x4] =	wrdreg $0xC0  }
0xba: {  	_ =	task [dreg:s22], $0x5FFFF  }
0xbb: {  	[dreg:$0x1] =	wrdreg $0xFFFFFFFF  }
0xbc: {  	[dreg:$0x0] =	wrdreg $0x60  }
0xbd: {  	[dreg:$0x2] =	wrdreg s24  }
0xbe: {  	[dreg:$0x3] =	wrdreg $0x0  }
0xbf: {  	[dreg:$0x4] =	wrdreg $0xA  }
0xc0: {  	_ =	task.clear_ibuf [dreg:s22], $0x5FFFF;
	_ =	strace $0x90000049  }
0xc1: {  	s29 =	simm.s32 $0xA;
	_ =	strace $0x8000004B  }
0xc2: {  	_ =	swait.ge [sflag:s29], $0x1  }
0xc3: {  	[sflag:s29] =	ssyncadd.s32 $0xFFFFFFFF  }
0xc4: {  	_ =	strace $0x9000004B  }
0xc5: {  	_ =	sfence  }
0xc6: {  	s30 =	sld [smem:$0x0];
	_ =	sdelay $0x2  }
0xc7: {  	s31 =	sshll.u32 s1, $0xD;
	s1 =	sshrl.u32 s1, $0x2  }
0xc8: {  	s4 =	sand.u32 $0x4000, s31;
	s1 =	sadd.s32 s1, s30  }
0xc9: {  	s0 =	sor.u32 s4, s0;
	s1 =	sshll.u32 s1, $0x11  }
0xca: {  	s0 =	sor.u32 s1, s0  }
0xcb: {  	s0 =	sadd.s32 $0x8F2B, s0  }
0xcc: {  	[sflag:s0] =	ssyncadd.remote.s32 $0x1  }
0xcd: {  	_ =	sfence.sel $0xFFFF  }
0xce: {  	[dreg:$0x0] =	wrdreg $0xFFFFFFFF;
	(pc) =	sbr.abs _section_cstart, $3  }
0xcf: {  	[dreg:$0x1] =	wrdreg $0xFFFFFFFF  }
0xd0: {  	_ =	task.clear_ibuf [dreg:s22], $0x2FFFF;
	_ =	strace $0x9FFFFFFF  }
0xd1: {  	(tm) =	ssettm $0x7FFFFFFF  }
tec
execute0_lowered:
.L_overlay_start_1:
0x0: {  	(tag) =	ssettag $0x1  }
0x1: {  	s0 =	rddreg [dreg:$0x0]  }
0x2: {  	s1 =	rddreg [dreg:$0x1]  }
0x3: {  	s3 =	simm.s32 $0x0;
	s2 =	srdreg.scid;
	s18 =	stileid.u32  }
0x4: {  	s28 =	simm.s32 $0x2;
	s29 =	simm.s32 $0x14F80;
	s30 =	simm.s32 $0x16300  }
0x5: {  	s31 =	simm.s32 $0x16380;
	[smem:$0x7FF] =	sst s3;
	s4 =	sadd.s32 $0x21E00, s0  }
0x6: {  	s2 =	sand.u32 $0x1, s2;
	s5 =	smul.u32 $0x4F000, s18;
	s10 =	sadd.s32 $0x4000, s0  }
0x7: {  	s11 =	smul.u32 $0x13C00, s18;
	s19 =	sadd.s32 $0xE000, s0;
	s0 =	sadd.s32 $0x49000, s0  }
0x8: {  	_ =	strace $0x8000004A;
	s6 =	ssub.s32 $0x2, s2;
	s17 =	smul.u32 $0x13C000, s2  }
0x9: {  	s2 =	sshll.u32 s2, $0x4;
	s7 =	sshrl.u32 s6, $0x1;
	s5 =	sshrl.u32 s5, $0x2  }
0xa: {  	s12 =	sadd.s32 $0x4000, s11;
	s13 =	sadd.s32 $0x8000, s11;
	s14 =	sadd.s32 $0xC000, s11  }
0xb: {  	s16 =	sadd.s32 $0x10000, s11;
	s2 =	sor.u32 s18, s2;
	s15 =	ssub.s32 s6, s7  }
0xc: {  	s5 =	sadd.s32 s5, s1;
	s6 =	sadd.s32 s12, s1;
	s7 =	sadd.s32 s13, s1  }
0xd: {  	s8 =	sadd.s32 s14, s1;
	s9 =	sadd.s32 s16, s1;
	s11 =	sadd.s32 s11, s17  }
0xe: {  	s12 =	sadd.s32 s17, s12;
	s21 =	sadd.s32 s17, s13;
	s22 =	sadd.s32 s17, s14  }
0xf: {  	s23 =	sadd.s32 s17, s16;
	s2 =	smul.u32 $0x500, s2;
	s11 =	sshrl.u32 s11, $0x3  }
0x10: {  	s12 =	sshrl.u32 s12, $0x3;
	s13 =	sshrl.u32 s22, $0x3;
	s14 =	sshrl.u32 s23, $0x3  }
0x11: {  	s15 =	smax.u32 s15, $0x1;
	s22 =	simm.s32 $0x13C00;
	s23 =	simm.s32 $0x15000  }
0x12: {  	s11 =	sadd.s32 s0, s11;
	s20 =	sadd.s32 s0, s12;
	s12 =	sshrl.u32 s21, $0x3  }
0x13: {  	s25 =	sadd.s32 s0, s13;
	s14 =	sadd.s32 s0, s14;
	s16 =	sadd.s32 s10, s2  }
0x14: {  	s26 =	sadd.s32 $0x280, s2;
	s17 =	sadd.s32 s19, s2;
	[dreg:$0x3] =	wrdreg s11  }
0x15: {  	s21 =	simm.s32 $0x3;
	[dreg:$0x4] =	wrdreg s20;
	s24 =	sadd.s32 s0, s12  }
0x16: {  	[dreg:$0x6] =	wrdreg s25;
	s18 =	sadd.s32 s10, s26;
	s19 =	sadd.s32 s19, s26  }
0x17: {  	s20 =	simm.s32 $0x16400;
	s25 =	simm.s32 $0x1A400;
	s26 =	simm.s32 $0x1  }
0x18: {  	v0 =	vimm.f32 $0.0e+00;
	s0 =	simm.s32 $0x0;
	[dreg:$0x5] =	wrdreg s24;
	s24 =	simm.s32 $0x80  }
.LBB2_1:
0x19: {  	s2 =	simm.s32 $0x0;
	s10 =	simm.s32 $0x200  }
.LBB2_2:
0x1a: {  	p0 =	sne.s32 s10, $0xFE00;
	[tilespmem:s2+$0x16470] =	vst v0  }
0x1b: {  	[tilespmem:s2+$0x16400] =	vst v0  }
0x1c: {  	[tilespmem:s2+$0x16410] =	vst v0  }
.Ltmp0:
0x1d: {  	[tilespmem:s2+$0x16420] =	vst v0;
	(pc) =	sbr.rel @p0 .LBB2_2-.Ltmp0, $4  }
0x1e: {  	[tilespmem:s2+$0x16430] =	vst v0  }
0x1f: {  	[tilespmem:s2+$0x16440] =	vst v0  }
0x20: {  	[tilespmem:s2+$0x16450] =	vst v0  }
0x21: {  	[tilespmem:s2+$0x16460] =	vst v0;
	s2 =	sshra.s32 s10, $0x2;
	s10 =	sadd.s32 $0x200, s10  }
0x22: {  	[tilespmem:s2+$0x16470] =	vst v0  }
0x23: {  	[tilespmem:s2+$0x16400] =	vst v0  }
0x24: {  	[tilespmem:s2+$0x16410] =	vst v0  }
0x25: {  	[tilespmem:s2+$0x16420] =	vst v0  }
0x26: {  	[tilespmem:s2+$0x16430] =	vst v0  }
0x27: {  	[tilespmem:s2+$0x16440] =	vst v0  }
0x28: {  	[tilespmem:s2+$0x16450] =	vst v0  }
0x29: {  	[tilespmem:s2+$0x16460] =	vst v0  }
0x2a: {  	[spmem:s5] =	stream.linear.scatter [tilespmem:s20], [sflag:$0x3], $0x4000, $0x38;
	[tilespmem:$0x1E400] =	vst v63  }
0x2b: {  	_ =	swait.ge [sflag:s21], $0x4000  }
0x2c: {  	[sflag:s21] =	ssyncset.done $0x0  }
0x2d: {  	[sflag:s21] =	ssyncadd.s32 $0xFFFFC000  }
0x2e: {  	[spmem:s6] =	stream.linear.scatter [tilespmem:s20], [sflag:$0x3], $0x4000, $0x38;
	[tilespmem:$0x1E400] =	vst v63  }
0x2f: {  	_ =	swait.ge [sflag:s21], $0x4000  }
0x30: {  	[sflag:s21] =	ssyncset.done $0x0  }
0x31: {  	[sflag:s21] =	ssyncadd.s32 $0xFFFFC000  }
0x32: {  	[spmem:s7] =	stream.linear.scatter [tilespmem:s20], [sflag:$0x3], $0x4000, $0x38;
	[tilespmem:$0x1E400] =	vst v63  }
0x33: {  	_ =	swait.ge [sflag:s21], $0x4000  }
0x34: {  	[sflag:s21] =	ssyncset.done $0x0  }
0x35: {  	[sflag:s21] =	ssyncadd.s32 $0xFFFFC000  }
0x36: {  	[spmem:s8] =	stream.linear.scatter [tilespmem:s20], [sflag:$0x3], $0x4000, $0x38;
	[tilespmem:$0x1E400] =	vst v63  }
0x37: {  	_ =	swait.ge [sflag:s21], $0x4000  }
0x38: {  	[sflag:s21] =	ssyncset.done $0x0  }
0x39: {  	[sflag:s21] =	ssyncadd.s32 $0xFFFFC000  }
0x3a: {  	[spmem:s9] =	stream.linear.scatter [tilespmem:s20], [sflag:$0x3], $0x3C00, $0x38;
	[tilespmem:$0x1E400] =	vst v63  }
0x3b: {  	_ =	swait.ge [sflag:s21], $0x3C00  }
0x3c: {  	[sflag:s21] =	ssyncset.done $0x0  }
0x3d: {  	[sflag:s21] =	ssyncadd.s32 $0xFFFFC400  }
0x3e: {  	s13 =	simm.s32 $0x0;
	[bflag:$0x0] =	sbarrier.arrive $0xFFFF  }
0x3f: {  	[tilespmem:s22], [sflag:$0x3] =	stream.linear.gather [hbm4b:s16+s13], $0x1400, $0x38;
	[tilespmem:$0x1E400] =	vst v63  }
0x40: {  	_ =	swait.ge [sflag:s21], $0x1400  }
0x41: {  	[sflag:s21] =	ssyncset.done $0x0  }
0x42: {  	[sflag:s21] =	ssyncadd.s32 $0xFFFFEC00  }
0x43: {  	[tilespmem:s23], [sflag:$0x3] =	stream.linear.gather [hbm4b:s17+s13], $0x1400, $0x38;
	[tilespmem:$0x1E400] =	vst v63  }
0x44: {  	_ =	swait.ge [sflag:s21], $0x1400  }
0x45: {  	[sflag:s21] =	ssyncset.done $0x0  }
0x46: {  	[sflag:s21] =	ssyncadd.s32 $0xFFFFEC00  }
0x47: {  	[tilespmem:s20], [sflag:$0x1] =	stream.indirect.gather [hbm4b:s4+s24], $0x80, s22, s24, $0xb8;
	[tilespmem:$0x1E400] =	vst v63  }
0x48: {  	s10 =	simm.s32 $0x13C80  }
0x49: {  	[tilespmem:s25], [sflag:$0x2] =	stream.indirect.gather [hbm4b:s4+s24], $0x80, s10, s24, $0xb8;
	[tilespmem:$0x1E400] =	vst v63  }
0x4a: {  	_ =	swait.ge [sflag:s26], $0x4000  }
0x4b: {  	[sflag:s26] =	ssyncset.done $0x0  }
0x4c: {  	s11 =	simm.s32 $0x15000;
	[sflag:s26] =	ssyncadd.s32 $0xFFFFC000  }
0x4d: {  	[spmem:s1] =	stream.indirect.scatter.add.f32 [tilespmem:s20], [sflag:$0x3], $0x80, s11, s24, $0xb8;
	[tilespmem:$0x1E400] =	vst v63  }
0x4e: {  	_ =	swait.ge [sflag:s21], $0x4000  }
0x4f: {  	[sflag:s21] =	ssyncset.done $0x0  }
0x50: {  	s12 =	simm.s32 $0x13D00;
	[sflag:s21] =	ssyncadd.s32 $0xFFFFC000  }
0x51: {  	[tilespmem:s20], [sflag:$0x1] =	stream.indirect.gather [hbm4b:s4+s24], $0x80, s12, s24, $0xb8;
	[tilespmem:$0x1E400] =	vst v63  }
0x52: {  	_ =	swait.ge [sflag:s28], $0x4000  }
0x53: {  	[sflag:s28] =	ssyncset.done $0x0  }
0x54: {  	s13 =	simm.s32 $0x15080;
	[sflag:s28] =	ssyncadd.s32 $0xFFFFC000  }
0x55: {  	[spmem:s1] =	stream.indirect.scatter.add.f32 [tilespmem:s25], [sflag:$0x3], $0x80, s13, s24, $0xb8;
	[tilespmem:$0x1E400] =	vst v63  }
0x56: {  	_ =	swait.ge [sflag:s21], $0x4000  }
0x57: {  	s2 =	simm.s32 $0x100;
	s10 =	simm.s32 $0x800;
	[sflag:s21] =	ssyncset.done $0x0  }
.LBB2_4:
0x58: {  	s11 =	sadd.s32 $0x13C80, s2  }
0x59: {  	[sflag:s21] =	ssyncadd.s32 $0xFFFFC000;
	s12 =	smov.u32 s10;
	s13 =	sadd.s32 $0x400, s10  }
0x5a: {  	[tilespmem:s25], [sflag:$0x2] =	stream.indirect.gather [hbm4b:s4+s24], $0x80, s11, s24, $0xb8;
	[tilespmem:$0x1E400] =	vst v63  }
0x5b: {  	p0 =	sne.s32 s10, $0x4800;
	_ =	swait.ge [sflag:s26], $0x4000  }
0x5c: {  	[sflag:s26] =	ssyncset.done $0x0  }
0x5d: {  	s10 =	sadd.s32 $0x15000, s2;
	[sflag:s26] =	ssyncadd.s32 $0xFFFFC000  }
0x5e: {  	[spmem:s1] =	stream.indirect.scatter.add.f32 [tilespmem:s20], [sflag:$0x3], $0x80, s10, s24, $0xb8;
	[tilespmem:$0x1E400] =	vst v63  }
0x5f: {  	_ =	swait.ge [sflag:s21], $0x4000  }
0x60: {  	[sflag:s21] =	ssyncset.done $0x0  }
0x61: {  	s10 =	sadd.s32 $0x13D00, s2;
	[sflag:s21] =	ssyncadd.s32 $0xFFFFC000  }
0x62: {  	[tilespmem:s20], [sflag:$0x1] =	stream.indirect.gather [hbm4b:s4+s24], $0x80, s10, s24, $0xb8;
	[tilespmem:$0x1E400] =	vst v63  }
0x63: {  	_ =	swait.ge [sflag:s28], $0x4000  }
.Ltmp1:
0x64: {  	[sflag:s28] =	ssyncset.done $0x0;
	(pc) =	sbr.rel @p0 .LBB2_4-.Ltmp1, $4  }
0x65: {  	s2 =	sadd.s32 $0x15080, s2;
	[sflag:s28] =	ssyncadd.s32 $0xFFFFC000  }
0x66: {  	[spmem:s1] =	stream.indirect.scatter.add.f32 [tilespmem:s25], [sflag:$0x3], $0x80, s2, s24, $0xb8;
	[tilespmem:$0x1E400] =	vst v63  }
0x67: {  	_ =	swait.ge [sflag:s21], $0x4000  }
0x68: {  	s10 =	smov.u32 s13;
	s2 =	sshra.s32 s12, $0x2;
	[sflag:s21] =	ssyncset.done $0x0  }
0x69: {  	s10 =	sadd.s32 $0x13C80, s2;
	[sflag:s21] =	ssyncadd.s32 $0xFFFFC000  }
0x6a: {  	[tilespmem:s25], [sflag:$0x2] =	stream.indirect.gather [hbm4b:s4+s24], $0x80, s10, s24, $0xb8;
	[tilespmem:$0x1E400] =	vst v63  }
0x6b: {  	_ =	swait.ge [sflag:s26], $0x4000  }
0x6c: {  	[sflag:s26] =	ssyncset.done $0x0  }
0x6d: {  	s13 =	sadd.s32 $0x15000, s2;
	[sflag:s26] =	ssyncadd.s32 $0xFFFFC000  }
0x6e: {  	[spmem:s1] =	stream.indirect.scatter.add.f32 [tilespmem:s20], [sflag:$0x3], $0x80, s13, s24, $0xb8;
	[tilespmem:$0x1E400] =	vst v63  }
0x6f: {  	_ =	swait.ge [sflag:s21], $0x4000  }
0x70: {  	[sflag:s21] =	ssyncset.done $0x0  }
0x71: {  	s11 =	sadd.s32 $0x13D00, s2;
	[sflag:s21] =	ssyncadd.s32 $0xFFFFC000  }
0x72: {  	[tilespmem:s20], [sflag:$0x1] =	stream.indirect.gather [hbm4b:s4+s24], $0x80, s11, s24, $0xb8;
	[tilespmem:$0x1E400] =	vst v63  }
0x73: {  	_ =	swait.ge [sflag:s28], $0x4000  }
0x74: {  	[sflag:s28] =	ssyncset.done $0x0  }
0x75: {  	s12 =	sadd.s32 $0x15080, s2;
	[sflag:s28] =	ssyncadd.s32 $0xFFFFC000  }
0x76: {  	[spmem:s1] =	stream.indirect.scatter.add.f32 [tilespmem:s25], [sflag:$0x3], $0x80, s12, s24, $0xb8;
	[tilespmem:$0x1E400] =	vst v63  }
0x77: {  	_ =	swait.ge [sflag:s21], $0x4000  }
0x78: {  	[sflag:s21] =	ssyncset.done $0x0  }
0x79: {  	[sflag:s21] =	ssyncadd.s32 $0xFFFFC000  }
0x7a: {  	[tilespmem:s25], [sflag:$0x2] =	stream.indirect.gather [hbm4b:s4+s24], $0x80, s29, s24, $0xb8;
	[tilespmem:$0x1E400] =	vst v63  }
0x7b: {  	_ =	swait.ge [sflag:s26], $0x4000  }
0x7c: {  	[sflag:s26] =	ssyncset.done $0x0  }
0x7d: {  	[sflag:s26] =	ssyncadd.s32 $0xFFFFC000  }
0x7e: {  	[spmem:s1] =	stream.indirect.scatter.add.f32 [tilespmem:s20], [sflag:$0x3], $0x80, s30, s24, $0xb8;
	[tilespmem:$0x1E400] =	vst v63  }
0x7f: {  	_ =	swait.ge [sflag:s21], $0x4000  }
0x80: {  	[sflag:s21] =	ssyncset.done $0x0  }
0x81: {  	[sflag:s21] =	ssyncadd.s32 $0xFFFFC000  }
0x82: {  	_ =	swait.ge [sflag:s28], $0x4000  }
0x83: {  	[sflag:s28] =	ssyncset.done $0x0  }
0x84: {  	[sflag:s28] =	ssyncadd.s32 $0xFFFFC000  }
0x85: {  	[spmem:s1] =	stream.indirect.scatter.add.f32 [tilespmem:s25], [sflag:$0x3], $0x80, s31, s24, $0xb8;
	[tilespmem:$0x1E400] =	vst v63  }
0x86: {  	_ =	swait.ge [sflag:s21], $0x4000  }
0x87: {  	[sflag:s21] =	ssyncset.done $0x0  }
0x88: {  	s13 =	simm.s32 $0x0;
	[sflag:s21] =	ssyncadd.s32 $0xFFFFC000  }
0x89: {  	[tilespmem:s22], [sflag:$0x3] =	stream.linear.gather [hbm4b:s18+s13], $0x1400, $0x38;
	[tilespmem:$0x1E400] =	vst v63  }
0x8a: {  	_ =	swait.ge [sflag:s21], $0x1400  }
0x8b: {  	[sflag:s21] =	ssyncset.done $0x0  }
0x8c: {  	[sflag:s21] =	ssyncadd.s32 $0xFFFFEC00  }
0x8d: {  	[tilespmem:s23], [sflag:$0x3] =	stream.linear.gather [hbm4b:s19+s13], $0x1400, $0x38;
	[tilespmem:$0x1E400] =	vst v63  }
0x8e: {  	_ =	swait.ge [sflag:s21], $0x1400  }
0x8f: {  	[sflag:s21] =	ssyncset.done $0x0  }
0x90: {  	[sflag:s21] =	ssyncadd.s32 $0xFFFFEC00  }
0x91: {  	[tilespmem:s20], [sflag:$0x1] =	stream.indirect.gather [hbm4b:s4+s24], $0x80, s22, s24, $0xb8;
	[tilespmem:$0x1E400] =	vst v63  }
0x92: {  	s10 =	simm.s32 $0x13C80  }
0x93: {  	[tilespmem:s25], [sflag:$0x2] =	stream.indirect.gather [hbm4b:s4+s24], $0x80, s10, s24, $0xb8;
	[tilespmem:$0x1E400] =	vst v63  }
0x94: {  	_ =	swait.ge [sflag:s26], $0x4000  }
0x95: {  	[sflag:s26] =	ssyncset.done $0x0  }
0x96: {  	s11 =	simm.s32 $0x15000;
	[sflag:s26] =	ssyncadd.s32 $0xFFFFC000  }
0x97: {  	[spmem:s1] =	stream.indirect.scatter.add.f32 [tilespmem:s20], [sflag:$0x3], $0x80, s11, s24, $0xb8;
	[tilespmem:$0x1E400] =	vst v63  }
0x98: {  	_ =	swait.ge [sflag:s21], $0x4000  }
0x99: {  	[sflag:s21] =	ssyncset.done $0x0  }
0x9a: {  	s12 =	simm.s32 $0x13D00;
	[sflag:s21] =	ssyncadd.s32 $0xFFFFC000  }
0x9b: {  	[tilespmem:s20], [sflag:$0x1] =	stream.indirect.gather [hbm4b:s4+s24], $0x80, s12, s24, $0xb8;
	[tilespmem:$0x1E400] =	vst v63  }
0x9c: {  	_ =	swait.ge [sflag:s28], $0x4000  }
0x9d: {  	[sflag:s28] =	ssyncset.done $0x0  }
0x9e: {  	s13 =	simm.s32 $0x15080;
	[sflag:s28] =	ssyncadd.s32 $0xFFFFC000  }
0x9f: {  	[spmem:s1] =	stream.indirect.scatter.add.f32 [tilespmem:s25], [sflag:$0x3], $0x80, s13, s24, $0xb8;
	[tilespmem:$0x1E400] =	vst v63  }
0xa0: {  	_ =	swait.ge [sflag:s21], $0x4000  }
0xa1: {  	s2 =	simm.s32 $0x100;
	s10 =	simm.s32 $0x800;
	[sflag:s21] =	ssyncset.done $0x0  }
.LBB2_6:
0xa2: {  	s11 =	sadd.s32 $0x13C80, s2  }
0xa3: {  	[sflag:s21] =	ssyncadd.s32 $0xFFFFC000;
	s12 =	smov.u32 s10;
	s13 =	sadd.s32 $0x400, s10  }
0xa4: {  	[tilespmem:s25], [sflag:$0x2] =	stream.indirect.gather [hbm4b:s4+s24], $0x80, s11, s24, $0xb8;
	[tilespmem:$0x1E400] =	vst v63  }
0xa5: {  	p0 =	sne.s32 s10, $0x4800;
	_ =	swait.ge [sflag:s26], $0x4000  }
0xa6: {  	[sflag:s26] =	ssyncset.done $0x0  }
0xa7: {  	s10 =	sadd.s32 $0x15000, s2;
	[sflag:s26] =	ssyncadd.s32 $0xFFFFC000  }
0xa8: {  	[spmem:s1] =	stream.indirect.scatter.add.f32 [tilespmem:s20], [sflag:$0x3], $0x80, s10, s24, $0xb8;
	[tilespmem:$0x1E400] =	vst v63  }
0xa9: {  	_ =	swait.ge [sflag:s21], $0x4000  }
0xaa: {  	[sflag:s21] =	ssyncset.done $0x0  }
0xab: {  	s10 =	sadd.s32 $0x13D00, s2;
	[sflag:s21] =	ssyncadd.s32 $0xFFFFC000  }
0xac: {  	[tilespmem:s20], [sflag:$0x1] =	stream.indirect.gather [hbm4b:s4+s24], $0x80, s10, s24, $0xb8;
	[tilespmem:$0x1E400] =	vst v63  }
0xad: {  	_ =	swait.ge [sflag:s28], $0x4000  }
.Ltmp2:
0xae: {  	[sflag:s28] =	ssyncset.done $0x0;
	(pc) =	sbr.rel @p0 .LBB2_6-.Ltmp2, $4  }
0xaf: {  	s2 =	sadd.s32 $0x15080, s2;
	[sflag:s28] =	ssyncadd.s32 $0xFFFFC000  }
0xb0: {  	[spmem:s1] =	stream.indirect.scatter.add.f32 [tilespmem:s25], [sflag:$0x3], $0x80, s2, s24, $0xb8;
	[tilespmem:$0x1E400] =	vst v63  }
0xb1: {  	_ =	swait.ge [sflag:s21], $0x4000  }
0xb2: {  	s10 =	smov.u32 s13;
	s2 =	sshra.s32 s12, $0x2;
	[sflag:s21] =	ssyncset.done $0x0  }
0xb3: {  	s10 =	sadd.s32 $0x13C80, s2;
	[sflag:s21] =	ssyncadd.s32 $0xFFFFC000  }
0xb4: {  	[tilespmem:s25], [sflag:$0x2] =	stream.indirect.gather [hbm4b:s4+s24], $0x80, s10, s24, $0xb8;
	[tilespmem:$0x1E400] =	vst v63  }
0xb5: {  	_ =	swait.ge [sflag:s26], $0x4000  }
0xb6: {  	[sflag:s26] =	ssyncset.done $0x0  }
0xb7: {  	s11 =	sadd.s32 $0x15000, s2;
	[sflag:s26] =	ssyncadd.s32 $0xFFFFC000  }
0xb8: {  	[spmem:s1] =	stream.indirect.scatter.add.f32 [tilespmem:s20], [sflag:$0x3], $0x80, s11, s24, $0xb8;
	[tilespmem:$0x1E400] =	vst v63  }
0xb9: {  	_ =	swait.ge [sflag:s21], $0x4000  }
0xba: {  	[sflag:s21] =	ssyncset.done $0x0  }
0xbb: {  	s12 =	sadd.s32 $0x13D00, s2;
	[sflag:s21] =	ssyncadd.s32 $0xFFFFC000  }
0xbc: {  	[tilespmem:s20], [sflag:$0x1] =	stream.indirect.gather [hbm4b:s4+s24], $0x80, s12, s24, $0xb8;
	[tilespmem:$0x1E400] =	vst v63  }
0xbd: {  	_ =	swait.ge [sflag:s28], $0x4000  }
0xbe: {  	[sflag:s28] =	ssyncset.done $0x0  }
0xbf: {  	s13 =	sadd.s32 $0x15080, s2;
	[sflag:s28] =	ssyncadd.s32 $0xFFFFC000  }
0xc0: {  	[spmem:s1] =	stream.indirect.scatter.add.f32 [tilespmem:s25], [sflag:$0x3], $0x80, s13, s24, $0xb8;
	[tilespmem:$0x1E400] =	vst v63  }
0xc1: {  	_ =	swait.ge [sflag:s21], $0x4000  }
0xc2: {  	[sflag:s21] =	ssyncset.done $0x0  }
0xc3: {  	[sflag:s21] =	ssyncadd.s32 $0xFFFFC000  }
0xc4: {  	[tilespmem:s25], [sflag:$0x2] =	stream.indirect.gather [hbm4b:s4+s24], $0x80, s29, s24, $0xb8;
	[tilespmem:$0x1E400] =	vst v63  }
0xc5: {  	_ =	swait.ge [sflag:s26], $0x4000  }
0xc6: {  	[sflag:s26] =	ssyncset.done $0x0  }
0xc7: {  	[sflag:s26] =	ssyncadd.s32 $0xFFFFC000  }
0xc8: {  	[spmem:s1] =	stream.indirect.scatter.add.f32 [tilespmem:s20], [sflag:$0x3], $0x80, s30, s24, $0xb8;
	[tilespmem:$0x1E400] =	vst v63  }
0xc9: {  	_ =	swait.ge [sflag:s21], $0x4000  }
0xca: {  	[sflag:s21] =	ssyncset.done $0x0  }
0xcb: {  	[sflag:s21] =	ssyncadd.s32 $0xFFFFC000  }
0xcc: {  	_ =	swait.ge [sflag:s28], $0x4000  }
0xcd: {  	[sflag:s28] =	ssyncset.done $0x0  }
0xce: {  	[sflag:s28] =	ssyncadd.s32 $0xFFFFC000  }
0xcf: {  	[spmem:s1] =	stream.indirect.scatter.add.f32 [tilespmem:s25], [sflag:$0x3], $0x80, s31, s24, $0xb8;
	[tilespmem:$0x1E400] =	vst v63  }
0xd0: {  	_ =	swait.ge [sflag:s21], $0x4000  }
0xd1: {  	[sflag:s21] =	ssyncset.done $0x0  }
0xd2: {  	[sflag:s21] =	ssyncadd.s32 $0xFFFFC000  }
0xd3: {  	[bflag:$0x0] =	sbarrier.arrive $0xFFFF  }
0xd4: {  	[tilespmem:s20], [sflag:$0x3] =	stream.linear.gather [spmem:s5], $0x4000, $0x38;
	[tilespmem:$0x1E400] =	vst v63  }
0xd5: {  	_ =	swait.ge [sflag:s21], $0x4000  }
0xd6: {  	[sflag:s21] =	ssyncset.done $0x0  }
0xd7: {  	s10 =	rddreg [dreg:$0x3];
	[sflag:s21] =	ssyncadd.s32 $0xFFFFC000  }
0xd8: {  	[hbm4b:s10+s3] =	stream.linear.scatter [tilespmem:s20], [sflag:$0x3], $0x4000, $0x38;
	[tilespmem:$0x1E400] =	vst v63  }
0xd9: {  	_ =	swait.ge [sflag:s21], $0x4000  }
0xda: {  	[sflag:s21] =	ssyncset.done $0x0  }
0xdb: {  	[sflag:s21] =	ssyncadd.s32 $0xFFFFC000  }
0xdc: {  	[tilespmem:s20], [sflag:$0x3] =	stream.linear.gather [spmem:s6], $0x4000, $0x38;
	[tilespmem:$0x1E400] =	vst v63  }
0xdd: {  	_ =	swait.ge [sflag:s21], $0x4000  }
0xde: {  	[sflag:s21] =	ssyncset.done $0x0  }
0xdf: {  	s11 =	rddreg [dreg:$0x4];
	[sflag:s21] =	ssyncadd.s32 $0xFFFFC000  }
0xe0: {  	[hbm4b:s11+s3] =	stream.linear.scatter [tilespmem:s20], [sflag:$0x3], $0x4000, $0x38;
	[tilespmem:$0x1E400] =	vst v63  }
0xe1: {  	_ =	swait.ge [sflag:s21], $0x4000  }
0xe2: {  	[sflag:s21] =	ssyncset.done $0x0  }
0xe3: {  	[sflag:s21] =	ssyncadd.s32 $0xFFFFC000  }
0xe4: {  	[tilespmem:s20], [sflag:$0x3] =	stream.linear.gather [spmem:s7], $0x4000, $0x38;
	[tilespmem:$0x1E400] =	vst v63  }
0xe5: {  	_ =	swait.ge [sflag:s21], $0x4000  }
0xe6: {  	[sflag:s21] =	ssyncset.done $0x0  }
0xe7: {  	s12 =	rddreg [dreg:$0x5];
	[sflag:s21] =	ssyncadd.s32 $0xFFFFC000  }
0xe8: {  	[hbm4b:s12+s3] =	stream.linear.scatter [tilespmem:s20], [sflag:$0x3], $0x4000, $0x38;
	[tilespmem:$0x1E400] =	vst v63  }
0xe9: {  	_ =	swait.ge [sflag:s21], $0x4000  }
0xea: {  	[sflag:s21] =	ssyncset.done $0x0  }
0xeb: {  	[sflag:s21] =	ssyncadd.s32 $0xFFFFC000  }
0xec: {  	[tilespmem:s20], [sflag:$0x3] =	stream.linear.gather [spmem:s8], $0x4000, $0x38;
	[tilespmem:$0x1E400] =	vst v63  }
0xed: {  	_ =	swait.ge [sflag:s21], $0x4000  }
0xee: {  	[sflag:s21] =	ssyncset.done $0x0  }
0xef: {  	s13 =	rddreg [dreg:$0x6];
	[sflag:s21] =	ssyncadd.s32 $0xFFFFC000  }
0xf0: {  	[hbm4b:s13+s3] =	stream.linear.scatter [tilespmem:s20], [sflag:$0x3], $0x4000, $0x38;
	[tilespmem:$0x1E400] =	vst v63  }
0xf1: {  	_ =	swait.ge [sflag:s21], $0x4000  }
0xf2: {  	[sflag:s21] =	ssyncset.done $0x0  }
0xf3: {  	[sflag:s21] =	ssyncadd.s32 $0xFFFFC000  }
0xf4: {  	[tilespmem:s20], [sflag:$0x3] =	stream.linear.gather [spmem:s9], $0x3C00, $0x38;
	[tilespmem:$0x1E400] =	vst v63  }
0xf5: {  	s0 =	sadd.s32 $0x1, s0;
	_ =	swait.ge [sflag:s21], $0x3C00  }
0xf6: {  	p0 =	sne.s32 s0, s15;
	[sflag:s21] =	ssyncset.done $0x0  }
.Ltmp3:
0xf7: {  	[sflag:s21] =	ssyncadd.s32 $0xFFFFC400;
	(pc) =	sbr.rel @p0 .LBB2_1-.Ltmp3, $4  }
0xf8: {  	[hbm4b:s14+s3] =	stream.linear.scatter [tilespmem:s20], [sflag:$0x3], $0x3C00, $0x38;
	[tilespmem:$0x1E400] =	vst v63  }
0xf9: {  	_ =	swait.ge [sflag:s21], $0x3C00  }
0xfa: {  	[sflag:s21] =	ssyncset.done $0x0  }
0xfb: {  	[sflag:s21] =	ssyncadd.s32 $0xFFFFC400  }
0xfc: {  	_ =	sfence.sel $0x180000  }
0xfd: {  	[bflag:$0x0] =	sbarrier.arrive $0xFFFF  }
0xfe: {  	_ =	strace $0x9000004A  }
0xff: {  	s0 =	stileid.u32;
	[bflag:$0x2] =	sbarrier.arrive $0xFFFF  }
0x100: {  	p0 =	sne.s32 s0, $0x0;
	s0 =	rddreg [dreg:$0x2]  }
0x101: {  	s0 =	sadd.s32 @!p0 $0x100000, s0  }
0x102: {  	[sflag:s0] =	ssyncadd.tile.s32 @!p0 $0x1;
	_ =	shalt  }
.Lfunc_end2:
_tile_overlayer_lowered:
.L_overlay_start_2:
0x103: {  	(tag) =	ssettag $0x2  }
0x104: {  	s0 =	rddreg [dreg:$0x0];
	s2 =	stileid.u32  }
0x105: {  	s1 =	rddreg [dreg:$0x1];
	p0 =	sne.s32 s2, $0x0  }
0x106: {  	s3 =	rddreg [dreg:$0x2];
	[bflag:$0x3] =	sbarrier.arrive $0xFFFF;
	s2 =	simm.s32 @!p0 $0x1C03  }
0x107: {  	[timem:s3], [sflag:s2] =	dma.local @!p0 [hbm:s0], s1  }
0x108: {  	s0 =	simm.s32 @!p0 $0x3  }
0x109: {  	_ =	swait.ge @!p0 [sflag:s0], s1  }
0x10a: {  	s1 =	ssub.s32 @!p0 $0x0, s1;
	[sflag:s0] =	ssyncset.done @!p0 $0x0  }
0x10b: {  	[sflag:s0] =	ssyncadd.s32 @!p0 s1  }
0x10c: {  	[bflag:$0x3] =	sbarrier.arrive $0xFFFF  }
0x10d: {  	_ =	shalt  }

// kernel: kernel.16.cloned.1.call-start
scs
__scs_entry_jumppad:
0x0: {  	(pc) =	sbr.rel $0x88, $3  }
0x1: {  	(tag) =	ssettag $0x0;
	lr =	simm.s32 $0x1  }
0x2: {  	[smem:$0x3F91] =	sst lr;
	_ =	strace $0xD0000000  }
0x3: {  	_ = 	snop  }
0x4: {  	_ = 	snop  }
0x5: {  	_ = 	snop  }
0x6: {  	_ = 	snop  }
0x7: {  	_ = 	snop  }
__scs_overlays_trampoline_lowered:
0x8: {  	[smem:$0x3FA0] =	sst s0  }
0x9: {  	[smem:$0x3FA1] =	sst s1  }
0xa: {  	[smem:$0x3FA2] =	sst s2  }
0xb: {  	[smem:$0x3FA3] =	sst s3  }
0xc: {  	[smem:$0x3FA4] =	sst s4  }
0xd: {  	[smem:$0x3FA5] =	sst s5  }
0xe: {  	[smem:$0x3FA6] =	sst s6  }
0xf: {  	[smem:$0x3FA7] =	sst s7  }
0x10: {  	[smem:$0x3FA8] =	sst s8  }
0x11: {  	[smem:$0x3FA9] =	sst s9;
	s0 =	simm.s32 @!p0 $0x0  }
0x12: {  	s1 =	sld [smem:$0x3F8F];
	s0 =	simm.s32 @p0 $0x1  }
0x13: {  	[smem:$0x3FAA] =	sst s0;
	s0 =	simm.s32 @!p1 $0x0  }
0x14: {  	s2 =	sld [smem:$0x3F8E];
	s0 =	simm.s32 @p1 $0x1  }
0x15: {  	[smem:$0x3FAB] =	sst s0;
	s0 =	simm.s32 @!p2 $0x0  }
0x16: {  	s3 =	sld [smem:$0x3FDB];
	s0 =	simm.s32 @p2 $0x1  }
0x17: {  	s4 =	simm.s32 $0x1BF5;
	[smem:$0x3FAD] =	sst s0  }
0x18: {  	s0 =	sld [smem:$0x3F90];
	_ =	swait.ge [sflag:s4], $0x0  }
0x19: {  	s7 =	sld [smem:$0x3F91]  }
0x1a: {  	s8 =	sadd.s32 $0xFFFFE003, lr  }
0x1b: {  	s9 =	sadd.s32 $0xFFFFFEF7, lr;
	s5 =	simm.s32 $0xFFFFFFFF;
	p2 =	slt.u32 s8, $0xFFFFF086  }
0x1c: {  	p1 =	slt.u32 s9, $0xF7A;
	s5 =	simm.s32 @!p2 $0x0  }
0x1d: {  	s5 =	simm.s32 @p1 $0x1;
	p0 =	seq.s32 s7, s2  }
0x1e: {  	s7 =	smul.u32 @!p0 $0xF7A, s2;
	p2 =	seq.s32 @!p0 s5, $0x0  }
0x1f: {  	s9 =	smul.u32 $0xF7A, s1;
	s8 =	simm.s32 @!p0 $0x1BF5;
	p2 =	por !p2, p0  }
0x20: {  	[sflag:s8] =	ssyncset.s32 @!p0 $0xFFFFF086;
	s6 =	sadd.s32 @!p0 s3, s7;
	s7 =	simm.s32 @!p0 $0x108  }
0x21: {  	s3 =	sadd.s32 s3, s9;
	s6 =	sadd.s32 @!p0 $0x88, s6;
	s7 =	simm.s32 @p2 $0x1082  }
0x22: {  	[simem:s7], [sflag:s8] =	dma.local @!p0 [hbm:s6], $0xF7A  }
0x23: {  	s9 =	sor.u32 $0xD0000000, s2;
	s6 =	simm.s32 $0x108;
	_ =	swait.ge @!p0 [sflag:s8], $0x0  }
0x24: {  	s3 =	sadd.s32 $0x88, s3;
	s6 =	simm.s32 @!p1 $0x1082;
	[sflag:s4] =	ssyncset.s32 $0xFFFFF086  }
0x25: {  	[simem:s6], [sflag:s4] =	dma.local [hbm:s3], $0xF7A  }
0x26: {  	[smem:$0x3F91] =	sst s1;
	(tag) =	ssettag s2;
	_ =	strace s9  }
0x27: {  	s1 =	sld [smem:$0x3FA1]  }
0x28: {  	s2 =	sld [smem:$0x3FA2]  }
0x29: {  	s4 =	sld [smem:$0x3FA4]  }
0x2a: {  	p0 =	seq.s32 s5, $0x0;
	s5 =	sld [smem:$0x3FA5]  }
0x2b: {  	s6 =	sld [smem:$0x3FA6]  }
0x2c: {  	s7 =	sld [smem:$0x3FA7]  }
0x2d: {  	s3 =	simm.s32 $0x108;
	s8 =	sld [smem:$0x3FA8]  }
0x2e: {  	s3 =	simm.s32 @!p0 $0x1082;
	s9 =	sld [smem:$0x3FA9]  }
0x2f: {  	lr =	sadd.s32 s0, s3;
	s0 =	sld [smem:$0x3FA0]  }
0x30: {  	s3 =	sld [smem:$0x3FA3]  }
0x31: {  	[smem:$0x3FAC] =	sst s10  }
0x32: {  	s10 =	sld [smem:$0x3FAA];
	_ =	sdelay $0x3  }
0x33: {  	p0 =	seq.s32 s10, $0x1;
	s10 =	sld [smem:$0x3FAC];
	_ =	sdelay $0x3  }
0x34: {  	[smem:$0x3FAC] =	sst s10  }
0x35: {  	s10 =	sld [smem:$0x3FAB];
	_ =	sdelay $0x3  }
0x36: {  	p1 =	seq.s32 s10, $0x1;
	s10 =	sld [smem:$0x3FAC];
	_ =	sdelay $0x3  }
0x37: {  	[smem:$0x3FAC] =	sst s10  }
0x38: {  	s10 =	sld [smem:$0x3FAD]  }
0x39: {  	_ = 	snop;
	(pc) =	sbr.ind lr, $3  }
0x3a: {  	_ = 	snop  }
0x3b: {  	_ = 	snop  }
0x3c: {  	p2 =	seq.s32 s10, $0x1;
	s10 =	sld [smem:$0x3FAC]  }
0x3d: {  	_ =	shalt  }
0x3e: {  	_ =	shalt  }
0x3f: {  	_ =	shalt  }
0x40: {  	_ =	shalt  }
0x41: {  	_ =	shalt  }
0x42: {  	_ =	shalt  }
0x43: {  	_ =	shalt  }
0x44: {  	_ =	shalt  }
0x45: {  	_ =	shalt  }
0x46: {  	_ =	shalt  }
0x47: {  	_ =	shalt  }
0x48: {  	_ =	shalt  }
0x49: {  	_ =	shalt  }
0x4a: {  	_ =	shalt  }
0x4b: {  	_ =	shalt  }
0x4c: {  	_ =	shalt  }
0x4d: {  	_ =	shalt  }
0x4e: {  	_ =	shalt  }
0x4f: {  	_ =	shalt  }
0x50: {  	_ =	shalt  }
0x51: {  	_ =	shalt  }
0x52: {  	_ =	shalt  }
0x53: {  	_ =	shalt  }
0x54: {  	_ =	shalt  }
0x55: {  	_ =	shalt  }
0x56: {  	_ =	shalt  }
0x57: {  	_ =	shalt  }
0x58: {  	_ =	shalt  }
0x59: {  	_ =	shalt  }
0x5a: {  	_ =	shalt  }
0x5b: {  	_ =	shalt  }
0x5c: {  	_ =	shalt  }
0x5d: {  	_ =	shalt  }
0x5e: {  	_ =	shalt  }
0x5f: {  	_ =	shalt  }
0x60: {  	_ =	shalt  }
0x61: {  	_ =	shalt  }
0x62: {  	_ =	shalt  }
0x63: {  	_ =	shalt  }
0x64: {  	_ =	shalt  }
0x65: {  	_ =	shalt  }
0x66: {  	_ =	shalt  }
0x67: {  	_ =	shalt  }
0x68: {  	_ =	shalt  }
0x69: {  	_ =	shalt  }
0x6a: {  	_ =	shalt  }
0x6b: {  	_ =	shalt  }
0x6c: {  	_ =	shalt  }
0x6d: {  	_ =	shalt  }
0x6e: {  	_ =	shalt  }
0x6f: {  	_ =	shalt  }
0x70: {  	_ =	shalt  }
0x71: {  	_ =	shalt  }
0x72: {  	_ =	shalt  }
0x73: {  	_ =	shalt  }
0x74: {  	_ =	shalt  }
0x75: {  	_ =	shalt  }
0x76: {  	_ =	shalt  }
0x77: {  	_ =	shalt  }
0x78: {  	_ =	shalt  }
0x79: {  	_ =	shalt  }
0x7a: {  	_ =	shalt  }
0x7b: {  	_ =	shalt  }
0x7c: {  	_ =	shalt  }
0x7d: {  	_ =	shalt  }
0x7e: {  	_ =	shalt  }
0x7f: {  	_ =	shalt  }
0x80: {  	_ =	shalt  }
0x81: {  	_ =	shalt  }
0x82: {  	_ =	shalt  }
0x83: {  	_ =	shalt  }
0x84: {  	_ =	shalt  }
0x85: {  	_ =	shalt  }
0x86: {  	_ =	shalt  }
0x87: {  	_ =	shalt  }
.Lfunc_end0:
.L_simem_size_0:
called_computation.2_lowered:
.L_overlay_start_0:
0x88: {  	s2 =	sld [smem:$0x3FD9]  }
0x89: {  	s3 =	sld [smem:$0x3FFE];
	_ =	sdelay $0x1  }
0x8a: {  	s1 =	srdreg.scid  }
0x8b: {  	s0 =	sand.u32 $0x1, s1  }
0x8c: {  	s16 =	sshll.u32 s0, $0xA;
	s2 =	sadd.s32 s3, s2  }
0x8d: {  	s2 =	sadd.s32 s2, s16  }
0x8e: {  	[smem:$0x3FB8] =	sst s2  }
0x8f: {  	_ = 	snop  }
0x90: {  	(tm) =	ssettm $0x1  }
0x91: {  	s17 =	sld [smem:$0x3FFB];
	_ =	sdelay $0x3  }
0x92: {  	_ =	strace s17  }
0x93: {  	s2 =	sld [smem:$0x3FFC];
	_ =	sdelay $0x3  }
0x94: {  	_ =	strace s2  }
0x95: {  	s2 =	sld [smem:$0x3FFD];
	_ =	sdelay $0x3  }
0x96: {  	_ =	strace s2  }
0x97: {  	_ =	strace $0x8FFFFFFF  }
0x98: {  	s18 =	sld [smem:$0x3FDB];
	_ =	sdelay $0x1  }
0x99: {  	s19 =	simm.s32 $_scs_section_size  }
0x9a: {  	s4 =	simm.s32 $_size__tile_overlayer_lowered;
	s5 =	simm.s32 $_tile_overlayer_lowered  }
0x9b: {  	s22 =	simm.s32 $0x1BFF;
	s21 =	sshll.u32 s5, $0x1;
	s2 =	sadd.s32 s19, s18  }
0x9c: {  	s6 =	simm.s32 $0x0;
	s20 =	sshll.u32 s4, $0x1;
	s4 =	sadd.s32 s21, s2  }
0x9d: {  	[timem:s6], [sflag:s22] =	dma.local [hbm:s4], s20  }
0x9e: {  	_ =	swait.ge [sflag:s22], s20  }
0x9f: {  	s3 =	ssub.s32 $0x0, s20;
	[sflag:s22] =	ssyncset.done $0x0  }
0xa0: {  	[sflag:s22] =	ssyncadd.s32 s3;
	_ =	sdelay $0x1  }
0xa1: {  	s23 =	simm.s32 $0x1B8B  }
0xa2: {  	_ =	swait.ge [sflag:s23], $0x1  }
0xa3: {  	[sflag:s23] =	ssyncset.done $0x0  }
0xa4: {  	s25 =	simm.s32 $0x1B8E;
	s24 =	sld [smem:$0x3FFE];
	[sflag:s23] =	ssyncadd.s32 $0xFFFFFFFF  }
0xa5: {  	s26 =	simm.s32 $execute0_lowered;
	[smem:$0x3FD2] =	sst s25  }
0xa6: {  	s4 =	sshll.u32 s26, $0x1;
	_ =	strace $0x8000004C;
	[dreg:$0x1] =	wrdreg $0xFFFFFFFF  }
0xa7: {  	s28 =	simm.s32 $_size_execute0_lowered;
	s2 =	sadd.s32 s2, s4;
	[dreg:$0x0] =	wrdreg $0x0  }
0xa8: {  	s4 =	sshll.u32 s28, $0x1;
	[dreg:$0x2] =	wrdreg s2  }
0xa9: {  	[dreg:$0x3] =	wrdreg s4  }
0xaa: {  	[dreg:$0x4] =	wrdreg $0xC0  }
0xab: {  	_ =	task [dreg:s6], $0x5FFFF  }
0xac: {  	[dreg:$0x1] =	wrdreg $0xFFFFFFFF  }
0xad: {  	[dreg:$0x0] =	wrdreg $0x60  }
0xae: {  	[dreg:$0x2] =	wrdreg s24  }
0xaf: {  	[dreg:$0x3] =	wrdreg $0x0  }
0xb0: {  	[dreg:$0x4] =	wrdreg $0x9  }
0xb1: {  	_ =	task.clear_ibuf [dreg:s6], $0x5FFFF;
	_ =	strace $0x9000004C  }
0xb2: {  	s29 =	simm.s32 $0x9;
	_ =	strace $0x8000004E  }
0xb3: {  	_ =	swait.ge [sflag:s29], $0x1  }
0xb4: {  	[sflag:s29] =	ssyncadd.s32 $0xFFFFFFFF  }
0xb5: {  	_ =	strace $0x9000004E  }
0xb6: {  	_ =	sfence  }
0xb7: {  	s30 =	sld [smem:$0x0];
	_ =	sdelay $0x2  }
0xb8: {  	s31 =	sshll.u32 s1, $0xD;
	s1 =	sshrl.u32 s1, $0x2  }
0xb9: {  	s3 =	sand.u32 $0x4000, s31;
	s1 =	sadd.s32 s1, s30  }
0xba: {  	s0 =	sor.u32 s3, s0;
	s1 =	sshll.u32 s1, $0x11  }
0xbb: {  	s0 =	sor.u32 s1, s0  }
0xbc: {  	s0 =	sadd.s32 $0x8F2B, s0  }
0xbd: {  	[sflag:s0] =	ssyncadd.remote.s32 $0x1  }
0xbe: {  	_ =	sfence.sel $0xFFFF  }
0xbf: {  	[dreg:$0x0] =	wrdreg $0xFFFFFFFF;
	(pc) =	sbr.abs _section_cstart, $3  }
0xc0: {  	[dreg:$0x1] =	wrdreg $0xFFFFFFFF  }
0xc1: {  	_ =	task.clear_ibuf [dreg:s6], $0x2FFFF;
	_ =	strace $0x9FFFFFFF  }
0xc2: {  	(tm) =	ssettm $0x7FFFFFFF  }
0xc3: {  	_ =	shalt  }
tec
execute0_lowered:
.L_overlay_start_1:
0x0: {  	(tag) =	ssettag $0x1  }
0x1: {  	s0 =	rddreg [dreg:$0x0]  }
0x2: {  	s1 =	rddreg [dreg:$0x1]  }
0x3: {  	s3 =	simm.s32 $0x0;
	s2 =	srdreg.scid;
	s18 =	stileid.u32  }
0x4: {  	s28 =	simm.s32 $0x2;
	s29 =	simm.s32 $0x14F80;
	s30 =	simm.s32 $0x16300  }
0x5: {  	s31 =	simm.s32 $0x16380;
	[smem:$0x7FF] =	sst s3;
	s4 =	sadd.s32 $0x18000, s0  }
0x6: {  	s2 =	sand.u32 $0x1, s2;
	s5 =	smul.u32 $0x4F000, s18;
	s10 =	sadd.s32 $0x4000, s0  }
0x7: {  	s11 =	smul.u32 $0x13C00, s18;
	s19 =	sadd.s32 $0xE000, s0;
	s0 =	sadd.s32 $0x3F200, s0  }
0x8: {  	_ =	strace $0x8000004D;
	s6 =	ssub.s32 $0x2, s2;
	s17 =	smul.u32 $0x13C000, s2  }
0x9: {  	s2 =	sshll.u32 s2, $0x4;
	s7 =	sshrl.u32 s6, $0x1;
	s5 =	sshrl.u32 s5, $0x2  }
0xa: {  	s12 =	sadd.s32 $0x4000, s11;
	s13 =	sadd.s32 $0x8000, s11;
	s14 =	sadd.s32 $0xC000, s11  }
0xb: {  	s16 =	sadd.s32 $0x10000, s11;
	s2 =	sor.u32 s18, s2;
	s15 =	ssub.s32 s6, s7  }
0xc: {  	s5 =	sadd.s32 s5, s1;
	s6 =	sadd.s32 s12, s1;
	s7 =	sadd.s32 s13, s1  }
0xd: {  	s8 =	sadd.s32 s14, s1;
	s9 =	sadd.s32 s16, s1;
	s11 =	sadd.s32 s11, s17  }
0xe: {  	s12 =	sadd.s32 s17, s12;
	s21 =	sadd.s32 s17, s13;
	s22 =	sadd.s32 s17, s14  }
0xf: {  	s23 =	sadd.s32 s17, s16;
	s2 =	smul.u32 $0x500, s2;
	s11 =	sshrl.u32 s11, $0x3  }
0x10: {  	s12 =	sshrl.u32 s12, $0x3;
	s13 =	sshrl.u32 s22, $0x3;
	s14 =	sshrl.u32 s23, $0x3  }
0x11: {  	s15 =	smax.u32 s15, $0x1;
	s22 =	simm.s32 $0x13C00;
	s23 =	simm.s32 $0x15000  }
0x12: {  	s11 =	sadd.s32 s0, s11;
	s20 =	sadd.s32 s0, s12;
	s12 =	sshrl.u32 s21, $0x3  }
0x13: {  	s25 =	sadd.s32 s0, s13;
	s14 =	sadd.s32 s0, s14;
	s16 =	sadd.s32 s10, s2  }
0x14: {  	s26 =	sadd.s32 $0x280, s2;
	s17 =	sadd.s32 s19, s2;
	[dreg:$0x3] =	wrdreg s11  }
0x15: {  	s21 =	simm.s32 $0x3;
	[dreg:$0x4] =	wrdreg s20;
	s24 =	sadd.s32 s0, s12  }
0x16: {  	[dreg:$0x6] =	wrdreg s25;
	s18 =	sadd.s32 s10, s26;
	s19 =	sadd.s32 s19, s26  }
0x17: {  	s20 =	simm.s32 $0x16400;
	s25 =	simm.s32 $0x1A400;
	s26 =	simm.s32 $0x1  }
0x18: {  	v0 =	vimm.f32 $0.0e+00;
	s0 =	simm.s32 $0x0;
	[dreg:$0x5] =	wrdreg s24;
	s24 =	simm.s32 $0x80  }
.LBB2_1:
0x19: {  	s2 =	simm.s32 $0x0;
	s10 =	simm.s32 $0x200  }
.LBB2_2:
0x1a: {  	p0 =	sne.s32 s10, $0xFE00;
	[tilespmem:s2+$0x16470] =	vst v0  }
0x1b: {  	[tilespmem:s2+$0x16400] =	vst v0  }
0x1c: {  	[tilespmem:s2+$0x16410] =	vst v0  }
.Ltmp0:
0x1d: {  	[tilespmem:s2+$0x16420] =	vst v0;
	(pc) =	sbr.rel @p0 .LBB2_2-.Ltmp0, $4  }
0x1e: {  	[tilespmem:s2+$0x16430] =	vst v0  }
0x1f: {  	[tilespmem:s2+$0x16440] =	vst v0  }
0x20: {  	[tilespmem:s2+$0x16450] =	vst v0  }
0x21: {  	[tilespmem:s2+$0x16460] =	vst v0;
	s2 =	sshra.s32 s10, $0x2;
	s10 =	sadd.s32 $0x200, s10  }
0x22: {  	[tilespmem:s2+$0x16470] =	vst v0  }
0x23: {  	[tilespmem:s2+$0x16400] =	vst v0  }
0x24: {  	[tilespmem:s2+$0x16410] =	vst v0  }
0x25: {  	[tilespmem:s2+$0x16420] =	vst v0  }
0x26: {  	[tilespmem:s2+$0x16430] =	vst v0  }
0x27: {  	[tilespmem:s2+$0x16440] =	vst v0  }
0x28: {  	[tilespmem:s2+$0x16450] =	vst v0  }
0x29: {  	[tilespmem:s2+$0x16460] =	vst v0  }
0x2a: {  	[spmem:s5] =	stream.linear.scatter [tilespmem:s20], [sflag:$0x3], $0x4000, $0x38;
	[tilespmem:$0x1E400] =	vst v63  }
0x2b: {  	_ =	swait.ge [sflag:s21], $0x4000  }
0x2c: {  	[sflag:s21] =	ssyncset.done $0x0  }
0x2d: {  	[sflag:s21] =	ssyncadd.s32 $0xFFFFC000  }
0x2e: {  	[spmem:s6] =	stream.linear.scatter [tilespmem:s20], [sflag:$0x3], $0x4000, $0x38;
	[tilespmem:$0x1E400] =	vst v63  }
0x2f: {  	_ =	swait.ge [sflag:s21], $0x4000  }
0x30: {  	[sflag:s21] =	ssyncset.done $0x0  }
0x31: {  	[sflag:s21] =	ssyncadd.s32 $0xFFFFC000  }
0x32: {  	[spmem:s7] =	stream.linear.scatter [tilespmem:s20], [sflag:$0x3], $0x4000, $0x38;
	[tilespmem:$0x1E400] =	vst v63  }
0x33: {  	_ =	swait.ge [sflag:s21], $0x4000  }
0x34: {  	[sflag:s21] =	ssyncset.done $0x0  }
0x35: {  	[sflag:s21] =	ssyncadd.s32 $0xFFFFC000  }
0x36: {  	[spmem:s8] =	stream.linear.scatter [tilespmem:s20], [sflag:$0x3], $0x4000, $0x38;
	[tilespmem:$0x1E400] =	vst v63  }
0x37: {  	_ =	swait.ge [sflag:s21], $0x4000  }
0x38: {  	[sflag:s21] =	ssyncset.done $0x0  }
0x39: {  	[sflag:s21] =	ssyncadd.s32 $0xFFFFC000  }
0x3a: {  	[spmem:s9] =	stream.linear.scatter [tilespmem:s20], [sflag:$0x3], $0x3C00, $0x38;
	[tilespmem:$0x1E400] =	vst v63  }
0x3b: {  	_ =	swait.ge [sflag:s21], $0x3C00  }
0x3c: {  	[sflag:s21] =	ssyncset.done $0x0  }
0x3d: {  	[sflag:s21] =	ssyncadd.s32 $0xFFFFC400  }
0x3e: {  	s13 =	simm.s32 $0x0;
	[bflag:$0x0] =	sbarrier.arrive $0xFFFF  }
0x3f: {  	[tilespmem:s22], [sflag:$0x3] =	stream.linear.gather [hbm4b:s16+s13], $0x1400, $0x38;
	[tilespmem:$0x1E400] =	vst v63  }
0x40: {  	_ =	swait.ge [sflag:s21], $0x1400  }
0x41: {  	[sflag:s21] =	ssyncset.done $0x0  }
0x42: {  	[sflag:s21] =	ssyncadd.s32 $0xFFFFEC00  }
0x43: {  	[tilespmem:s23], [sflag:$0x3] =	stream.linear.gather [hbm4b:s17+s13], $0x1400, $0x38;
	[tilespmem:$0x1E400] =	vst v63  }
0x44: {  	_ =	swait.ge [sflag:s21], $0x1400  }
0x45: {  	[sflag:s21] =	ssyncset.done $0x0  }
0x46: {  	[sflag:s21] =	ssyncadd.s32 $0xFFFFEC00  }
0x47: {  	[tilespmem:s20], [sflag:$0x1] =	stream.indirect.gather [hbm4b:s4+s24], $0x80, s22, s24, $0xb8;
	[tilespmem:$0x1E400] =	vst v63  }
0x48: {  	s10 =	simm.s32 $0x13C80  }
0x49: {  	[tilespmem:s25], [sflag:$0x2] =	stream.indirect.gather [hbm4b:s4+s24], $0x80, s10, s24, $0xb8;
	[tilespmem:$0x1E400] =	vst v63  }
0x4a: {  	_ =	swait.ge [sflag:s26], $0x4000  }
0x4b: {  	[sflag:s26] =	ssyncset.done $0x0  }
0x4c: {  	s11 =	simm.s32 $0x15000;
	[sflag:s26] =	ssyncadd.s32 $0xFFFFC000  }
0x4d: {  	[spmem:s1] =	stream.indirect.scatter.add.f32 [tilespmem:s20], [sflag:$0x3], $0x80, s11, s24, $0xb8;
	[tilespmem:$0x1E400] =	vst v63  }
0x4e: {  	_ =	swait.ge [sflag:s21], $0x4000  }
0x4f: {  	[sflag:s21] =	ssyncset.done $0x0  }
0x50: {  	s12 =	simm.s32 $0x13D00;
	[sflag:s21] =	ssyncadd.s32 $0xFFFFC000  }
0x51: {  	[tilespmem:s20], [sflag:$0x1] =	stream.indirect.gather [hbm4b:s4+s24], $0x80, s12, s24, $0xb8;
	[tilespmem:$0x1E400] =	vst v63  }
0x52: {  	_ =	swait.ge [sflag:s28], $0x4000  }
0x53: {  	[sflag:s28] =	ssyncset.done $0x0  }
0x54: {  	s13 =	simm.s32 $0x15080;
	[sflag:s28] =	ssyncadd.s32 $0xFFFFC000  }
0x55: {  	[spmem:s1] =	stream.indirect.scatter.add.f32 [tilespmem:s25], [sflag:$0x3], $0x80, s13, s24, $0xb8;
	[tilespmem:$0x1E400] =	vst v63  }
0x56: {  	_ =	swait.ge [sflag:s21], $0x4000  }
0x57: {  	s2 =	simm.s32 $0x100;
	s10 =	simm.s32 $0x800;
	[sflag:s21] =	ssyncset.done $0x0  }
.LBB2_4:
0x58: {  	s11 =	sadd.s32 $0x13C80, s2  }
0x59: {  	[sflag:s21] =	ssyncadd.s32 $0xFFFFC000;
	s12 =	smov.u32 s10;
	s13 =	sadd.s32 $0x400, s10  }
0x5a: {  	[tilespmem:s25], [sflag:$0x2] =	stream.indirect.gather [hbm4b:s4+s24], $0x80, s11, s24, $0xb8;
	[tilespmem:$0x1E400] =	vst v63  }
0x5b: {  	p0 =	sne.s32 s10, $0x4800;
	_ =	swait.ge [sflag:s26], $0x4000  }
0x5c: {  	[sflag:s26] =	ssyncset.done $0x0  }
0x5d: {  	s10 =	sadd.s32 $0x15000, s2;
	[sflag:s26] =	ssyncadd.s32 $0xFFFFC000  }
0x5e: {  	[spmem:s1] =	stream.indirect.scatter.add.f32 [tilespmem:s20], [sflag:$0x3], $0x80, s10, s24, $0xb8;
	[tilespmem:$0x1E400] =	vst v63  }
0x5f: {  	_ =	swait.ge [sflag:s21], $0x4000  }
0x60: {  	[sflag:s21] =	ssyncset.done $0x0  }
0x61: {  	s10 =	sadd.s32 $0x13D00, s2;
	[sflag:s21] =	ssyncadd.s32 $0xFFFFC000  }
0x62: {  	[tilespmem:s20], [sflag:$0x1] =	stream.indirect.gather [hbm4b:s4+s24], $0x80, s10, s24, $0xb8;
	[tilespmem:$0x1E400] =	vst v63  }
0x63: {  	_ =	swait.ge [sflag:s28], $0x4000  }
.Ltmp1:
0x64: {  	[sflag:s28] =	ssyncset.done $0x0;
	(pc) =	sbr.rel @p0 .LBB2_4-.Ltmp1, $4  }
0x65: {  	s2 =	sadd.s32 $0x15080, s2;
	[sflag:s28] =	ssyncadd.s32 $0xFFFFC000  }
0x66: {  	[spmem:s1] =	stream.indirect.scatter.add.f32 [tilespmem:s25], [sflag:$0x3], $0x80, s2, s24, $0xb8;
	[tilespmem:$0x1E400] =	vst v63  }
0x67: {  	_ =	swait.ge [sflag:s21], $0x4000  }
0x68: {  	s10 =	smov.u32 s13;
	s2 =	sshra.s32 s12, $0x2;
	[sflag:s21] =	ssyncset.done $0x0  }
0x69: {  	s10 =	sadd.s32 $0x13C80, s2;
	[sflag:s21] =	ssyncadd.s32 $0xFFFFC000  }
0x6a: {  	[tilespmem:s25], [sflag:$0x2] =	stream.indirect.gather [hbm4b:s4+s24], $0x80, s10, s24, $0xb8;
	[tilespmem:$0x1E400] =	vst v63  }
0x6b: {  	_ =	swait.ge [sflag:s26], $0x4000  }
0x6c: {  	[sflag:s26] =	ssyncset.done $0x0  }
0x6d: {  	s13 =	sadd.s32 $0x15000, s2;
	[sflag:s26] =	ssyncadd.s32 $0xFFFFC000  }
0x6e: {  	[spmem:s1] =	stream.indirect.scatter.add.f32 [tilespmem:s20], [sflag:$0x3], $0x80, s13, s24, $0xb8;
	[tilespmem:$0x1E400] =	vst v63  }
0x6f: {  	_ =	swait.ge [sflag:s21], $0x4000  }
0x70: {  	[sflag:s21] =	ssyncset.done $0x0  }
0x71: {  	s11 =	sadd.s32 $0x13D00, s2;
	[sflag:s21] =	ssyncadd.s32 $0xFFFFC000  }
0x72: {  	[tilespmem:s20], [sflag:$0x1] =	stream.indirect.gather [hbm4b:s4+s24], $0x80, s11, s24, $0xb8;
	[tilespmem:$0x1E400] =	vst v63  }
0x73: {  	_ =	swait.ge [sflag:s28], $0x4000  }
0x74: {  	[sflag:s28] =	ssyncset.done $0x0  }
0x75: {  	s12 =	sadd.s32 $0x15080, s2;
	[sflag:s28] =	ssyncadd.s32 $0xFFFFC000  }
0x76: {  	[spmem:s1] =	stream.indirect.scatter.add.f32 [tilespmem:s25], [sflag:$0x3], $0x80, s12, s24, $0xb8;
	[tilespmem:$0x1E400] =	vst v63  }
0x77: {  	_ =	swait.ge [sflag:s21], $0x4000  }
0x78: {  	[sflag:s21] =	ssyncset.done $0x0  }
0x79: {  	[sflag:s21] =	ssyncadd.s32 $0xFFFFC000  }
0x7a: {  	[tilespmem:s25], [sflag:$0x2] =	stream.indirect.gather [hbm4b:s4+s24], $0x80, s29, s24, $0xb8;
	[tilespmem:$0x1E400] =	vst v63  }
0x7b: {  	_ =	swait.ge [sflag:s26], $0x4000  }
0x7c: {  	[sflag:s26] =	ssyncset.done $0x0  }
0x7d: {  	[sflag:s26] =	ssyncadd.s32 $0xFFFFC000  }
0x7e: {  	[spmem:s1] =	stream.indirect.scatter.add.f32 [tilespmem:s20], [sflag:$0x3], $0x80, s30, s24, $0xb8;
	[tilespmem:$0x1E400] =	vst v63  }
0x7f: {  	_ =	swait.ge [sflag:s21], $0x4000  }
0x80: {  	[sflag:s21] =	ssyncset.done $0x0  }
0x81: {  	[sflag:s21] =	ssyncadd.s32 $0xFFFFC000  }
0x82: {  	_ =	swait.ge [sflag:s28], $0x4000  }
0x83: {  	[sflag:s28] =	ssyncset.done $0x0  }
0x84: {  	[sflag:s28] =	ssyncadd.s32 $0xFFFFC000  }
0x85: {  	[spmem:s1] =	stream.indirect.scatter.add.f32 [tilespmem:s25], [sflag:$0x3], $0x80, s31, s24, $0xb8;
	[tilespmem:$0x1E400] =	vst v63  }
0x86: {  	_ =	swait.ge [sflag:s21], $0x4000  }
0x87: {  	[sflag:s21] =	ssyncset.done $0x0  }
0x88: {  	s13 =	simm.s32 $0x0;
	[sflag:s21] =	ssyncadd.s32 $0xFFFFC000  }
0x89: {  	[tilespmem:s22], [sflag:$0x3] =	stream.linear.gather [hbm4b:s18+s13], $0x1400, $0x38;
	[tilespmem:$0x1E400] =	vst v63  }
0x8a: {  	_ =	swait.ge [sflag:s21], $0x1400  }
0x8b: {  	[sflag:s21] =	ssyncset.done $0x0  }
0x8c: {  	[sflag:s21] =	ssyncadd.s32 $0xFFFFEC00  }
0x8d: {  	[tilespmem:s23], [sflag:$0x3] =	stream.linear.gather [hbm4b:s19+s13], $0x1400, $0x38;
	[tilespmem:$0x1E400] =	vst v63  }
0x8e: {  	_ =	swait.ge [sflag:s21], $0x1400  }
0x8f: {  	[sflag:s21] =	ssyncset.done $0x0  }
0x90: {  	[sflag:s21] =	ssyncadd.s32 $0xFFFFEC00  }
0x91: {  	[tilespmem:s20], [sflag:$0x1] =	stream.indirect.gather [hbm4b:s4+s24], $0x80, s22, s24, $0xb8;
	[tilespmem:$0x1E400] =	vst v63  }
0x92: {  	s10 =	simm.s32 $0x13C80  }
0x93: {  	[tilespmem:s25], [sflag:$0x2] =	stream.indirect.gather [hbm4b:s4+s24], $0x80, s10, s24, $0xb8;
	[tilespmem:$0x1E400] =	vst v63  }
0x94: {  	_ =	swait.ge [sflag:s26], $0x4000  }
0x95: {  	[sflag:s26] =	ssyncset.done $0x0  }
0x96: {  	s11 =	simm.s32 $0x15000;
	[sflag:s26] =	ssyncadd.s32 $0xFFFFC000  }
0x97: {  	[spmem:s1] =	stream.indirect.scatter.add.f32 [tilespmem:s20], [sflag:$0x3], $0x80, s11, s24, $0xb8;
	[tilespmem:$0x1E400] =	vst v63  }
0x98: {  	_ =	swait.ge [sflag:s21], $0x4000  }
0x99: {  	[sflag:s21] =	ssyncset.done $0x0  }
0x9a: {  	s12 =	simm.s32 $0x13D00;
	[sflag:s21] =	ssyncadd.s32 $0xFFFFC000  }
0x9b: {  	[tilespmem:s20], [sflag:$0x1] =	stream.indirect.gather [hbm4b:s4+s24], $0x80, s12, s24, $0xb8;
	[tilespmem:$0x1E400] =	vst v63  }
0x9c: {  	_ =	swait.ge [sflag:s28], $0x4000  }
0x9d: {  	[sflag:s28] =	ssyncset.done $0x0  }
0x9e: {  	s13 =	simm.s32 $0x15080;
	[sflag:s28] =	ssyncadd.s32 $0xFFFFC000  }
0x9f: {  	[spmem:s1] =	stream.indirect.scatter.add.f32 [tilespmem:s25], [sflag:$0x3], $0x80, s13, s24, $0xb8;
	[tilespmem:$0x1E400] =	vst v63  }
0xa0: {  	_ =	swait.ge [sflag:s21], $0x4000  }
0xa1: {  	s2 =	simm.s32 $0x100;
	s10 =	simm.s32 $0x800;
	[sflag:s21] =	ssyncset.done $0x0  }
.LBB2_6:
0xa2: {  	s11 =	sadd.s32 $0x13C80, s2  }
0xa3: {  	[sflag:s21] =	ssyncadd.s32 $0xFFFFC000;
	s12 =	smov.u32 s10;
	s13 =	sadd.s32 $0x400, s10  }
0xa4: {  	[tilespmem:s25], [sflag:$0x2] =	stream.indirect.gather [hbm4b:s4+s24], $0x80, s11, s24, $0xb8;
	[tilespmem:$0x1E400] =	vst v63  }
0xa5: {  	p0 =	sne.s32 s10, $0x4800;
	_ =	swait.ge [sflag:s26], $0x4000  }
0xa6: {  	[sflag:s26] =	ssyncset.done $0x0  }
0xa7: {  	s10 =	sadd.s32 $0x15000, s2;
	[sflag:s26] =	ssyncadd.s32 $0xFFFFC000  }
0xa8: {  	[spmem:s1] =	stream.indirect.scatter.add.f32 [tilespmem:s20], [sflag:$0x3], $0x80, s10, s24, $0xb8;
	[tilespmem:$0x1E400] =	vst v63  }
0xa9: {  	_ =	swait.ge [sflag:s21], $0x4000  }
0xaa: {  	[sflag:s21] =	ssyncset.done $0x0  }
0xab: {  	s10 =	sadd.s32 $0x13D00, s2;
	[sflag:s21] =	ssyncadd.s32 $0xFFFFC000  }
0xac: {  	[tilespmem:s20], [sflag:$0x1] =	stream.indirect.gather [hbm4b:s4+s24], $0x80, s10, s24, $0xb8;
	[tilespmem:$0x1E400] =	vst v63  }
0xad: {  	_ =	swait.ge [sflag:s28], $0x4000  }
.Ltmp2:
0xae: {  	[sflag:s28] =	ssyncset.done $0x0;
	(pc) =	sbr.rel @p0 .LBB2_6-.Ltmp2, $4  }
0xaf: {  	s2 =	sadd.s32 $0x15080, s2;
	[sflag:s28] =	ssyncadd.s32 $0xFFFFC000  }
0xb0: {  	[spmem:s1] =	stream.indirect.scatter.add.f32 [tilespmem:s25], [sflag:$0x3], $0x80, s2, s24, $0xb8;
	[tilespmem:$0x1E400] =	vst v63  }
0xb1: {  	_ =	swait.ge [sflag:s21], $0x4000  }
0xb2: {  	s10 =	smov.u32 s13;
	s2 =	sshra.s32 s12, $0x2;
	[sflag:s21] =	ssyncset.done $0x0  }
0xb3: {  	s10 =	sadd.s32 $0x13C80, s2;
	[sflag:s21] =	ssyncadd.s32 $0xFFFFC000  }
0xb4: {  	[tilespmem:s25], [sflag:$0x2] =	stream.indirect.gather [hbm4b:s4+s24], $0x80, s10, s24, $0xb8;
	[tilespmem:$0x1E400] =	vst v63  }
0xb5: {  	_ =	swait.ge [sflag:s26], $0x4000  }
0xb6: {  	[sflag:s26] =	ssyncset.done $0x0  }
0xb7: {  	s11 =	sadd.s32 $0x15000, s2;
	[sflag:s26] =	ssyncadd.s32 $0xFFFFC000  }
0xb8: {  	[spmem:s1] =	stream.indirect.scatter.add.f32 [tilespmem:s20], [sflag:$0x3], $0x80, s11, s24, $0xb8;
	[tilespmem:$0x1E400] =	vst v63  }
0xb9: {  	_ =	swait.ge [sflag:s21], $0x4000  }
0xba: {  	[sflag:s21] =	ssyncset.done $0x0  }
0xbb: {  	s12 =	sadd.s32 $0x13D00, s2;
	[sflag:s21] =	ssyncadd.s32 $0xFFFFC000  }
0xbc: {  	[tilespmem:s20], [sflag:$0x1] =	stream.indirect.gather [hbm4b:s4+s24], $0x80, s12, s24, $0xb8;
	[tilespmem:$0x1E400] =	vst v63  }
0xbd: {  	_ =	swait.ge [sflag:s28], $0x4000  }
0xbe: {  	[sflag:s28] =	ssyncset.done $0x0  }
0xbf: {  	s13 =	sadd.s32 $0x15080, s2;
	[sflag:s28] =	ssyncadd.s32 $0xFFFFC000  }
0xc0: {  	[spmem:s1] =	stream.indirect.scatter.add.f32 [tilespmem:s25], [sflag:$0x3], $0x80, s13, s24, $0xb8;
	[tilespmem:$0x1E400] =	vst v63  }
0xc1: {  	_ =	swait.ge [sflag:s21], $0x4000  }
0xc2: {  	[sflag:s21] =	ssyncset.done $0x0  }
0xc3: {  	[sflag:s21] =	ssyncadd.s32 $0xFFFFC000  }
0xc4: {  	[tilespmem:s25], [sflag:$0x2] =	stream.indirect.gather [hbm4b:s4+s24], $0x80, s29, s24, $0xb8;
	[tilespmem:$0x1E400] =	vst v63  }
0xc5: {  	_ =	swait.ge [sflag:s26], $0x4000  }
0xc6: {  	[sflag:s26] =	ssyncset.done $0x0  }
0xc7: {  	[sflag:s26] =	ssyncadd.s32 $0xFFFFC000  }
0xc8: {  	[spmem:s1] =	stream.indirect.scatter.add.f32 [tilespmem:s20], [sflag:$0x3], $0x80, s30, s24, $0xb8;
	[tilespmem:$0x1E400] =	vst v63  }
0xc9: {  	_ =	swait.ge [sflag:s21], $0x4000  }
0xca: {  	[sflag:s21] =	ssyncset.done $0x0  }
0xcb: {  	[sflag:s21] =	ssyncadd.s32 $0xFFFFC000  }
0xcc: {  	_ =	swait.ge [sflag:s28], $0x4000  }
0xcd: {  	[sflag:s28] =	ssyncset.done $0x0  }
0xce: {  	[sflag:s28] =	ssyncadd.s32 $0xFFFFC000  }
0xcf: {  	[spmem:s1] =	stream.indirect.scatter.add.f32 [tilespmem:s25], [sflag:$0x3], $0x80, s31, s24, $0xb8;
	[tilespmem:$0x1E400] =	vst v63  }
0xd0: {  	_ =	swait.ge [sflag:s21], $0x4000  }
0xd1: {  	[sflag:s21] =	ssyncset.done $0x0  }
0xd2: {  	[sflag:s21] =	ssyncadd.s32 $0xFFFFC000  }
0xd3: {  	[bflag:$0x0] =	sbarrier.arrive $0xFFFF  }
0xd4: {  	[tilespmem:s20], [sflag:$0x3] =	stream.linear.gather [spmem:s5], $0x4000, $0x38;
	[tilespmem:$0x1E400] =	vst v63  }
0xd5: {  	_ =	swait.ge [sflag:s21], $0x4000  }
0xd6: {  	[sflag:s21] =	ssyncset.done $0x0  }
0xd7: {  	s10 =	rddreg [dreg:$0x3];
	[sflag:s21] =	ssyncadd.s32 $0xFFFFC000  }
0xd8: {  	[hbm4b:s10+s3] =	stream.linear.scatter [tilespmem:s20], [sflag:$0x3], $0x4000, $0x38;
	[tilespmem:$0x1E400] =	vst v63  }
0xd9: {  	_ =	swait.ge [sflag:s21], $0x4000  }
0xda: {  	[sflag:s21] =	ssyncset.done $0x0  }
0xdb: {  	[sflag:s21] =	ssyncadd.s32 $0xFFFFC000  }
0xdc: {  	[tilespmem:s20], [sflag:$0x3] =	stream.linear.gather [spmem:s6], $0x4000, $0x38;
	[tilespmem:$0x1E400] =	vst v63  }
0xdd: {  	_ =	swait.ge [sflag:s21], $0x4000  }
0xde: {  	[sflag:s21] =	ssyncset.done $0x0  }
0xdf: {  	s11 =	rddreg [dreg:$0x4];
	[sflag:s21] =	ssyncadd.s32 $0xFFFFC000  }
0xe0: {  	[hbm4b:s11+s3] =	stream.linear.scatter [tilespmem:s20], [sflag:$0x3], $0x4000, $0x38;
	[tilespmem:$0x1E400] =	vst v63  }
0xe1: {  	_ =	swait.ge [sflag:s21], $0x4000  }
0xe2: {  	[sflag:s21] =	ssyncset.done $0x0  }
0xe3: {  	[sflag:s21] =	ssyncadd.s32 $0xFFFFC000  }
0xe4: {  	[tilespmem:s20], [sflag:$0x3] =	stream.linear.gather [spmem:s7], $0x4000, $0x38;
	[tilespmem:$0x1E400] =	vst v63  }
0xe5: {  	_ =	swait.ge [sflag:s21], $0x4000  }
0xe6: {  	[sflag:s21] =	ssyncset.done $0x0  }
0xe7: {  	s12 =	rddreg [dreg:$0x5];
	[sflag:s21] =	ssyncadd.s32 $0xFFFFC000  }
0xe8: {  	[hbm4b:s12+s3] =	stream.linear.scatter [tilespmem:s20], [sflag:$0x3], $0x4000, $0x38;
	[tilespmem:$0x1E400] =	vst v63  }
0xe9: {  	_ =	swait.ge [sflag:s21], $0x4000  }
0xea: {  	[sflag:s21] =	ssyncset.done $0x0  }
0xeb: {  	[sflag:s21] =	ssyncadd.s32 $0xFFFFC000  }
0xec: {  	[tilespmem:s20], [sflag:$0x3] =	stream.linear.gather [spmem:s8], $0x4000, $0x38;
	[tilespmem:$0x1E400] =	vst v63  }
0xed: {  	_ =	swait.ge [sflag:s21], $0x4000  }
0xee: {  	[sflag:s21] =	ssyncset.done $0x0  }
0xef: {  	s13 =	rddreg [dreg:$0x6];
	[sflag:s21] =	ssyncadd.s32 $0xFFFFC000  }
0xf0: {  	[hbm4b:s13+s3] =	stream.linear.scatter [tilespmem:s20], [sflag:$0x3], $0x4000, $0x38;
	[tilespmem:$0x1E400] =	vst v63  }
0xf1: {  	_ =	swait.ge [sflag:s21], $0x4000  }
0xf2: {  	[sflag:s21] =	ssyncset.done $0x0  }
0xf3: {  	[sflag:s21] =	ssyncadd.s32 $0xFFFFC000  }
0xf4: {  	[tilespmem:s20], [sflag:$0x3] =	stream.linear.gather [spmem:s9], $0x3C00, $0x38;
	[tilespmem:$0x1E400] =	vst v63  }
0xf5: {  	s0 =	sadd.s32 $0x1, s0;
	_ =	swait.ge [sflag:s21], $0x3C00  }
0xf6: {  	p0 =	sne.s32 s0, s15;
	[sflag:s21] =	ssyncset.done $0x0  }
.Ltmp3:
0xf7: {  	[sflag:s21] =	ssyncadd.s32 $0xFFFFC400;
	(pc) =	sbr.rel @p0 .LBB2_1-.Ltmp3, $4  }
0xf8: {  	[hbm4b:s14+s3] =	stream.linear.scatter [tilespmem:s20], [sflag:$0x3], $0x3C00, $0x38;
	[tilespmem:$0x1E400] =	vst v63  }
0xf9: {  	_ =	swait.ge [sflag:s21], $0x3C00  }
0xfa: {  	[sflag:s21] =	ssyncset.done $0x0  }
0xfb: {  	[sflag:s21] =	ssyncadd.s32 $0xFFFFC400  }
0xfc: {  	_ =	sfence.sel $0x180000  }
0xfd: {  	[bflag:$0x0] =	sbarrier.arrive $0xFFFF  }
0xfe: {  	_ =	strace $0x9000004D  }
0xff: {  	s0 =	stileid.u32;
	[bflag:$0x2] =	sbarrier.arrive $0xFFFF  }
0x100: {  	p0 =	sne.s32 s0, $0x0;
	s0 =	rddreg [dreg:$0x2]  }
0x101: {  	s0 =	sadd.s32 @!p0 $0x100000, s0  }
0x102: {  	[sflag:s0] =	ssyncadd.tile.s32 @!p0 $0x1;
	_ =	shalt  }
.Lfunc_end2:
_tile_overlayer_lowered:
.L_overlay_start_2:
0x103: {  	(tag) =	ssettag $0x2  }
0x104: {  	s0 =	rddreg [dreg:$0x0];
	s2 =	stileid.u32  }
0x105: {  	s1 =	rddreg [dreg:$0x1];
	p0 =	sne.s32 s2, $0x0  }
0x106: {  	s3 =	rddreg [dreg:$0x2];
	[bflag:$0x3] =	sbarrier.arrive $0xFFFF;
	s2 =	simm.s32 @!p0 $0x1C03  }
0x107: {  	[timem:s3], [sflag:s2] =	dma.local @!p0 [hbm:s0], s1  }
0x108: {  	s0 =	simm.s32 @!p0 $0x3  }
0x109: {  	_ =	swait.ge @!p0 [sflag:s0], s1  }
0x10a: {  	s1 =	ssub.s32 @!p0 $0x0, s1;
	[sflag:s0] =	ssyncset.done @!p0 $0x0  }
0x10b: {  	[sflag:s0] =	ssyncadd.s32 @!p0 s1  }
0x10c: {  	[bflag:$0x3] =	sbarrier.arrive $0xFFFF  }
0x10d: {  	_ =	shalt  }

// kernel: kernel.19.cloned.1.call-start
scs
__scs_entry_jumppad:
0x0: {  	(pc) =	sbr.rel $0x88, $3  }
0x1: {  	(tag) =	ssettag $0x0;
	lr =	simm.s32 $0x1  }
0x2: {  	[smem:$0x3F91] =	sst lr;
	_ =	strace $0xD0000000  }
0x3: {  	_ = 	snop  }
0x4: {  	_ = 	snop  }
0x5: {  	_ = 	snop  }
0x6: {  	_ = 	snop  }
0x7: {  	_ = 	snop  }
__scs_overlays_trampoline_lowered:
0x8: {  	[smem:$0x3FA0] =	sst s0  }
0x9: {  	[smem:$0x3FA1] =	sst s1  }
0xa: {  	[smem:$0x3FA2] =	sst s2  }
0xb: {  	[smem:$0x3FA3] =	sst s3  }
0xc: {  	[smem:$0x3FA4] =	sst s4  }
0xd: {  	[smem:$0x3FA5] =	sst s5  }
0xe: {  	[smem:$0x3FA6] =	sst s6  }
0xf: {  	[smem:$0x3FA7] =	sst s7  }
0x10: {  	[smem:$0x3FA8] =	sst s8  }
0x11: {  	[smem:$0x3FA9] =	sst s9;
	s0 =	simm.s32 @!p0 $0x0  }
0x12: {  	s1 =	sld [smem:$0x3F8F];
	s0 =	simm.s32 @p0 $0x1  }
0x13: {  	[smem:$0x3FAA] =	sst s0;
	s0 =	simm.s32 @!p1 $0x0  }
0x14: {  	s2 =	sld [smem:$0x3F8E];
	s0 =	simm.s32 @p1 $0x1  }
0x15: {  	[smem:$0x3FAB] =	sst s0;
	s0 =	simm.s32 @!p2 $0x0  }
0x16: {  	s3 =	sld [smem:$0x3FDB];
	s0 =	simm.s32 @p2 $0x1  }
0x17: {  	s4 =	simm.s32 $0x1BF5;
	[smem:$0x3FAD] =	sst s0  }
0x18: {  	s0 =	sld [smem:$0x3F90];
	_ =	swait.ge [sflag:s4], $0x0  }
0x19: {  	s7 =	sld [smem:$0x3F91]  }
0x1a: {  	s8 =	sadd.s32 $0xFFFFE003, lr  }
0x1b: {  	s9 =	sadd.s32 $0xFFFFFEF7, lr;
	s5 =	simm.s32 $0xFFFFFFFF;
	p2 =	slt.u32 s8, $0xFFFFF086  }
0x1c: {  	p1 =	slt.u32 s9, $0xF7A;
	s5 =	simm.s32 @!p2 $0x0  }
0x1d: {  	s5 =	simm.s32 @p1 $0x1;
	p0 =	seq.s32 s7, s2  }
0x1e: {  	s7 =	smul.u32 @!p0 $0xF7A, s2;
	p2 =	seq.s32 @!p0 s5, $0x0  }
0x1f: {  	s9 =	smul.u32 $0xF7A, s1;
	s8 =	simm.s32 @!p0 $0x1BF5;
	p2 =	por !p2, p0  }
0x20: {  	[sflag:s8] =	ssyncset.s32 @!p0 $0xFFFFF086;
	s6 =	sadd.s32 @!p0 s3, s7;
	s7 =	simm.s32 @!p0 $0x108  }
0x21: {  	s3 =	sadd.s32 s3, s9;
	s6 =	sadd.s32 @!p0 $0x88, s6;
	s7 =	simm.s32 @p2 $0x1082  }
0x22: {  	[simem:s7], [sflag:s8] =	dma.local @!p0 [hbm:s6], $0xF7A  }
0x23: {  	s9 =	sor.u32 $0xD0000000, s2;
	s6 =	simm.s32 $0x108;
	_ =	swait.ge @!p0 [sflag:s8], $0x0  }
0x24: {  	s3 =	sadd.s32 $0x88, s3;
	s6 =	simm.s32 @!p1 $0x1082;
	[sflag:s4] =	ssyncset.s32 $0xFFFFF086  }
0x25: {  	[simem:s6], [sflag:s4] =	dma.local [hbm:s3], $0xF7A  }
0x26: {  	[smem:$0x3F91] =	sst s1;
	(tag) =	ssettag s2;
	_ =	strace s9  }
0x27: {  	s1 =	sld [smem:$0x3FA1]  }
0x28: {  	s2 =	sld [smem:$0x3FA2]  }
0x29: {  	s4 =	sld [smem:$0x3FA4]  }
0x2a: {  	p0 =	seq.s32 s5, $0x0;
	s5 =	sld [smem:$0x3FA5]  }
0x2b: {  	s6 =	sld [smem:$0x3FA6]  }
0x2c: {  	s7 =	sld [smem:$0x3FA7]  }
0x2d: {  	s3 =	simm.s32 $0x108;
	s8 =	sld [smem:$0x3FA8]  }
0x2e: {  	s3 =	simm.s32 @!p0 $0x1082;
	s9 =	sld [smem:$0x3FA9]  }
0x2f: {  	lr =	sadd.s32 s0, s3;
	s0 =	sld [smem:$0x3FA0]  }
0x30: {  	s3 =	sld [smem:$0x3FA3]  }
0x31: {  	[smem:$0x3FAC] =	sst s10  }
0x32: {  	s10 =	sld [smem:$0x3FAA];
	_ =	sdelay $0x3  }
0x33: {  	p0 =	seq.s32 s10, $0x1;
	s10 =	sld [smem:$0x3FAC];
	_ =	sdelay $0x3  }
0x34: {  	[smem:$0x3FAC] =	sst s10  }
0x35: {  	s10 =	sld [smem:$0x3FAB];
	_ =	sdelay $0x3  }
0x36: {  	p1 =	seq.s32 s10, $0x1;
	s10 =	sld [smem:$0x3FAC];
	_ =	sdelay $0x3  }
0x37: {  	[smem:$0x3FAC] =	sst s10  }
0x38: {  	s10 =	sld [smem:$0x3FAD]  }
0x39: {  	_ = 	snop;
	(pc) =	sbr.ind lr, $3  }
0x3a: {  	_ = 	snop  }
0x3b: {  	_ = 	snop  }
0x3c: {  	p2 =	seq.s32 s10, $0x1;
	s10 =	sld [smem:$0x3FAC]  }
0x3d: {  	_ =	shalt  }
0x3e: {  	_ =	shalt  }
0x3f: {  	_ =	shalt  }
0x40: {  	_ =	shalt  }
0x41: {  	_ =	shalt  }
0x42: {  	_ =	shalt  }
0x43: {  	_ =	shalt  }
0x44: {  	_ =	shalt  }
0x45: {  	_ =	shalt  }
0x46: {  	_ =	shalt  }
0x47: {  	_ =	shalt  }
0x48: {  	_ =	shalt  }
0x49: {  	_ =	shalt  }
0x4a: {  	_ =	shalt  }
0x4b: {  	_ =	shalt  }
0x4c: {  	_ =	shalt  }
0x4d: {  	_ =	shalt  }
0x4e: {  	_ =	shalt  }
0x4f: {  	_ =	shalt  }
0x50: {  	_ =	shalt  }
0x51: {  	_ =	shalt  }
0x52: {  	_ =	shalt  }
0x53: {  	_ =	shalt  }
0x54: {  	_ =	shalt  }
0x55: {  	_ =	shalt  }
0x56: {  	_ =	shalt  }
0x57: {  	_ =	shalt  }
0x58: {  	_ =	shalt  }
0x59: {  	_ =	shalt  }
0x5a: {  	_ =	shalt  }
0x5b: {  	_ =	shalt  }
0x5c: {  	_ =	shalt  }
0x5d: {  	_ =	shalt  }
0x5e: {  	_ =	shalt  }
0x5f: {  	_ =	shalt  }
0x60: {  	_ =	shalt  }
0x61: {  	_ =	shalt  }
0x62: {  	_ =	shalt  }
0x63: {  	_ =	shalt  }
0x64: {  	_ =	shalt  }
0x65: {  	_ =	shalt  }
0x66: {  	_ =	shalt  }
0x67: {  	_ =	shalt  }
0x68: {  	_ =	shalt  }
0x69: {  	_ =	shalt  }
0x6a: {  	_ =	shalt  }
0x6b: {  	_ =	shalt  }
0x6c: {  	_ =	shalt  }
0x6d: {  	_ =	shalt  }
0x6e: {  	_ =	shalt  }
0x6f: {  	_ =	shalt  }
0x70: {  	_ =	shalt  }
0x71: {  	_ =	shalt  }
0x72: {  	_ =	shalt  }
0x73: {  	_ =	shalt  }
0x74: {  	_ =	shalt  }
0x75: {  	_ =	shalt  }
0x76: {  	_ =	shalt  }
0x77: {  	_ =	shalt  }
0x78: {  	_ =	shalt  }
0x79: {  	_ =	shalt  }
0x7a: {  	_ =	shalt  }
0x7b: {  	_ =	shalt  }
0x7c: {  	_ =	shalt  }
0x7d: {  	_ =	shalt  }
0x7e: {  	_ =	shalt  }
0x7f: {  	_ =	shalt  }
0x80: {  	_ =	shalt  }
0x81: {  	_ =	shalt  }
0x82: {  	_ =	shalt  }
0x83: {  	_ =	shalt  }
0x84: {  	_ =	shalt  }
0x85: {  	_ =	shalt  }
0x86: {  	_ =	shalt  }
0x87: {  	_ =	shalt  }
.Lfunc_end0:
.L_simem_size_0:
called_computation.3_lowered:
.L_overlay_start_0:
0x88: {  	s2 =	sld [smem:$0x3FD9]  }
0x89: {  	s3 =	sld [smem:$0x3FFE];
	_ =	sdelay $0x1  }
0x8a: {  	s1 =	srdreg.scid  }
0x8b: {  	s0 =	sand.u32 $0x1, s1  }
0x8c: {  	s14 =	sshll.u32 s0, $0xA;
	s2 =	sadd.s32 s3, s2  }
0x8d: {  	s2 =	sadd.s32 s2, s14  }
0x8e: {  	[smem:$0x3FB8] =	sst s2  }
0x8f: {  	_ = 	snop  }
0x90: {  	s2 =	sld [smem:$0x3FD0];
	_ =	sdelay $0x2  }
0x91: {  	s4 =	simm.s32 $0xB;
	s5 =	simm.s32 $0x10;
	s15 =	sld [smem:$0x3FC7]  }
0x92: {  	[smem:s5], [sflag:s4] =	dma.local [hbm:s2], $0x1  }
0x93: {  	_ =	swait.eq [sflag:s4], $0x1  }
0x94: {  	[sflag:s4] =	ssyncset.done $0x0  }
0x95: {  	s16 =	sld [smem:$0x11];
	[sflag:s4] =	ssyncadd.s32 $0xFFFFFFFF  }
0x96: {  	s17 =	sld [smem:$0x12];
	(tm) =	ssettm $0x1  }
0x97: {  	s18 =	sld [smem:$0x3FFB];
	_ =	sdelay $0x3  }
0x98: {  	_ =	strace s18  }
0x99: {  	s5 =	sld [smem:$0x3FFC];
	_ =	sdelay $0x3  }
0x9a: {  	_ =	strace s5  }
0x9b: {  	s5 =	sld [smem:$0x3FFD];
	_ =	sdelay $0x3  }
0x9c: {  	_ =	strace s5  }
0x9d: {  	_ =	strace $0x8FFFFFFF  }
0x9e: {  	s19 =	sld [smem:$0x3FDB];
	_ =	sdelay $0x1  }
0x9f: {  	s6 =	simm.s32 $_scs_section_size  }
0xa0: {  	s7 =	simm.s32 $_size__tile_overlayer_lowered;
	s8 =	simm.s32 $_tile_overlayer_lowered  }
0xa1: {  	s22 =	simm.s32 $0x1BFF;
	s21 =	sshll.u32 s8, $0x1;
	s5 =	sadd.s32 s6, s19  }
0xa2: {  	s9 =	simm.s32 $0x0;
	s20 =	sshll.u32 s7, $0x1;
	s7 =	sadd.s32 s21, s5  }
0xa3: {  	[timem:s9], [sflag:s22] =	dma.local [hbm:s7], s20  }
0xa4: {  	_ =	swait.ge [sflag:s22], s20  }
0xa5: {  	s6 =	ssub.s32 $0x0, s20;
	[sflag:s22] =	ssyncset.done $0x0  }
0xa6: {  	[sflag:s22] =	ssyncadd.s32 s6;
	_ =	sdelay $0x1  }
0xa7: {  	s23 =	simm.s32 $0x1B8B  }
0xa8: {  	_ =	swait.ge [sflag:s23], $0x1  }
0xa9: {  	[sflag:s23] =	ssyncset.done $0x0  }
0xaa: {  	s25 =	simm.s32 $0x1B8E;
	s24 =	sld [smem:$0x3FFE];
	[sflag:s23] =	ssyncadd.s32 $0xFFFFFFFF  }
0xab: {  	s26 =	simm.s32 $execute0_lowered;
	[smem:$0x3FD2] =	sst s25  }
0xac: {  	s7 =	sshll.u32 s26, $0x1;
	_ =	strace $0x8000004F;
	[dreg:$0x1] =	wrdreg $0xFFFFFFFF  }
0xad: {  	s28 =	simm.s32 $_size_execute0_lowered;
	s5 =	sadd.s32 s5, s7;
	[dreg:$0x0] =	wrdreg $0x0  }
0xae: {  	s7 =	sshll.u32 s28, $0x1;
	[dreg:$0x2] =	wrdreg s5  }
0xaf: {  	[dreg:$0x3] =	wrdreg s7  }
0xb0: {  	[dreg:$0x4] =	wrdreg $0xC0  }
0xb1: {  	_ =	task [dreg:s9], $0x5FFFF  }
0xb2: {  	[dreg:$0x1] =	wrdreg $0xFFFFFFFF  }
0xb3: {  	[dreg:$0x0] =	wrdreg $0x60  }
0xb4: {  	[dreg:$0x2] =	wrdreg s24  }
0xb5: {  	[dreg:$0x3] =	wrdreg s15  }
0xb6: {  	[dreg:$0x4] =	wrdreg s17  }
0xb7: {  	[dreg:$0x5] =	wrdreg s16  }
0xb8: {  	[dreg:$0x6] =	wrdreg $0x9  }
0xb9: {  	_ =	task.clear_ibuf [dreg:s9], $0x7FFFF;
	_ =	strace $0x9000004F  }
0xba: {  	s29 =	simm.s32 $0x9;
	_ =	strace $0x80000051  }
0xbb: {  	_ =	swait.ge [sflag:s29], $0x1  }
0xbc: {  	[sflag:s29] =	ssyncadd.s32 $0xFFFFFFFF  }
0xbd: {  	_ =	strace $0x90000051  }
0xbe: {  	_ =	sfence  }
0xbf: {  	s30 =	sld [smem:$0x0];
	_ =	sdelay $0x2  }
0xc0: {  	s31 =	sshll.u32 s1, $0xD;
	s1 =	sshrl.u32 s1, $0x2  }
0xc1: {  	s3 =	sand.u32 $0x4000, s31;
	s1 =	sadd.s32 s1, s30  }
0xc2: {  	s0 =	sor.u32 s3, s0;
	s1 =	sshll.u32 s1, $0x11  }
0xc3: {  	s0 =	sor.u32 s1, s0  }
0xc4: {  	s0 =	sadd.s32 $0x8F2B, s0  }
0xc5: {  	[sflag:s0] =	ssyncadd.remote.s32 $0x1  }
0xc6: {  	_ =	sfence.sel $0xFFFF  }
0xc7: {  	[dreg:$0x0] =	wrdreg $0xFFFFFFFF;
	(pc) =	sbr.abs _section_cstart, $3  }
0xc8: {  	[dreg:$0x1] =	wrdreg $0xFFFFFFFF  }
0xc9: {  	_ =	task.clear_ibuf [dreg:s9], $0x2FFFF;
	_ =	strace $0x9FFFFFFF  }
0xca: {  	(tm) =	ssettm $0x7FFFFFFF  }
0xcb: {  	_ =	shalt  }
tec
execute0_lowered:
.L_overlay_start_1:
0x0: {  	(tag) =	ssettag $0x1  }
0x1: {  	s6 =	rddreg [dreg:$0x0]  }
0x2: {  	s1 =	rddreg [dreg:$0x1]  }
0x3: {  	s11 =	rddreg [dreg:$0x2]  }
0x4: {  	s12 =	rddreg [dreg:$0x3]  }
0x5: {  	s0 =	rddreg [dreg:$0x4];
	s3 =	simm.s32 $0x0  }
0x6: {  	s5 =	srdreg.scid;
	s2 =	stileid.u32;
	s9 =	simm.s32 $0x1000  }
0x7: {  	s10 =	simm.s32 $0x1;
	[smem:$0x7FF] =	sst s3;
	s4 =	sadd.s32 $0x8E200, s6  }
0x8: {  	s13 =	sand.u32 $0x1, s5;
	s5 =	simm.s32 $0x2;
	_ =	strace $0x80000050  }
0x9: {  	[tilespmem:s3], [sflag:$0x2] =	stream.linear.gather [hbm4b:s4+s3], $0x1000, $0x38;
	[tilespmem:$0x2000] =	vst v63  }
0xa: {  	s7 =	sshll.u32 s2, $0xA;
	s8 =	sshll.u32 s13, $0x9;
	_ =	swait.ge [sflag:s5], $0x1000  }
0xb: {  	s6 =	sadd.s32 $0x4000, s6;
	s14 =	sor.u32 s8, s7;
	[sflag:s5] =	ssyncset.done $0x0  }
0xc: {  	s8 =	simm.s32 $0x20;
	s7 =	sshrl.u32 s14, $0x2;
	[sflag:s5] =	ssyncadd.s32 $0xFFFFF000  }
0xd: {  	[tilespmem:s9], [sflag:$0x1] =	stream.indirect.gather [hbm4b:s6+s8], $0x80, s7, s8, $0xb8;
	[tilespmem:$0x2000] =	vst v63  }
0xe: {  	_ =	swait.ge [sflag:s10], $0x1000  }
0xf: {  	[sflag:s10] =	ssyncset.done $0x0  }
0x10: {  	s13 =	ssub.s32 $0x2, s13;
	s11 =	sadd.s32 s11, s14;
	[sflag:s10] =	ssyncadd.s32 $0xFFFFF000  }
0x11: {  	[hbm4b:s11+s3] =	stream.linear.scatter [tilespmem:s9], [sflag:$0x2], $0x1000, $0x38;
	[tilespmem:$0x2000] =	vst v63  }
0x12: {  	s15 =	sshrl.u32 s13, $0x1;
	_ =	swait.ge [sflag:s5], $0x1000  }
0x13: {  	s13 =	ssub.s32 s13, s15;
	[sflag:s5] =	ssyncset.done $0x0  }
0x14: {  	s13 =	smax.u32 s13, $0x1;
	[sflag:s5] =	ssyncadd.s32 $0xFFFFF000  }
0x15: {  	[tilespmem:s9], [sflag:$0x1] =	stream.indirect.gather [hbm4b:s1+s8], $0x80, s7, s8, $0xb8;
	[tilespmem:$0x2000] =	vst v63  }
0x16: {  	p0 =	sne.s32 s13, $0x1;
	_ =	swait.ge [sflag:s10], $0x1000  }
.Ltmp0:
0x17: {  	[sflag:s10] =	ssyncset.done $0x0;
	(pc) =	sbr.rel @!p0 .LBB2_2-.Ltmp0, $4  }
0x18: {  	s12 =	sadd.s32 s12, s14;
	[sflag:s10] =	ssyncadd.s32 $0xFFFFF000  }
0x19: {  	[hbm4b:s12+s3] =	stream.linear.scatter [tilespmem:s9], [sflag:$0x2], $0x1000, $0x38;
	[tilespmem:$0x2000] =	vst v63  }
0x1a: {  	_ =	swait.ge [sflag:s5], $0x1000  }
0x1b: {  	s13 =	sadd.s32 $0xFFFFFFFF, s13;
	[sflag:s5] =	ssyncset.done $0x0  }
.LBB2_1:
0x1c: {  	p0 =	sne.s32 s13, $0x1;
	s13 =	sadd.s32 $0xFFFFFFFF, s13;
	[sflag:s5] =	ssyncadd.s32 $0xFFFFF000  }
0x1d: {  	[tilespmem:s3], [sflag:$0x2] =	stream.linear.gather [hbm4b:s4+s3], $0x1000, $0x38;
	[tilespmem:$0x2000] =	vst v63  }
0x1e: {  	_ =	swait.ge [sflag:s5], $0x1000  }
0x1f: {  	[sflag:s5] =	ssyncset.done $0x0  }
0x20: {  	[sflag:s5] =	ssyncadd.s32 $0xFFFFF000  }
0x21: {  	[tilespmem:s9], [sflag:$0x1] =	stream.indirect.gather [hbm4b:s6+s8], $0x80, s7, s8, $0xb8;
	[tilespmem:$0x2000] =	vst v63  }
0x22: {  	_ =	swait.ge [sflag:s10], $0x1000  }
0x23: {  	[sflag:s10] =	ssyncset.done $0x0  }
0x24: {  	[sflag:s10] =	ssyncadd.s32 $0xFFFFF000  }
0x25: {  	[hbm4b:s11+s3] =	stream.linear.scatter [tilespmem:s9], [sflag:$0x2], $0x1000, $0x38;
	[tilespmem:$0x2000] =	vst v63  }
0x26: {  	_ =	swait.ge [sflag:s5], $0x1000  }
0x27: {  	[sflag:s5] =	ssyncset.done $0x0  }
0x28: {  	[sflag:s5] =	ssyncadd.s32 $0xFFFFF000  }
0x29: {  	[tilespmem:s9], [sflag:$0x1] =	stream.indirect.gather [hbm4b:s1+s8], $0x80, s7, s8, $0xb8;
	[tilespmem:$0x2000] =	vst v63  }
0x2a: {  	_ =	swait.ge [sflag:s10], $0x1000  }
.Ltmp1:
0x2b: {  	[sflag:s10] =	ssyncset.done $0x0;
	(pc) =	sbr.rel @p0 .LBB2_1-.Ltmp1, $4  }
0x2c: {  	[sflag:s10] =	ssyncadd.s32 $0xFFFFF000  }
0x2d: {  	[hbm4b:s12+s3] =	stream.linear.scatter [tilespmem:s9], [sflag:$0x2], $0x1000, $0x38;
	[tilespmem:$0x2000] =	vst v63  }
0x2e: {  	_ =	swait.ge [sflag:s5], $0x1000  }
0x2f: {  	[sflag:s5] =	ssyncset.done $0x0  }
.LBB2_2:
0x30: {  	[sflag:s5] =	ssyncadd.s32 $0xFFFFF000  }
0x31: {  	_ =	sfence.sel $0x180000  }
0x32: {  	[bflag:$0x0] =	sbarrier.arrive $0xFFFF  }
0x33: {  	p0 =	sne.s32 s2, $0x0;
	_ =	strace $0x90000050  }
0x34: {  	s0 =	sadd.s32 @!p0 $0x100000, s0;
	[bflag:$0x2] =	sbarrier.arrive $0xFFFF  }
0x35: {  	[sflag:s0] =	ssyncadd.tile.s32 @!p0 $0x1;
	_ =	shalt  }
.Lfunc_end2:
_tile_overlayer_lowered:
.L_overlay_start_2:
0x36: {  	(tag) =	ssettag $0x2  }
0x37: {  	s0 =	rddreg [dreg:$0x0];
	s2 =	stileid.u32  }
0x38: {  	s1 =	rddreg [dreg:$0x1];
	p0 =	sne.s32 s2, $0x0  }
0x39: {  	s3 =	rddreg [dreg:$0x2];
	[bflag:$0x3] =	sbarrier.arrive $0xFFFF;
	s2 =	simm.s32 @!p0 $0x1C02  }
0x3a: {  	[timem:s3], [sflag:s2] =	dma.local @!p0 [hbm:s0], s1  }
0x3b: {  	s0 =	simm.s32 @!p0 $0x2  }
0x3c: {  	_ =	swait.ge @!p0 [sflag:s0], s1  }
0x3d: {  	s1 =	ssub.s32 @!p0 $0x0, s1;
	[sflag:s0] =	ssyncset.done @!p0 $0x0  }
0x3e: {  	[sflag:s0] =	ssyncadd.s32 @!p0 s1  }
0x3f: {  	[bflag:$0x3] =	sbarrier.arrive $0xFFFF  }
0x40: {  	_ =	shalt  }

</sc_bundles>
